<compile_context>
chip_gen: v7x
topology: tpu7x:2x2x1
jax: 0.10.2.dev20260603
libtpu: 0.0.44.dev20260713+nightly
codegen_flags: <defaults>
</compile_context>

<pallas_src>
import functools
import math

import jax
import jax.numpy as jnp
from jax import lax
from jax.experimental import pallas as pl
from jax.experimental.pallas import tpu as pltpu
from jax.experimental.pallas import tpu_sc as plsc

_NC, _NS = 2, 16
_NW = _NC * _NS


def _leaky(x):
    return jnp.where(x >= 0, x, 0.1 * x)


def _emb_body(fb_ref, we_ref, be_ref, bg_ref, msg_ref, bgt_ref):
    x = jnp.dot(fb_ref[...], we_ref[...], preferred_element_type=jnp.float32)
    msg_ref[...] = _leaky(x + be_ref[...])
    bgt_ref[...] = bg_ref[...].T


def _make_gather(total, d, chunk, dtype, seg_out=None, seg_idx=None, base=0):
    if seg_out is None:
        seg_out, seg_idx = total, total
    per_w = total // _NW
    n_it = per_w // chunk
    assert per_w * _NW == total and n_it * chunk == per_w and n_it >= 2
    assert seg_out % chunk == 0 and base % 8 == 0 and seg_idx % 8 == 0
    mesh = plsc.VectorSubcoreMesh(core_axis_name="c", subcore_axis_name="s",
                                  num_cores=_NC, num_subcores=_NS)

    @functools.partial(
        pl.kernel, mesh=mesh,
        out_type=jax.ShapeDtypeStruct((total, d), dtype),
        scratch_types=[pltpu.VMEM((chunk,), jnp.int32),
                       pltpu.VMEM((chunk,), jnp.int32),
                       pltpu.VMEM((chunk, d), dtype),
                       pltpu.VMEM((chunk, d), dtype),
                       pltpu.SemaphoreType.DMA,
                       pltpu.SemaphoreType.DMA,
                       pltpu.SemaphoreType.DMA,
                       pltpu.SemaphoreType.DMA],
    )
    def gather(tbl_hbm, idx_hbm, out_hbm, i0, i1, r0, r1, g0, g1, w0, w1):
        wid = lax.axis_index("s") * _NC + lax.axis_index("c")
        wbase = wid * per_w
        idxs, rows, gs, ws = (i0, i1), (r0, r1), (g0, g1), (w0, w1)
        def idx_off(off):
            j = off // seg_out
            return j * seg_idx + base + (off - j * seg_out)

        for b in range(2):
            pltpu.sync_copy(
                idx_hbm.at[pl.ds(idx_off(wbase + b * chunk), chunk)], idxs[b])
            pltpu.async_copy(tbl_hbm.at[idxs[b]], rows[b], gs[b])

        def body(i, carry):
            for b in range(2):
                cur = 2 * i + b

                @pl.when(cur < n_it)
                def _():
                    off = wbase + cur * chunk
                    pltpu.make_async_copy(tbl_hbm.at[idxs[b]], rows[b],
                                          gs[b]).wait()
                    pltpu.async_copy(rows[b], out_hbm.at[pl.ds(off, chunk)],
                                     ws[b])

                    @pl.when(cur + 2 < n_it)
                    def _():
                        nxt = idx_off(wbase + (cur + 2) * chunk)
                        pltpu.sync_copy(idx_hbm.at[pl.ds(nxt, chunk)],
                                        idxs[b])
                        pltpu.make_async_copy(
                            rows[b], out_hbm.at[pl.ds(off, chunk)],
                            ws[b]).wait()
                        pltpu.async_copy(tbl_hbm.at[idxs[b]], rows[b], gs[b])

                    @pl.when(cur + 2 >= n_it)
                    def _():
                        pltpu.make_async_copy(
                            rows[b], out_hbm.at[pl.ds(off, chunk)],
                            ws[b]).wait()
            return carry

        lax.fori_loop(0, (n_it + 1) // 2, body, 0)

    return gather


def _att_body(*refs, nei, h, kd):
    msg_ref = refs[0]
    nrefs = refs[1:1 + nei]
    bg_ref = refs[1 + nei]
    wq_ref, wk_ref, wv_ref, wrep_ref = refs[2 + nei:6 + nei]
    out_ref = refs[-1]
    m = msg_ref[...]
    fb_in = jnp.where(m >= 0, m, 10.0 * m)
    q = jnp.dot(m.astype(jnp.bfloat16), wq_ref[...],
                preferred_element_type=jnp.float32)
    cols = lax.broadcasted_iota(jnp.int32, (h * kd, h), 0) // kd
    hh = lax.broadcasted_iota(jnp.int32, (h * kd, h), 1)
    s_mat = (cols == hh).astype(jnp.float32)
    s_t = (lax.broadcasted_iota(jnp.int32, (h, h * kd), 1) // kd
           == lax.broadcasted_iota(jnp.int32, (h, h * kd), 0)).astype(jnp.float32)
    bg = bg_ref[...]
    inv_sqrt = 1.0 / math.sqrt(kd)
    es, vs = [], []
    ssum = None
    for j in range(nei):
        nb = nrefs[j][...].astype(jnp.bfloat16)
        kj = jnp.dot(nb, wk_ref[...], preferred_element_type=jnp.float32)
        vj = jnp.dot(nb, wv_ref[...], preferred_element_type=jnp.float32)
        lj = jnp.dot(q * kj, s_mat, preferred_element_type=jnp.float32)
        mj = (bg[:, j:j + 1] != 0).astype(jnp.float32)
        ej = jnp.exp(lj * inv_sqrt) * mj
        ssum = ej if ssum is None else ssum + ej
        es.append(ej)
        vs.append(vj)
    inv = 1.0 / jnp.maximum(ssum, 1e-30)
    wsum = None
    for j in range(nei):
        aj = jnp.dot(es[j] * inv, s_t, preferred_element_type=jnp.float32)
        term = vs[j] * aj
        wsum = term if wsum is None else wsum + term
    nm = jnp.dot(wsum, wrep_ref[...], preferred_element_type=jnp.float32)
    out_ref[...] = _leaky(fb_in + nm)


def _out_body(*refs, nei):
    fat_ref = refs[0]
    garefs = refs[1:1 + nei]
    wa_ref, wn_ref, bl_ref = refs[1 + nei:4 + nei]
    out_ref = refs[-1]
    na = garefs[0][...]
    for j in range(1, nei):
        na = na + garefs[j][...]
    x = jnp.dot(fat_ref[...], wa_ref[...], preferred_element_type=jnp.float32)
    x = x + jnp.dot(na, wn_ref[...], preferred_element_type=jnp.float32)
    out_ref[...] = _leaky(x + bl_ref[...])


def kernel(fatoms, fbonds, agraph, bgraph, lig_scope,
           W_emb, b_emb, W_Q, W_K, W_V, W_out, W_last, b_last):
    del lig_scope
    e, fb_dim = fbonds.shape
    n, fa_dim = fatoms.shape
    nei = bgraph.shape[1]
    d = W_emb.shape[1]
    kd = W_out.shape[0]
    h = W_Q.shape[1] // kd
    bgraph = bgraph.astype(jnp.int32)
    agraph = agraph.astype(jnp.int32)

    b1 = 3200
    message, bgt = pl.pallas_call(
        _emb_body,
        grid=(e // b1,),
        in_specs=[pl.BlockSpec((b1, fb_dim), lambda i: (i, 0)),
                  pl.BlockSpec((fb_dim, d), lambda i: (0, 0)),
                  pl.BlockSpec((1, d), lambda i: (0, 0)),
                  pl.BlockSpec((b1, nei), lambda i: (i, 0))],
        out_specs=[pl.BlockSpec((b1, d), lambda i: (i, 0)),
                   pl.BlockSpec((nei, b1), lambda i: (0, i))],
        out_shape=[jax.ShapeDtypeStruct((e, d), jnp.float32),
                   jax.ShapeDtypeStruct((nei, e), jnp.int32)],
        compiler_params=pltpu.CompilerParams(dimension_semantics=("parallel",)),
    )(fbonds, W_emb, b_emb.reshape(1, d), bgraph)

    b2 = 1600
    wrep = jnp.tile(W_out, (h, 1)) / h
    att = functools.partial(_att_body, nei=nei, h=h, kd=kd)
    wqb = W_Q.astype(jnp.bfloat16)
    wkb = W_K.astype(jnp.bfloat16)
    wvb = W_V.astype(jnp.bfloat16)
    he = e // 2
    idx_full = bgt.reshape(-1)
    nei_halves = [
        _make_gather(he * nei, d, 200, jnp.float32,
                     seg_out=he, seg_idx=e, base=k * he)(message, idx_full)
        for k in range(2)]
    nblk = he // b2

    def att_half(k, nei_rows, alias):
        nei_specs = [pl.BlockSpec((b2, d),
                                  functools.partial(
                                      lambda j, i: (j * nblk + i, 0), j))
                     for j in range(nei)]
        extra_in, extra_arg, aliases = [], [], {}
        if alias is not None:
            extra_in = [pl.BlockSpec(memory_space=pl.ANY)]
            extra_arg = [alias]
            aliases = {6 + nei: 0}
        return pl.pallas_call(
            att,
            grid=(nblk,),
            in_specs=[pl.BlockSpec((b2, d), lambda i: (k * nblk + i, 0))]
                     + nei_specs
                     + [pl.BlockSpec((b2, nei), lambda i: (k * nblk + i, 0)),
                        pl.BlockSpec((d, h * kd), lambda i: (0, 0)),
                        pl.BlockSpec((d, h * kd), lambda i: (0, 0)),
                        pl.BlockSpec((d, h * kd), lambda i: (0, 0)),
                        pl.BlockSpec((h * kd, d), lambda i: (0, 0))]
                     + extra_in,
            out_specs=pl.BlockSpec((b2, d), lambda i: (k * nblk + i, 0)),
            out_shape=jax.ShapeDtypeStruct((e, d), jnp.float32),
            input_output_aliases=aliases,
            compiler_params=pltpu.CompilerParams(
                dimension_semantics=("parallel",)),
        )(message, *([nei_rows] * nei), bgraph, wqb, wkb, wvb, wrep,
          *extra_arg)

    m2_half = att_half(0, nei_halves[0], None)
    message2 = att_half(1, nei_halves[1], m2_half)

    n_pad = 10240
    agt = jnp.zeros((nei, n_pad), jnp.int32).at[:, :n].set(agraph.T)
    gathered = _make_gather(n_pad * nei, d, 192, jnp.float32)(
        message2, agt.reshape(-1))

    b3 = 1024
    npb = n_pad // b3
    fat_pad = jnp.concatenate(
        [fatoms, jnp.zeros((n_pad - n, fa_dim), fatoms.dtype)])
    ga_specs = [pl.BlockSpec((b3, d),
                             functools.partial(lambda j, i: (j * npb + i, 0), j))
                for j in range(nei)]
    out = pl.pallas_call(
        functools.partial(_out_body, nei=nei),
        grid=(npb,),
        in_specs=[pl.BlockSpec((b3, fa_dim), lambda i: (i, 0))]
                 + ga_specs
                 + [pl.BlockSpec((fa_dim, d), lambda i: (0, 0)),
                    pl.BlockSpec((d, d), lambda i: (0, 0)),
                    pl.BlockSpec((1, d), lambda i: (0, 0))],
        out_specs=pl.BlockSpec((b3, d), lambda i: (i, 0)),
        out_shape=jax.ShapeDtypeStruct((n_pad, d), jnp.float32),
        compiler_params=pltpu.CompilerParams(dimension_semantics=("parallel",)),
    )(fat_pad, *([gathered] * nei), W_last[:fa_dim],
      W_last[fa_dim:], b_last.reshape(1, d))
    return out[:n]

# --- scband reference (transcript-rebuilt; emitter-appended) ---
"""Pipeline reference for scband-ligand-gat-28656021799364 (READ-ONLY COPY).

The authoritative reference and input builder live on the scoring server;
editing this copy changes nothing except your own understanding.
"""

import jax, jax.numpy as jnp
import numpy as np
import math

N = 10000
E = 160000
NEI = 6
D = 128
H = 4
KD = 32
VD = 32
UPDATE_ITERS = 2


def setup_inputs(seed: int = 0) -> dict:
    key = jax.random.key(seed)
    ks = jax.random.split(key, 16)
    fatoms = jax.random.normal(ks[0], (N, 31), dtype=jnp.float32)
    fbonds = jax.random.normal(ks[1], (E, 37), dtype=jnp.float32)
    agraph = jax.random.randint(ks[2], (N, NEI), 0, E, dtype=jnp.int64 if jax.config.jax_enable_x64 else jnp.int32)
    bgraph = jax.random.randint(ks[3], (E, NEI), 0, E, dtype=jnp.int64 if jax.config.jax_enable_x64 else jnp.int32)
    lig_scope = jax.random.randint(ks[4], (64, 2), 0, N, dtype=jnp.int64 if jax.config.jax_enable_x64 else jnp.int32)
    W_emb = jax.random.normal(ks[5], (37, D), dtype=jnp.float32) * 0.05
    b_emb = jnp.zeros((D,), dtype=jnp.float32)
    W_Q = jax.random.normal(ks[6], (D, H * KD), dtype=jnp.float32) * 0.05
    W_K = jax.random.normal(ks[7], (D, H * KD), dtype=jnp.float32) * 0.05
    W_V = jax.random.normal(ks[8], (D, H * VD), dtype=jnp.float32) * 0.05
    W_out = jax.random.normal(ks[9], (VD, D), dtype=jnp.float32) * 0.05
    W_last = jax.random.normal(ks[10], (31 + D, D), dtype=jnp.float32) * 0.05
    b_last = jnp.zeros((D,), dtype=jnp.float32)
    return {
        "fatoms": fatoms, "fbonds": fbonds, "agraph": agraph, "bgraph": bgraph,
        "lig_scope": lig_scope,
        "W_emb": W_emb, "b_emb": b_emb, "W_Q": W_Q, "W_K": W_K, "W_V": W_V,
        "W_out": W_out, "W_last": W_last, "b_last": b_last,
    }


def _leaky(x):
    return jnp.where(x >= 0, x, 0.1 * x)


def reference(fatoms, fbonds, agraph, bgraph, lig_scope,
              W_emb, b_emb, W_Q, W_K, W_V, W_out, W_last, b_last):
    bonds = fbonds.shape[0]
    nei = bgraph.shape[1]
    fbonds_input = fbonds @ W_emb + b_emb
    message = _leaky(fbonds_input)
    nei_mask = jnp.where(bgraph != 0, 0.0, -10000000.0).astype(jnp.float32).reshape(bonds, 1, 1, nei)
    for _ in range(UPDATE_ITERS - 1):
        nei_message = jnp.take(message, bgraph, axis=0)  # [E, nei, D] gather
        q = message @ W_Q                                 # [E, H*KD]
        k = nei_message @ W_K                             # [E, nei, H*KD]
        v = nei_message @ W_V                             # [E, nei, H*VD]
        q = q.reshape(bonds, 1, H, KD).transpose(0, 2, 1, 3)        # [E,H,1,KD]
        k = k.reshape(bonds, nei, H, KD).transpose(0, 2, 3, 1)      # [E,H,KD,nei]
        v = v.reshape(bonds, nei, H, VD).transpose(0, 2, 1, 3)      # [E,H,nei,VD]
        att = jnp.matmul(q, k) / math.sqrt(KD) + nei_mask           # [E,H,1,nei]
        att = jax.nn.softmax(att, axis=-1)
        nm = jnp.matmul(att, v).transpose(0, 2, 1, 3)               # [E,1,H,VD]
        nm = (jnp.mean(nm, axis=2) @ W_out).reshape(bonds, -1)      # [E,D]
        message = _leaky(fbonds_input + nm)
    nei_message = jnp.sum(jnp.take(message, agraph, axis=0), axis=1)  # [N,D] gather+reduce
    out = _leaky(jnp.concatenate([fatoms, nei_message], axis=-1) @ W_last + b_last)
    return out

if __name__ == "__main__":
    import jax
    _d = setup_inputs()
    print(jax.jit(kernel)(*tuple(_d.values())))

</pallas_src>

<mosaic_0001>
#map = affine_map<(d0, d1) -> (0, 0)>
#map1 = affine_map<(d0, d1) -> (0)>
module attributes {stable_mosaic.version = 14 : i64} {
  func.func @gather(%arg0: i32, %arg1: i32, %arg2: memref<160000x128xf32, #tpu.memory_space<hbm>>, %arg3: memref<61440xi32, #tpu.memory_space<hbm>>, %arg4: memref<61440x128xf32, #tpu.memory_space<hbm>>, %arg5: memref<192xi32, #tpu.memory_space<vmem>>, %arg6: memref<192xi32, #tpu.memory_space<vmem>>, %arg7: memref<192x128xf32, #tpu.memory_space<vmem>>, %arg8: memref<192x128xf32, #tpu.memory_space<vmem>>, %arg9: memref<!tpu.dma_semaphore, #tpu.memory_space<semaphore_mem>>, %arg10: memref<!tpu.dma_semaphore, #tpu.memory_space<semaphore_mem>>, %arg11: memref<!tpu.dma_semaphore, #tpu.memory_space<semaphore_mem>>, %arg12: memref<!tpu.dma_semaphore, #tpu.memory_space<semaphore_mem>>) attributes {dimension_semantics = [#tpu.dimension_semantics<core_parallel>, #tpu.dimension_semantics<subcore_parallel>], iteration_bounds = array<i64: 2, 16>, scalar_prefetch = 0 : i64, scratch_operands = 8 : i64, tpu.core_type = #tpu.core_type<sc_vector_subcore>, window_params = [{transform_indices = #map}, {transform_indices = #map1}, {transform_indices = #map}]} {
    %mul3A = arith.constant 2 : i32
    %mul3A_0 = arith.muli %arg1, %mul3A : i32
    %add3A = arith.addi %mul3A_0, %arg0 : i32
    %mul3A_1 = arith.constant 1920 : i32
    %mul3A_2 = arith.muli %add3A, %mul3A_1 : i32
    %add3A_3 = arith.constant 0 : i32
    %add3A_4 = arith.addi %mul3A_2, %add3A_3 : i32
    %jit3A = arith.constant 61440 : i32
    %div3A = arith.divsi %add3A_4, %jit3A : i32
    %sign3A = arith.constant 0 : i32
    %sign3A_5 = arith.cmpi sgt, %add3A_4, %sign3A : i32
    %sign3A_6 = arith.extui %sign3A_5 : i1 to i32
    %sign3A_7 = arith.constant 0 : i32
    %sign3A_8 = arith.cmpi slt, %add3A_4, %sign3A_7 : i32
    %sign3A_9 = arith.extui %sign3A_8 : i1 to i32
    %sign3A_10 = arith.subi %sign3A_6, %sign3A_9 : i32
    %sign3A_11 = arith.constant 0 : i32
    %sign3A_12 = arith.cmpi sgt, %jit3A, %sign3A_11 : i32
    %sign3A_13 = arith.extui %sign3A_12 : i1 to i32
    %sign3A_14 = arith.constant 0 : i32
    %sign3A_15 = arith.cmpi slt, %jit3A, %sign3A_14 : i32
    %sign3A_16 = arith.extui %sign3A_15 : i1 to i32
    %sign3A_17 = arith.subi %sign3A_13, %sign3A_16 : i32
    %ne3A = arith.cmpi ne, %sign3A_10, %sign3A_17 : i32
    %rem3A = arith.remsi %add3A_4, %jit3A : i32
    %ne3A_18 = arith.constant 0 : i32
    %ne3A_19 = arith.cmpi ne, %rem3A, %ne3A_18 : i32
    %and3A = arith.andi %ne3A, %ne3A_19 : i1
    %sub3A = arith.constant 1 : i32
    %sub3A_20 = arith.subi %div3A, %sub3A : i32
    %select_n3A = arith.select %and3A, %sub3A_20, %div3A : i32
    %mul3A_21 = arith.constant 61440 : i32
    %mul3A_22 = arith.muli %select_n3A, %mul3A_21 : i32
    %add3A_23 = arith.constant 0 : i32
    %add3A_24 = arith.addi %mul3A_22, %add3A_23 : i32
    %mul3A_25 = arith.constant 61440 : i32
    %mul3A_26 = arith.muli %select_n3A, %mul3A_25 : i32
    %sub3A_27 = arith.subi %add3A_4, %mul3A_26 : i32
    %add3A_28 = arith.addi %add3A_24, %sub3A_27 : i32
    "tpu.region"() ({
      %run_scoped3A = tpu.sem_alloc : memref<!tpu.dma_semaphore, #tpu.memory_space<semaphore_mem>>
      %dma_start3A_73 = tpu.memref_slice %arg3[%add3A_28] : memref<61440xi32, #tpu.memory_space<hbm>> -> memref<192xi32, #tpu.memory_space<hbm>>
      %dma_start3A_74 = tpu.memref_slice %arg3[%add3A_28] : memref<61440xi32, #tpu.memory_space<hbm>> -> memref<192xi32, #tpu.memory_space<hbm>>
      tpu.enqueue_dma source(%dma_start3A_74 : memref<192xi32, #tpu.memory_space<hbm>>) target(%arg5 : memref<192xi32, #tpu.memory_space<vmem>>) target_semaphore(%run_scoped3A : memref<!tpu.dma_semaphore, #tpu.memory_space<semaphore_mem>>)
      %dma_wait3A = tpu.memref_slice %arg3[%add3A_28] : memref<61440xi32, #tpu.memory_space<hbm>> -> memref<192xi32, #tpu.memory_space<hbm>>
      %dma_wait3A_75 = tpu.memref_slice %arg3[%add3A_28] : memref<61440xi32, #tpu.memory_space<hbm>> -> memref<192xi32, #tpu.memory_space<hbm>>
      tpu.wait_dma2 semaphore(%run_scoped3A : memref<!tpu.dma_semaphore, #tpu.memory_space<semaphore_mem>>) src(%dma_wait3A_75 : memref<192xi32, #tpu.memory_space<hbm>>) dst(%arg5 : memref<192xi32, #tpu.memory_space<vmem>>)
      tpu.yield
    }) : () -> ()
    %dma_start3A = arith.constant 0 : i32
    %dma_start3A_29 = arith.constant 0 : i32
    %dma_start3A_30 = tpu.memref_slice %arg2[%dma_start3A, %dma_start3A_29] : memref<160000x128xf32, #tpu.memory_space<hbm>> -> memref<160000x128xf32, #tpu.memory_space<hbm>>
    tpu.enqueue_indirect_dma source(%dma_start3A_30 : memref<160000x128xf32, #tpu.memory_space<hbm>>) target(%arg7 : memref<192x128xf32, #tpu.memory_space<vmem>>) offsets(%arg5 : memref<192xi32, #tpu.memory_space<vmem>>) semaphore(%arg9 : memref<!tpu.dma_semaphore, #tpu.memory_space<semaphore_mem>>)
    %add3A_31 = arith.constant 192 : i32
    %add3A_32 = arith.addi %mul3A_2, %add3A_31 : i32
    %jit3A_33 = arith.constant 61440 : i32
    %div3A_34 = arith.divsi %add3A_32, %jit3A_33 : i32
    %sign3A_35 = arith.constant 0 : i32
    %sign3A_36 = arith.cmpi sgt, %add3A_32, %sign3A_35 : i32
    %sign3A_37 = arith.extui %sign3A_36 : i1 to i32
    %sign3A_38 = arith.constant 0 : i32
    %sign3A_39 = arith.cmpi slt, %add3A_32, %sign3A_38 : i32
    %sign3A_40 = arith.extui %sign3A_39 : i1 to i32
    %sign3A_41 = arith.subi %sign3A_37, %sign3A_40 : i32
    %sign3A_42 = arith.constant 0 : i32
    %sign3A_43 = arith.cmpi sgt, %jit3A_33, %sign3A_42 : i32
    %sign3A_44 = arith.extui %sign3A_43 : i1 to i32
    %sign3A_45 = arith.constant 0 : i32
    %sign3A_46 = arith.cmpi slt, %jit3A_33, %sign3A_45 : i32
    %sign3A_47 = arith.extui %sign3A_46 : i1 to i32
    %sign3A_48 = arith.subi %sign3A_44, %sign3A_47 : i32
    %ne3A_49 = arith.cmpi ne, %sign3A_41, %sign3A_48 : i32
    %rem3A_50 = arith.remsi %add3A_32, %jit3A_33 : i32
    %ne3A_51 = arith.constant 0 : i32
    %ne3A_52 = arith.cmpi ne, %rem3A_50, %ne3A_51 : i32
    %and3A_53 = arith.andi %ne3A_49, %ne3A_52 : i1
    %sub3A_54 = arith.constant 1 : i32
    %sub3A_55 = arith.subi %div3A_34, %sub3A_54 : i32
    %select_n3A_56 = arith.select %and3A_53, %sub3A_55, %div3A_34 : i32
    %mul3A_57 = arith.constant 61440 : i32
    %mul3A_58 = arith.muli %select_n3A_56, %mul3A_57 : i32
    %add3A_59 = arith.constant 0 : i32
    %add3A_60 = arith.addi %mul3A_58, %add3A_59 : i32
    %mul3A_61 = arith.constant 61440 : i32
    %mul3A_62 = arith.muli %select_n3A_56, %mul3A_61 : i32
    %sub3A_63 = arith.subi %add3A_32, %mul3A_62 : i32
    %add3A_64 = arith.addi %add3A_60, %sub3A_63 : i32
    "tpu.region"() ({
      %run_scoped3A = tpu.sem_alloc : memref<!tpu.dma_semaphore, #tpu.memory_space<semaphore_mem>>
      %dma_start3A_73 = tpu.memref_slice %arg3[%add3A_64] : memref<61440xi32, #tpu.memory_space<hbm>> -> memref<192xi32, #tpu.memory_space<hbm>>
      %dma_start3A_74 = tpu.memref_slice %arg3[%add3A_64] : memref<61440xi32, #tpu.memory_space<hbm>> -> memref<192xi32, #tpu.memory_space<hbm>>
      tpu.enqueue_dma source(%dma_start3A_74 : memref<192xi32, #tpu.memory_space<hbm>>) target(%arg6 : memref<192xi32, #tpu.memory_space<vmem>>) target_semaphore(%run_scoped3A : memref<!tpu.dma_semaphore, #tpu.memory_space<semaphore_mem>>)
      %dma_wait3A = tpu.memref_slice %arg3[%add3A_64] : memref<61440xi32, #tpu.memory_space<hbm>> -> memref<192xi32, #tpu.memory_space<hbm>>
      %dma_wait3A_75 = tpu.memref_slice %arg3[%add3A_64] : memref<61440xi32, #tpu.memory_space<hbm>> -> memref<192xi32, #tpu.memory_space<hbm>>
      tpu.wait_dma2 semaphore(%run_scoped3A : memref<!tpu.dma_semaphore, #tpu.memory_space<semaphore_mem>>) src(%dma_wait3A_75 : memref<192xi32, #tpu.memory_space<hbm>>) dst(%arg6 : memref<192xi32, #tpu.memory_space<vmem>>)
      tpu.yield
    }) : () -> ()
    %dma_start3A_65 = arith.constant 0 : i32
    %dma_start3A_66 = arith.constant 0 : i32
    %dma_start3A_67 = tpu.memref_slice %arg2[%dma_start3A_65, %dma_start3A_66] : memref<160000x128xf32, #tpu.memory_space<hbm>> -> memref<160000x128xf32, #tpu.memory_space<hbm>>
    tpu.enqueue_indirect_dma source(%dma_start3A_67 : memref<160000x128xf32, #tpu.memory_space<hbm>>) target(%arg8 : memref<192x128xf32, #tpu.memory_space<vmem>>) offsets(%arg6 : memref<192xi32, #tpu.memory_space<vmem>>) semaphore(%arg10 : memref<!tpu.dma_semaphore, #tpu.memory_space<semaphore_mem>>)
    %scan3A = arith.constant 0 : i32
    %scan3A_68 = arith.constant 0 : i32
    %scan3A_69 = arith.constant 5 : i32
    %scan3A_70 = arith.addi %scan3A_68, %scan3A_69 : i32
    %scan3A_71 = arith.constant 1 : i32
    scf.for %scan3A_73 = %scan3A_68 to %scan3A_70 step %scan3A_71  : i32 {
      %mul3A_74 = arith.constant 2 : i32
      %mul3A_75 = arith.muli %mul3A_74, %scan3A_73 : i32
      %add3A_76 = arith.constant 0 : i32
      %add3A_77 = arith.addi %mul3A_75, %add3A_76 : i32
      %lt3A = arith.constant 10 : i32
      %lt3A_78 = arith.cmpi slt, %add3A_77, %lt3A : i32
      %convert_element_type3A = arith.extui %lt3A_78 : i1 to i32
      %cond3A = arith.constant 0 : i32
      %cond3A_79 = arith.cmpi ne, %convert_element_type3A, %cond3A : i32
      scf.if %cond3A_79 {
        %mul3A_89 = arith.constant 192 : i32
        %mul3A_90 = arith.muli %add3A_77, %mul3A_89 : i32
        %add3A_91 = arith.addi %mul3A_2, %mul3A_90 : i32
        %dma_wait3A = arith.constant 0 : i32
        %dma_wait3A_92 = arith.constant 0 : i32
        %dma_wait3A_93 = tpu.memref_slice %arg2[%dma_wait3A, %dma_wait3A_92] : memref<160000x128xf32, #tpu.memory_space<hbm>> -> memref<160000x128xf32, #tpu.memory_space<hbm>>
        tpu.wait_indirect_dma semaphore(%arg9 : memref<!tpu.dma_semaphore, #tpu.memory_space<semaphore_mem>>) src(%dma_wait3A_93 : memref<160000x128xf32, #tpu.memory_space<hbm>>) dst(%arg7 : memref<192x128xf32, #tpu.memory_space<vmem>>)
        %dma_start3A_94 = arith.constant 0 : i32
        %dma_start3A_95 = tpu.memref_slice %arg4[%add3A_91, %dma_start3A_94] : memref<61440x128xf32, #tpu.memory_space<hbm>> -> memref<192x128xf32, #tpu.memory_space<hbm>>
        %dma_start3A_96 = arith.constant 0 : i32
        %dma_start3A_97 = tpu.memref_slice %arg4[%add3A_91, %dma_start3A_96] : memref<61440x128xf32, #tpu.memory_space<hbm>> -> memref<192x128xf32, #tpu.memory_space<hbm>>
        tpu.enqueue_dma source(%arg7 : memref<192x128xf32, #tpu.memory_space<vmem>>) target(%dma_start3A_97 : memref<192x128xf32, #tpu.memory_space<hbm>>) target_semaphore(%arg11 : memref<!tpu.dma_semaphore, #tpu.memory_space<semaphore_mem>>)
        %add3A_98 = arith.constant 2 : i32
        %add3A_99 = arith.addi %add3A_77, %add3A_98 : i32
        %lt3A_100 = arith.constant 10 : i32
        %lt3A_101 = arith.cmpi slt, %add3A_99, %lt3A_100 : i32
        %convert_element_type3A_102 = arith.extui %lt3A_101 : i1 to i32
        %cond3A_103 = arith.constant 0 : i32
        %cond3A_104 = arith.cmpi ne, %convert_element_type3A_102, %cond3A_103 : i32
        scf.if %cond3A_104 {
          %add3A_111 = arith.constant 2 : i32
          %add3A_112 = arith.addi %add3A_77, %add3A_111 : i32
          %mul3A_113 = arith.constant 192 : i32
          %mul3A_114 = arith.muli %add3A_112, %mul3A_113 : i32
          %add3A_115 = arith.addi %mul3A_2, %mul3A_114 : i32
          %jit3A_116 = arith.constant 61440 : i32
          %div3A_117 = arith.divsi %add3A_115, %jit3A_116 : i32
          %sign3A_118 = arith.constant 0 : i32
          %sign3A_119 = arith.cmpi sgt, %add3A_115, %sign3A_118 : i32
          %sign3A_120 = arith.extui %sign3A_119 : i1 to i32
          %sign3A_121 = arith.constant 0 : i32
          %sign3A_122 = arith.cmpi slt, %add3A_115, %sign3A_121 : i32
          %sign3A_123 = arith.extui %sign3A_122 : i1 to i32
          %sign3A_124 = arith.subi %sign3A_120, %sign3A_123 : i32
          %sign3A_125 = arith.constant 0 : i32
          %sign3A_126 = arith.cmpi sgt, %jit3A_116, %sign3A_125 : i32
          %sign3A_127 = arith.extui %sign3A_126 : i1 to i32
          %sign3A_128 = arith.constant 0 : i32
          %sign3A_129 = arith.cmpi slt, %jit3A_116, %sign3A_128 : i32
          %sign3A_130 = arith.extui %sign3A_129 : i1 to i32
          %sign3A_131 = arith.subi %sign3A_127, %sign3A_130 : i32
          %ne3A_132 = arith.cmpi ne, %sign3A_124, %sign3A_131 : i32
          %rem3A_133 = arith.remsi %add3A_115, %jit3A_116 : i32
          %ne3A_134 = arith.constant 0 : i32
          %ne3A_135 = arith.cmpi ne, %rem3A_133, %ne3A_134 : i32
          %and3A_136 = arith.andi %ne3A_132, %ne3A_135 : i1
          %sub3A_137 = arith.constant 1 : i32
          %sub3A_138 = arith.subi %div3A_117, %sub3A_137 : i32
          %select_n3A_139 = arith.select %and3A_136, %sub3A_138, %div3A_117 : i32
          %mul3A_140 = arith.constant 61440 : i32
          %mul3A_141 = arith.muli %select_n3A_139, %mul3A_140 : i32
          %add3A_142 = arith.constant 0 : i32
          %add3A_143 = arith.addi %mul3A_141, %add3A_142 : i32
          %mul3A_144 = arith.constant 61440 : i32
          %mul3A_145 = arith.muli %select_n3A_139, %mul3A_144 : i32
          %sub3A_146 = arith.subi %add3A_115, %mul3A_145 : i32
          %add3A_147 = arith.addi %add3A_143, %sub3A_146 : i32
          "tpu.region"() ({
            %run_scoped3A = tpu.sem_alloc : memref<!tpu.dma_semaphore, #tpu.memory_space<semaphore_mem>>
            %dma_start3A_155 = tpu.memref_slice %arg3[%add3A_147] : memref<61440xi32, #tpu.memory_space<hbm>> -> memref<192xi32, #tpu.memory_space<hbm>>
            %dma_start3A_156 = tpu.memref_slice %arg3[%add3A_147] : memref<61440xi32, #tpu.memory_space<hbm>> -> memref<192xi32, #tpu.memory_space<hbm>>
            tpu.enqueue_dma source(%dma_start3A_156 : memref<192xi32, #tpu.memory_space<hbm>>) target(%arg5 : memref<192xi32, #tpu.memory_space<vmem>>) target_semaphore(%run_scoped3A : memref<!tpu.dma_semaphore, #tpu.memory_space<semaphore_mem>>)
            %dma_wait3A_157 = tpu.memref_slice %arg3[%add3A_147] : memref<61440xi32, #tpu.memory_space<hbm>> -> memref<192xi32, #tpu.memory_space<hbm>>
            %dma_wait3A_158 = tpu.memref_slice %arg3[%add3A_147] : memref<61440xi32, #tpu.memory_space<hbm>> -> memref<192xi32, #tpu.memory_space<hbm>>
            tpu.wait_dma2 semaphore(%run_scoped3A : memref<!tpu.dma_semaphore, #tpu.memory_space<semaphore_mem>>) src(%dma_wait3A_158 : memref<192xi32, #tpu.memory_space<hbm>>) dst(%arg5 : memref<192xi32, #tpu.memory_space<vmem>>)
            tpu.yield
          }) : () -> ()
          %dma_wait3A_148 = arith.constant 0 : i32
          %dma_wait3A_149 = tpu.memref_slice %arg4[%add3A_91, %dma_wait3A_148] : memref<61440x128xf32, #tpu.memory_space<hbm>> -> memref<192x128xf32, #tpu.memory_space<hbm>>
          %dma_wait3A_150 = arith.constant 0 : i32
          %dma_wait3A_151 = tpu.memref_slice %arg4[%add3A_91, %dma_wait3A_150] : memref<61440x128xf32, #tpu.memory_space<hbm>> -> memref<192x128xf32, #tpu.memory_space<hbm>>
          tpu.wait_dma2 semaphore(%arg11 : memref<!tpu.dma_semaphore, #tpu.memory_space<semaphore_mem>>) src(%arg7 : memref<192x128xf32, #tpu.memory_space<vmem>>) dst(%dma_wait3A_151 : memref<192x128xf32, #tpu.memory_space<hbm>>)
          %dma_start3A_152 = arith.constant 0 : i32
          %dma_start3A_153 = arith.constant 0 : i32
          %dma_start3A_154 = tpu.memref_slice %arg2[%dma_start3A_152, %dma_start3A_153] : memref<160000x128xf32, #tpu.memory_space<hbm>> -> memref<160000x128xf32, #tpu.memory_space<hbm>>
          tpu.enqueue_indirect_dma source(%dma_start3A_154 : memref<160000x128xf32, #tpu.memory_space<hbm>>) target(%arg7 : memref<192x128xf32, #tpu.memory_space<vmem>>) offsets(%arg5 : memref<192xi32, #tpu.memory_space<vmem>>) semaphore(%arg9 : memref<!tpu.dma_semaphore, #tpu.memory_space<semaphore_mem>>)
        } else {
        }
        %add3A_105 = arith.constant 2 : i32
        %add3A_106 = arith.addi %add3A_77, %add3A_105 : i32
        %ge3A = arith.constant 10 : i32
        %ge3A_107 = arith.cmpi sge, %add3A_106, %ge3A : i32
        %convert_element_type3A_108 = arith.extui %ge3A_107 : i1 to i32
        %cond3A_109 = arith.constant 0 : i32
        %cond3A_110 = arith.cmpi ne, %convert_element_type3A_108, %cond3A_109 : i32
        scf.if %cond3A_110 {
          %dma_wait3A_111 = arith.constant 0 : i32
          %dma_wait3A_112 = tpu.memref_slice %arg4[%add3A_91, %dma_wait3A_111] : memref<61440x128xf32, #tpu.memory_space<hbm>> -> memref<192x128xf32, #tpu.memory_space<hbm>>
          %dma_wait3A_113 = arith.constant 0 : i32
          %dma_wait3A_114 = tpu.memref_slice %arg4[%add3A_91, %dma_wait3A_113] : memref<61440x128xf32, #tpu.memory_space<hbm>> -> memref<192x128xf32, #tpu.memory_space<hbm>>
          tpu.wait_dma2 semaphore(%arg11 : memref<!tpu.dma_semaphore, #tpu.memory_space<semaphore_mem>>) src(%arg7 : memref<192x128xf32, #tpu.memory_space<vmem>>) dst(%dma_wait3A_114 : memref<192x128xf32, #tpu.memory_space<hbm>>)
        } else {
        }
      } else {
      }
      %mul3A_80 = arith.constant 2 : i32
      %mul3A_81 = arith.muli %mul3A_80, %scan3A_73 : i32
      %add3A_82 = arith.constant 1 : i32
      %add3A_83 = arith.addi %mul3A_81, %add3A_82 : i32
      %lt3A_84 = arith.constant 10 : i32
      %lt3A_85 = arith.cmpi slt, %add3A_83, %lt3A_84 : i32
      %convert_element_type3A_86 = arith.extui %lt3A_85 : i1 to i32
      %cond3A_87 = arith.constant 0 : i32
      %cond3A_88 = arith.cmpi ne, %convert_element_type3A_86, %cond3A_87 : i32
      scf.if %cond3A_88 {
        %mul3A_89 = arith.constant 192 : i32
        %mul3A_90 = arith.muli %add3A_83, %mul3A_89 : i32
        %add3A_91 = arith.addi %mul3A_2, %mul3A_90 : i32
        %dma_wait3A = arith.constant 0 : i32
        %dma_wait3A_92 = arith.constant 0 : i32
        %dma_wait3A_93 = tpu.memref_slice %arg2[%dma_wait3A, %dma_wait3A_92] : memref<160000x128xf32, #tpu.memory_space<hbm>> -> memref<160000x128xf32, #tpu.memory_space<hbm>>
        tpu.wait_indirect_dma semaphore(%arg10 : memref<!tpu.dma_semaphore, #tpu.memory_space<semaphore_mem>>) src(%dma_wait3A_93 : memref<160000x128xf32, #tpu.memory_space<hbm>>) dst(%arg8 : memref<192x128xf32, #tpu.memory_space<vmem>>)
        %dma_start3A_94 = arith.constant 0 : i32
        %dma_start3A_95 = tpu.memref_slice %arg4[%add3A_91, %dma_start3A_94] : memref<61440x128xf32, #tpu.memory_space<hbm>> -> memref<192x128xf32, #tpu.memory_space<hbm>>
        %dma_start3A_96 = arith.constant 0 : i32
        %dma_start3A_97 = tpu.memref_slice %arg4[%add3A_91, %dma_start3A_96] : memref<61440x128xf32, #tpu.memory_space<hbm>> -> memref<192x128xf32, #tpu.memory_space<hbm>>
        tpu.enqueue_dma source(%arg8 : memref<192x128xf32, #tpu.memory_space<vmem>>) target(%dma_start3A_97 : memref<192x128xf32, #tpu.memory_space<hbm>>) target_semaphore(%arg12 : memref<!tpu.dma_semaphore, #tpu.memory_space<semaphore_mem>>)
        %add3A_98 = arith.constant 2 : i32
        %add3A_99 = arith.addi %add3A_83, %add3A_98 : i32
        %lt3A_100 = arith.constant 10 : i32
        %lt3A_101 = arith.cmpi slt, %add3A_99, %lt3A_100 : i32
        %convert_element_type3A_102 = arith.extui %lt3A_101 : i1 to i32
        %cond3A_103 = arith.constant 0 : i32
        %cond3A_104 = arith.cmpi ne, %convert_element_type3A_102, %cond3A_103 : i32
        scf.if %cond3A_104 {
          %add3A_111 = arith.constant 2 : i32
          %add3A_112 = arith.addi %add3A_83, %add3A_111 : i32
          %mul3A_113 = arith.constant 192 : i32
          %mul3A_114 = arith.muli %add3A_112, %mul3A_113 : i32
          %add3A_115 = arith.addi %mul3A_2, %mul3A_114 : i32
          %jit3A_116 = arith.constant 61440 : i32
          %div3A_117 = arith.divsi %add3A_115, %jit3A_116 : i32
          %sign3A_118 = arith.constant 0 : i32
          %sign3A_119 = arith.cmpi sgt, %add3A_115, %sign3A_118 : i32
          %sign3A_120 = arith.extui %sign3A_119 : i1 to i32
          %sign3A_121 = arith.constant 0 : i32
          %sign3A_122 = arith.cmpi slt, %add3A_115, %sign3A_121 : i32
          %sign3A_123 = arith.extui %sign3A_122 : i1 to i32
          %sign3A_124 = arith.subi %sign3A_120, %sign3A_123 : i32
          %sign3A_125 = arith.constant 0 : i32
          %sign3A_126 = arith.cmpi sgt, %jit3A_116, %sign3A_125 : i32
          %sign3A_127 = arith.extui %sign3A_126 : i1 to i32
          %sign3A_128 = arith.constant 0 : i32
          %sign3A_129 = arith.cmpi slt, %jit3A_116, %sign3A_128 : i32
          %sign3A_130 = arith.extui %sign3A_129 : i1 to i32
          %sign3A_131 = arith.subi %sign3A_127, %sign3A_130 : i32
          %ne3A_132 = arith.cmpi ne, %sign3A_124, %sign3A_131 : i32
          %rem3A_133 = arith.remsi %add3A_115, %jit3A_116 : i32
          %ne3A_134 = arith.constant 0 : i32
          %ne3A_135 = arith.cmpi ne, %rem3A_133, %ne3A_134 : i32
          %and3A_136 = arith.andi %ne3A_132, %ne3A_135 : i1
          %sub3A_137 = arith.constant 1 : i32
          %sub3A_138 = arith.subi %div3A_117, %sub3A_137 : i32
          %select_n3A_139 = arith.select %and3A_136, %sub3A_138, %div3A_117 : i32
          %mul3A_140 = arith.constant 61440 : i32
          %mul3A_141 = arith.muli %select_n3A_139, %mul3A_140 : i32
          %add3A_142 = arith.constant 0 : i32
          %add3A_143 = arith.addi %mul3A_141, %add3A_142 : i32
          %mul3A_144 = arith.constant 61440 : i32
          %mul3A_145 = arith.muli %select_n3A_139, %mul3A_144 : i32
          %sub3A_146 = arith.subi %add3A_115, %mul3A_145 : i32
          %add3A_147 = arith.addi %add3A_143, %sub3A_146 : i32
          "tpu.region"() ({
            %run_scoped3A = tpu.sem_alloc : memref<!tpu.dma_semaphore, #tpu.memory_space<semaphore_mem>>
            %dma_start3A_155 = tpu.memref_slice %arg3[%add3A_147] : memref<61440xi32, #tpu.memory_space<hbm>> -> memref<192xi32, #tpu.memory_space<hbm>>
            %dma_start3A_156 = tpu.memref_slice %arg3[%add3A_147] : memref<61440xi32, #tpu.memory_space<hbm>> -> memref<192xi32, #tpu.memory_space<hbm>>
            tpu.enqueue_dma source(%dma_start3A_156 : memref<192xi32, #tpu.memory_space<hbm>>) target(%arg6 : memref<192xi32, #tpu.memory_space<vmem>>) target_semaphore(%run_scoped3A : memref<!tpu.dma_semaphore, #tpu.memory_space<semaphore_mem>>)
            %dma_wait3A_157 = tpu.memref_slice %arg3[%add3A_147] : memref<61440xi32, #tpu.memory_space<hbm>> -> memref<192xi32, #tpu.memory_space<hbm>>
            %dma_wait3A_158 = tpu.memref_slice %arg3[%add3A_147] : memref<61440xi32, #tpu.memory_space<hbm>> -> memref<192xi32, #tpu.memory_space<hbm>>
            tpu.wait_dma2 semaphore(%run_scoped3A : memref<!tpu.dma_semaphore, #tpu.memory_space<semaphore_mem>>) src(%dma_wait3A_158 : memref<192xi32, #tpu.memory_space<hbm>>) dst(%arg6 : memref<192xi32, #tpu.memory_space<vmem>>)
            tpu.yield
          }) : () -> ()
          %dma_wait3A_148 = arith.constant 0 : i32
          %dma_wait3A_149 = tpu.memref_slice %arg4[%add3A_91, %dma_wait3A_148] : memref<61440x128xf32, #tpu.memory_space<hbm>> -> memref<192x128xf32, #tpu.memory_space<hbm>>
          %dma_wait3A_150 = arith.constant 0 : i32
          %dma_wait3A_151 = tpu.memref_slice %arg4[%add3A_91, %dma_wait3A_150] : memref<61440x128xf32, #tpu.memory_space<hbm>> -> memref<192x128xf32, #tpu.memory_space<hbm>>
          tpu.wait_dma2 semaphore(%arg12 : memref<!tpu.dma_semaphore, #tpu.memory_space<semaphore_mem>>) src(%arg8 : memref<192x128xf32, #tpu.memory_space<vmem>>) dst(%dma_wait3A_151 : memref<192x128xf32, #tpu.memory_space<hbm>>)
          %dma_start3A_152 = arith.constant 0 : i32
          %dma_start3A_153 = arith.constant 0 : i32
          %dma_start3A_154 = tpu.memref_slice %arg2[%dma_start3A_152, %dma_start3A_153] : memref<160000x128xf32, #tpu.memory_space<hbm>> -> memref<160000x128xf32, #tpu.memory_space<hbm>>
          tpu.enqueue_indirect_dma source(%dma_start3A_154 : memref<160000x128xf32, #tpu.memory_space<hbm>>) target(%arg8 : memref<192x128xf32, #tpu.memory_space<vmem>>) offsets(%arg6 : memref<192xi32, #tpu.memory_space<vmem>>) semaphore(%arg10 : memref<!tpu.dma_semaphore, #tpu.memory_space<semaphore_mem>>)
        } else {
        }
        %add3A_105 = arith.constant 2 : i32
        %add3A_106 = arith.addi %add3A_83, %add3A_105 : i32
        %ge3A = arith.constant 10 : i32
        %ge3A_107 = arith.cmpi sge, %add3A_106, %ge3A : i32
        %convert_element_type3A_108 = arith.extui %ge3A_107 : i1 to i32
        %cond3A_109 = arith.constant 0 : i32
        %cond3A_110 = arith.cmpi ne, %convert_element_type3A_108, %cond3A_109 : i32
        scf.if %cond3A_110 {
          %dma_wait3A_111 = arith.constant 0 : i32
          %dma_wait3A_112 = tpu.memref_slice %arg4[%add3A_91, %dma_wait3A_111] : memref<61440x128xf32, #tpu.memory_space<hbm>> -> memref<192x128xf32, #tpu.memory_space<hbm>>
          %dma_wait3A_113 = arith.constant 0 : i32
          %dma_wait3A_114 = tpu.memref_slice %arg4[%add3A_91, %dma_wait3A_113] : memref<61440x128xf32, #tpu.memory_space<hbm>> -> memref<192x128xf32, #tpu.memory_space<hbm>>
          tpu.wait_dma2 semaphore(%arg12 : memref<!tpu.dma_semaphore, #tpu.memory_space<semaphore_mem>>) src(%arg8 : memref<192x128xf32, #tpu.memory_space<vmem>>) dst(%dma_wait3A_114 : memref<192x128xf32, #tpu.memory_space<hbm>>)
        } else {
        }
      } else {
      }
    }
    %scan3A_72 = arith.constant 5 : i32
    return
  }
}

#map = affine_map<(d0, d1) -> (0, 0)>
#map1 = affine_map<(d0, d1) -> (0)>
module attributes {stable_mosaic.version = 14 : i64} {
  func.func @gather(%arg0: i32, %arg1: i32, %arg2: memref<160000x128xf32, #tpu.memory_space<hbm>>, %arg3: memref<960000xi32, #tpu.memory_space<hbm>>, %arg4: memref<480000x128xf32, #tpu.memory_space<hbm>>, %arg5: memref<200xi32, #tpu.memory_space<vmem>>, %arg6: memref<200xi32, #tpu.memory_space<vmem>>, %arg7: memref<200x128xf32, #tpu.memory_space<vmem>>, %arg8: memref<200x128xf32, #tpu.memory_space<vmem>>, %arg9: memref<!tpu.dma_semaphore, #tpu.memory_space<semaphore_mem>>, %arg10: memref<!tpu.dma_semaphore, #tpu.memory_space<semaphore_mem>>, %arg11: memref<!tpu.dma_semaphore, #tpu.memory_space<semaphore_mem>>, %arg12: memref<!tpu.dma_semaphore, #tpu.memory_space<semaphore_mem>>) attributes {dimension_semantics = [#tpu.dimension_semantics<core_parallel>, #tpu.dimension_semantics<subcore_parallel>], iteration_bounds = array<i64: 2, 16>, scalar_prefetch = 0 : i64, scratch_operands = 8 : i64, tpu.core_type = #tpu.core_type<sc_vector_subcore>, window_params = [{transform_indices = #map}, {transform_indices = #map1}, {transform_indices = #map}]} {
    %mul3A = arith.constant 2 : i32
    %mul3A_0 = arith.muli %arg1, %mul3A : i32
    %add3A = arith.addi %mul3A_0, %arg0 : i32
    %mul3A_1 = arith.constant 15000 : i32
    %mul3A_2 = arith.muli %add3A, %mul3A_1 : i32
    %add3A_3 = arith.constant 0 : i32
    %add3A_4 = arith.addi %mul3A_2, %add3A_3 : i32
    %jit3A = arith.constant 80000 : i32
    %div3A = arith.divsi %add3A_4, %jit3A : i32
    %sign3A = arith.constant 0 : i32
    %sign3A_5 = arith.cmpi sgt, %add3A_4, %sign3A : i32
    %sign3A_6 = arith.extui %sign3A_5 : i1 to i32
    %sign3A_7 = arith.constant 0 : i32
    %sign3A_8 = arith.cmpi slt, %add3A_4, %sign3A_7 : i32
    %sign3A_9 = arith.extui %sign3A_8 : i1 to i32
    %sign3A_10 = arith.subi %sign3A_6, %sign3A_9 : i32
    %sign3A_11 = arith.constant 0 : i32
    %sign3A_12 = arith.cmpi sgt, %jit3A, %sign3A_11 : i32
    %sign3A_13 = arith.extui %sign3A_12 : i1 to i32
    %sign3A_14 = arith.constant 0 : i32
    %sign3A_15 = arith.cmpi slt, %jit3A, %sign3A_14 : i32
    %sign3A_16 = arith.extui %sign3A_15 : i1 to i32
    %sign3A_17 = arith.subi %sign3A_13, %sign3A_16 : i32
    %ne3A = arith.cmpi ne, %sign3A_10, %sign3A_17 : i32
    %rem3A = arith.remsi %add3A_4, %jit3A : i32
    %ne3A_18 = arith.constant 0 : i32
    %ne3A_19 = arith.cmpi ne, %rem3A, %ne3A_18 : i32
    %and3A = arith.andi %ne3A, %ne3A_19 : i1
    %sub3A = arith.constant 1 : i32
    %sub3A_20 = arith.subi %div3A, %sub3A : i32
    %select_n3A = arith.select %and3A, %sub3A_20, %div3A : i32
    %mul3A_21 = arith.constant 160000 : i32
    %mul3A_22 = arith.muli %select_n3A, %mul3A_21 : i32
    %add3A_23 = arith.constant 80000 : i32
    %add3A_24 = arith.addi %mul3A_22, %add3A_23 : i32
    %mul3A_25 = arith.constant 80000 : i32
    %mul3A_26 = arith.muli %select_n3A, %mul3A_25 : i32
    %sub3A_27 = arith.subi %add3A_4, %mul3A_26 : i32
    %add3A_28 = arith.addi %add3A_24, %sub3A_27 : i32
    "tpu.region"() ({
      %run_scoped3A = tpu.sem_alloc : memref<!tpu.dma_semaphore, #tpu.memory_space<semaphore_mem>>
      %dma_start3A_73 = tpu.memref_slice %arg3[%add3A_28] : memref<960000xi32, #tpu.memory_space<hbm>> -> memref<200xi32, #tpu.memory_space<hbm>>
      %dma_start3A_74 = tpu.memref_slice %arg3[%add3A_28] : memref<960000xi32, #tpu.memory_space<hbm>> -> memref<200xi32, #tpu.memory_space<hbm>>
      tpu.enqueue_dma source(%dma_start3A_74 : memref<200xi32, #tpu.memory_space<hbm>>) target(%arg5 : memref<200xi32, #tpu.memory_space<vmem>>) target_semaphore(%run_scoped3A : memref<!tpu.dma_semaphore, #tpu.memory_space<semaphore_mem>>)
      %dma_wait3A = tpu.memref_slice %arg3[%add3A_28] : memref<960000xi32, #tpu.memory_space<hbm>> -> memref<200xi32, #tpu.memory_space<hbm>>
      %dma_wait3A_75 = tpu.memref_slice %arg3[%add3A_28] : memref<960000xi32, #tpu.memory_space<hbm>> -> memref<200xi32, #tpu.memory_space<hbm>>
      tpu.wait_dma2 semaphore(%run_scoped3A : memref<!tpu.dma_semaphore, #tpu.memory_space<semaphore_mem>>) src(%dma_wait3A_75 : memref<200xi32, #tpu.memory_space<hbm>>) dst(%arg5 : memref<200xi32, #tpu.memory_space<vmem>>)
      tpu.yield
    }) : () -> ()
    %dma_start3A = arith.constant 0 : i32
    %dma_start3A_29 = arith.constant 0 : i32
    %dma_start3A_30 = tpu.memref_slice %arg2[%dma_start3A, %dma_start3A_29] : memref<160000x128xf32, #tpu.memory_space<hbm>> -> memref<160000x128xf32, #tpu.memory_space<hbm>>
    tpu.enqueue_indirect_dma source(%dma_start3A_30 : memref<160000x128xf32, #tpu.memory_space<hbm>>) target(%arg7 : memref<200x128xf32, #tpu.memory_space<vmem>>) offsets(%arg5 : memref<200xi32, #tpu.memory_space<vmem>>) semaphore(%arg9 : memref<!tpu.dma_semaphore, #tpu.memory_space<semaphore_mem>>)
    %add3A_31 = arith.constant 200 : i32
    %add3A_32 = arith.addi %mul3A_2, %add3A_31 : i32
    %jit3A_33 = arith.constant 80000 : i32
    %div3A_34 = arith.divsi %add3A_32, %jit3A_33 : i32
    %sign3A_35 = arith.constant 0 : i32
    %sign3A_36 = arith.cmpi sgt, %add3A_32, %sign3A_35 : i32
    %sign3A_37 = arith.extui %sign3A_36 : i1 to i32
    %sign3A_38 = arith.constant 0 : i32
    %sign3A_39 = arith.cmpi slt, %add3A_32, %sign3A_38 : i32
    %sign3A_40 = arith.extui %sign3A_39 : i1 to i32
    %sign3A_41 = arith.subi %sign3A_37, %sign3A_40 : i32
    %sign3A_42 = arith.constant 0 : i32
    %sign3A_43 = arith.cmpi sgt, %jit3A_33, %sign3A_42 : i32
    %sign3A_44 = arith.extui %sign3A_43 : i1 to i32
    %sign3A_45 = arith.constant 0 : i32
    %sign3A_46 = arith.cmpi slt, %jit3A_33, %sign3A_45 : i32
    %sign3A_47 = arith.extui %sign3A_46 : i1 to i32
    %sign3A_48 = arith.subi %sign3A_44, %sign3A_47 : i32
    %ne3A_49 = arith.cmpi ne, %sign3A_41, %sign3A_48 : i32
    %rem3A_50 = arith.remsi %add3A_32, %jit3A_33 : i32
    %ne3A_51 = arith.constant 0 : i32
    %ne3A_52 = arith.cmpi ne, %rem3A_50, %ne3A_51 : i32
    %and3A_53 = arith.andi %ne3A_49, %ne3A_52 : i1
    %sub3A_54 = arith.constant 1 : i32
    %sub3A_55 = arith.subi %div3A_34, %sub3A_54 : i32
    %select_n3A_56 = arith.select %and3A_53, %sub3A_55, %div3A_34 : i32
    %mul3A_57 = arith.constant 160000 : i32
    %mul3A_58 = arith.muli %select_n3A_56, %mul3A_57 : i32
    %add3A_59 = arith.constant 80000 : i32
    %add3A_60 = arith.addi %mul3A_58, %add3A_59 : i32
    %mul3A_61 = arith.constant 80000 : i32
    %mul3A_62 = arith.muli %select_n3A_56, %mul3A_61 : i32
    %sub3A_63 = arith.subi %add3A_32, %mul3A_62 : i32
    %add3A_64 = arith.addi %add3A_60, %sub3A_63 : i32
    "tpu.region"() ({
      %run_scoped3A = tpu.sem_alloc : memref<!tpu.dma_semaphore, #tpu.memory_space<semaphore_mem>>
      %dma_start3A_73 = tpu.memref_slice %arg3[%add3A_64] : memref<960000xi32, #tpu.memory_space<hbm>> -> memref<200xi32, #tpu.memory_space<hbm>>
      %dma_start3A_74 = tpu.memref_slice %arg3[%add3A_64] : memref<960000xi32, #tpu.memory_space<hbm>> -> memref<200xi32, #tpu.memory_space<hbm>>
      tpu.enqueue_dma source(%dma_start3A_74 : memref<200xi32, #tpu.memory_space<hbm>>) target(%arg6 : memref<200xi32, #tpu.memory_space<vmem>>) target_semaphore(%run_scoped3A : memref<!tpu.dma_semaphore, #tpu.memory_space<semaphore_mem>>)
      %dma_wait3A = tpu.memref_slice %arg3[%add3A_64] : memref<960000xi32, #tpu.memory_space<hbm>> -> memref<200xi32, #tpu.memory_space<hbm>>
      %dma_wait3A_75 = tpu.memref_slice %arg3[%add3A_64] : memref<960000xi32, #tpu.memory_space<hbm>> -> memref<200xi32, #tpu.memory_space<hbm>>
      tpu.wait_dma2 semaphore(%run_scoped3A : memref<!tpu.dma_semaphore, #tpu.memory_space<semaphore_mem>>) src(%dma_wait3A_75 : memref<200xi32, #tpu.memory_space<hbm>>) dst(%arg6 : memref<200xi32, #tpu.memory_space<vmem>>)
      tpu.yield
    }) : () -> ()
    %dma_start3A_65 = arith.constant 0 : i32
    %dma_start3A_66 = arith.constant 0 : i32
    %dma_start3A_67 = tpu.memref_slice %arg2[%dma_start3A_65, %dma_start3A_66] : memref<160000x128xf32, #tpu.memory_space<hbm>> -> memref<160000x128xf32, #tpu.memory_space<hbm>>
    tpu.enqueue_indirect_dma source(%dma_start3A_67 : memref<160000x128xf32, #tpu.memory_space<hbm>>) target(%arg8 : memref<200x128xf32, #tpu.memory_space<vmem>>) offsets(%arg6 : memref<200xi32, #tpu.memory_space<vmem>>) semaphore(%arg10 : memref<!tpu.dma_semaphore, #tpu.memory_space<semaphore_mem>>)
    %scan3A = arith.constant 0 : i32
    %scan3A_68 = arith.constant 0 : i32
    %scan3A_69 = arith.constant 38 : i32
    %scan3A_70 = arith.addi %scan3A_68, %scan3A_69 : i32
    %scan3A_71 = arith.constant 1 : i32
    scf.for %scan3A_73 = %scan3A_68 to %scan3A_70 step %scan3A_71  : i32 {
      %mul3A_74 = arith.constant 2 : i32
      %mul3A_75 = arith.muli %mul3A_74, %scan3A_73 : i32
      %add3A_76 = arith.constant 0 : i32
      %add3A_77 = arith.addi %mul3A_75, %add3A_76 : i32
      %lt3A = arith.constant 75 : i32
      %lt3A_78 = arith.cmpi slt, %add3A_77, %lt3A : i32
      %convert_element_type3A = arith.extui %lt3A_78 : i1 to i32
      %cond3A = arith.constant 0 : i32
      %cond3A_79 = arith.cmpi ne, %convert_element_type3A, %cond3A : i32
      scf.if %cond3A_79 {
        %mul3A_89 = arith.constant 200 : i32
        %mul3A_90 = arith.muli %add3A_77, %mul3A_89 : i32
        %add3A_91 = arith.addi %mul3A_2, %mul3A_90 : i32
        %dma_wait3A = arith.constant 0 : i32
        %dma_wait3A_92 = arith.constant 0 : i32
        %dma_wait3A_93 = tpu.memref_slice %arg2[%dma_wait3A, %dma_wait3A_92] : memref<160000x128xf32, #tpu.memory_space<hbm>> -> memref<160000x128xf32, #tpu.memory_space<hbm>>
        tpu.wait_indirect_dma semaphore(%arg9 : memref<!tpu.dma_semaphore, #tpu.memory_space<semaphore_mem>>) src(%dma_wait3A_93 : memref<160000x128xf32, #tpu.memory_space<hbm>>) dst(%arg7 : memref<200x128xf32, #tpu.memory_space<vmem>>)
        %dma_start3A_94 = arith.constant 0 : i32
        %dma_start3A_95 = tpu.memref_slice %arg4[%add3A_91, %dma_start3A_94] : memref<480000x128xf32, #tpu.memory_space<hbm>> -> memref<200x128xf32, #tpu.memory_space<hbm>>
        %dma_start3A_96 = arith.constant 0 : i32
        %dma_start3A_97 = tpu.memref_slice %arg4[%add3A_91, %dma_start3A_96] : memref<480000x128xf32, #tpu.memory_space<hbm>> -> memref<200x128xf32, #tpu.memory_space<hbm>>
        tpu.enqueue_dma source(%arg7 : memref<200x128xf32, #tpu.memory_space<vmem>>) target(%dma_start3A_97 : memref<200x128xf32, #tpu.memory_space<hbm>>) target_semaphore(%arg11 : memref<!tpu.dma_semaphore, #tpu.memory_space<semaphore_mem>>)
        %add3A_98 = arith.constant 2 : i32
        %add3A_99 = arith.addi %add3A_77, %add3A_98 : i32
        %lt3A_100 = arith.constant 75 : i32
        %lt3A_101 = arith.cmpi slt, %add3A_99, %lt3A_100 : i32
        %convert_element_type3A_102 = arith.extui %lt3A_101 : i1 to i32
        %cond3A_103 = arith.constant 0 : i32
        %cond3A_104 = arith.cmpi ne, %convert_element_type3A_102, %cond3A_103 : i32
        scf.if %cond3A_104 {
          %add3A_111 = arith.constant 2 : i32
          %add3A_112 = arith.addi %add3A_77, %add3A_111 : i32
          %mul3A_113 = arith.constant 200 : i32
          %mul3A_114 = arith.muli %add3A_112, %mul3A_113 : i32
          %add3A_115 = arith.addi %mul3A_2, %mul3A_114 : i32
          %jit3A_116 = arith.constant 80000 : i32
          %div3A_117 = arith.divsi %add3A_115, %jit3A_116 : i32
          %sign3A_118 = arith.constant 0 : i32
          %sign3A_119 = arith.cmpi sgt, %add3A_115, %sign3A_118 : i32
          %sign3A_120 = arith.extui %sign3A_119 : i1 to i32
          %sign3A_121 = arith.constant 0 : i32
          %sign3A_122 = arith.cmpi slt, %add3A_115, %sign3A_121 : i32
          %sign3A_123 = arith.extui %sign3A_122 : i1 to i32
          %sign3A_124 = arith.subi %sign3A_120, %sign3A_123 : i32
          %sign3A_125 = arith.constant 0 : i32
          %sign3A_126 = arith.cmpi sgt, %jit3A_116, %sign3A_125 : i32
          %sign3A_127 = arith.extui %sign3A_126 : i1 to i32
          %sign3A_128 = arith.constant 0 : i32
          %sign3A_129 = arith.cmpi slt, %jit3A_116, %sign3A_128 : i32
          %sign3A_130 = arith.extui %sign3A_129 : i1 to i32
          %sign3A_131 = arith.subi %sign3A_127, %sign3A_130 : i32
          %ne3A_132 = arith.cmpi ne, %sign3A_124, %sign3A_131 : i32
          %rem3A_133 = arith.remsi %add3A_115, %jit3A_116 : i32
          %ne3A_134 = arith.constant 0 : i32
          %ne3A_135 = arith.cmpi ne, %rem3A_133, %ne3A_134 : i32
          %and3A_136 = arith.andi %ne3A_132, %ne3A_135 : i1
          %sub3A_137 = arith.constant 1 : i32
          %sub3A_138 = arith.subi %div3A_117, %sub3A_137 : i32
          %select_n3A_139 = arith.select %and3A_136, %sub3A_138, %div3A_117 : i32
          %mul3A_140 = arith.constant 160000 : i32
          %mul3A_141 = arith.muli %select_n3A_139, %mul3A_140 : i32
          %add3A_142 = arith.constant 80000 : i32
          %add3A_143 = arith.addi %mul3A_141, %add3A_142 : i32
          %mul3A_144 = arith.constant 80000 : i32
          %mul3A_145 = arith.muli %select_n3A_139, %mul3A_144 : i32
          %sub3A_146 = arith.subi %add3A_115, %mul3A_145 : i32
          %add3A_147 = arith.addi %add3A_143, %sub3A_146 : i32
          "tpu.region"() ({
            %run_scoped3A = tpu.sem_alloc : memref<!tpu.dma_semaphore, #tpu.memory_space<semaphore_mem>>
            %dma_start3A_155 = tpu.memref_slice %arg3[%add3A_147] : memref<960000xi32, #tpu.memory_space<hbm>> -> memref<200xi32, #tpu.memory_space<hbm>>
            %dma_start3A_156 = tpu.memref_slice %arg3[%add3A_147] : memref<960000xi32, #tpu.memory_space<hbm>> -> memref<200xi32, #tpu.memory_space<hbm>>
            tpu.enqueue_dma source(%dma_start3A_156 : memref<200xi32, #tpu.memory_space<hbm>>) target(%arg5 : memref<200xi32, #tpu.memory_space<vmem>>) target_semaphore(%run_scoped3A : memref<!tpu.dma_semaphore, #tpu.memory_space<semaphore_mem>>)
            %dma_wait3A_157 = tpu.memref_slice %arg3[%add3A_147] : memref<960000xi32, #tpu.memory_space<hbm>> -> memref<200xi32, #tpu.memory_space<hbm>>
            %dma_wait3A_158 = tpu.memref_slice %arg3[%add3A_147] : memref<960000xi32, #tpu.memory_space<hbm>> -> memref<200xi32, #tpu.memory_space<hbm>>
            tpu.wait_dma2 semaphore(%run_scoped3A : memref<!tpu.dma_semaphore, #tpu.memory_space<semaphore_mem>>) src(%dma_wait3A_158 : memref<200xi32, #tpu.memory_space<hbm>>) dst(%arg5 : memref<200xi32, #tpu.memory_space<vmem>>)
            tpu.yield
          }) : () -> ()
          %dma_wait3A_148 = arith.constant 0 : i32
          %dma_wait3A_149 = tpu.memref_slice %arg4[%add3A_91, %dma_wait3A_148] : memref<480000x128xf32, #tpu.memory_space<hbm>> -> memref<200x128xf32, #tpu.memory_space<hbm>>
          %dma_wait3A_150 = arith.constant 0 : i32
          %dma_wait3A_151 = tpu.memref_slice %arg4[%add3A_91, %dma_wait3A_150] : memref<480000x128xf32, #tpu.memory_space<hbm>> -> memref<200x128xf32, #tpu.memory_space<hbm>>
          tpu.wait_dma2 semaphore(%arg11 : memref<!tpu.dma_semaphore, #tpu.memory_space<semaphore_mem>>) src(%arg7 : memref<200x128xf32, #tpu.memory_space<vmem>>) dst(%dma_wait3A_151 : memref<200x128xf32, #tpu.memory_space<hbm>>)
          %dma_start3A_152 = arith.constant 0 : i32
          %dma_start3A_153 = arith.constant 0 : i32
          %dma_start3A_154 = tpu.memref_slice %arg2[%dma_start3A_152, %dma_start3A_153] : memref<160000x128xf32, #tpu.memory_space<hbm>> -> memref<160000x128xf32, #tpu.memory_space<hbm>>
          tpu.enqueue_indirect_dma source(%dma_start3A_154 : memref<160000x128xf32, #tpu.memory_space<hbm>>) target(%arg7 : memref<200x128xf32, #tpu.memory_space<vmem>>) offsets(%arg5 : memref<200xi32, #tpu.memory_space<vmem>>) semaphore(%arg9 : memref<!tpu.dma_semaphore, #tpu.memory_space<semaphore_mem>>)
        } else {
        }
        %add3A_105 = arith.constant 2 : i32
        %add3A_106 = arith.addi %add3A_77, %add3A_105 : i32
        %ge3A = arith.constant 75 : i32
        %ge3A_107 = arith.cmpi sge, %add3A_106, %ge3A : i32
        %convert_element_type3A_108 = arith.extui %ge3A_107 : i1 to i32
        %cond3A_109 = arith.constant 0 : i32
        %cond3A_110 = arith.cmpi ne, %convert_element_type3A_108, %cond3A_109 : i32
        scf.if %cond3A_110 {
          %dma_wait3A_111 = arith.constant 0 : i32
          %dma_wait3A_112 = tpu.memref_slice %arg4[%add3A_91, %dma_wait3A_111] : memref<480000x128xf32, #tpu.memory_space<hbm>> -> memref<200x128xf32, #tpu.memory_space<hbm>>
          %dma_wait3A_113 = arith.constant 0 : i32
          %dma_wait3A_114 = tpu.memref_slice %arg4[%add3A_91, %dma_wait3A_113] : memref<480000x128xf32, #tpu.memory_space<hbm>> -> memref<200x128xf32, #tpu.memory_space<hbm>>
          tpu.wait_dma2 semaphore(%arg11 : memref<!tpu.dma_semaphore, #tpu.memory_space<semaphore_mem>>) src(%arg7 : memref<200x128xf32, #tpu.memory_space<vmem>>) dst(%dma_wait3A_114 : memref<200x128xf32, #tpu.memory_space<hbm>>)
        } else {
        }
      } else {
      }
      %mul3A_80 = arith.constant 2 : i32
      %mul3A_81 = arith.muli %mul3A_80, %scan3A_73 : i32
      %add3A_82 = arith.constant 1 : i32
      %add3A_83 = arith.addi %mul3A_81, %add3A_82 : i32
      %lt3A_84 = arith.constant 75 : i32
      %lt3A_85 = arith.cmpi slt, %add3A_83, %lt3A_84 : i32
      %convert_element_type3A_86 = arith.extui %lt3A_85 : i1 to i32
      %cond3A_87 = arith.constant 0 : i32
      %cond3A_88 = arith.cmpi ne, %convert_element_type3A_86, %cond3A_87 : i32
      scf.if %cond3A_88 {
        %mul3A_89 = arith.constant 200 : i32
        %mul3A_90 = arith.muli %add3A_83, %mul3A_89 : i32
        %add3A_91 = arith.addi %mul3A_2, %mul3A_90 : i32
        %dma_wait3A = arith.constant 0 : i32
        %dma_wait3A_92 = arith.constant 0 : i32
        %dma_wait3A_93 = tpu.memref_slice %arg2[%dma_wait3A, %dma_wait3A_92] : memref<160000x128xf32, #tpu.memory_space<hbm>> -> memref<160000x128xf32, #tpu.memory_space<hbm>>
        tpu.wait_indirect_dma semaphore(%arg10 : memref<!tpu.dma_semaphore, #tpu.memory_space<semaphore_mem>>) src(%dma_wait3A_93 : memref<160000x128xf32, #tpu.memory_space<hbm>>) dst(%arg8 : memref<200x128xf32, #tpu.memory_space<vmem>>)
        %dma_start3A_94 = arith.constant 0 : i32
        %dma_start3A_95 = tpu.memref_slice %arg4[%add3A_91, %dma_start3A_94] : memref<480000x128xf32, #tpu.memory_space<hbm>> -> memref<200x128xf32, #tpu.memory_space<hbm>>
        %dma_start3A_96 = arith.constant 0 : i32
        %dma_start3A_97 = tpu.memref_slice %arg4[%add3A_91, %dma_start3A_96] : memref<480000x128xf32, #tpu.memory_space<hbm>> -> memref<200x128xf32, #tpu.memory_space<hbm>>
        tpu.enqueue_dma source(%arg8 : memref<200x128xf32, #tpu.memory_space<vmem>>) target(%dma_start3A_97 : memref<200x128xf32, #tpu.memory_space<hbm>>) target_semaphore(%arg12 : memref<!tpu.dma_semaphore, #tpu.memory_space<semaphore_mem>>)
        %add3A_98 = arith.constant 2 : i32
        %add3A_99 = arith.addi %add3A_83, %add3A_98 : i32
        %lt3A_100 = arith.constant 75 : i32
        %lt3A_101 = arith.cmpi slt, %add3A_99, %lt3A_100 : i32
        %convert_element_type3A_102 = arith.extui %lt3A_101 : i1 to i32
        %cond3A_103 = arith.constant 0 : i32
        %cond3A_104 = arith.cmpi ne, %convert_element_type3A_102, %cond3A_103 : i32
        scf.if %cond3A_104 {
          %add3A_111 = arith.constant 2 : i32
          %add3A_112 = arith.addi %add3A_83, %add3A_111 : i32
          %mul3A_113 = arith.constant 200 : i32
          %mul3A_114 = arith.muli %add3A_112, %mul3A_113 : i32
          %add3A_115 = arith.addi %mul3A_2, %mul3A_114 : i32
          %jit3A_116 = arith.constant 80000 : i32
          %div3A_117 = arith.divsi %add3A_115, %jit3A_116 : i32
          %sign3A_118 = arith.constant 0 : i32
          %sign3A_119 = arith.cmpi sgt, %add3A_115, %sign3A_118 : i32
          %sign3A_120 = arith.extui %sign3A_119 : i1 to i32
          %sign3A_121 = arith.constant 0 : i32
          %sign3A_122 = arith.cmpi slt, %add3A_115, %sign3A_121 : i32
          %sign3A_123 = arith.extui %sign3A_122 : i1 to i32
          %sign3A_124 = arith.subi %sign3A_120, %sign3A_123 : i32
          %sign3A_125 = arith.constant 0 : i32
          %sign3A_126 = arith.cmpi sgt, %jit3A_116, %sign3A_125 : i32
          %sign3A_127 = arith.extui %sign3A_126 : i1 to i32
          %sign3A_128 = arith.constant 0 : i32
          %sign3A_129 = arith.cmpi slt, %jit3A_116, %sign3A_128 : i32
          %sign3A_130 = arith.extui %sign3A_129 : i1 to i32
          %sign3A_131 = arith.subi %sign3A_127, %sign3A_130 : i32
          %ne3A_132 = arith.cmpi ne, %sign3A_124, %sign3A_131 : i32
          %rem3A_133 = arith.remsi %add3A_115, %jit3A_116 : i32
          %ne3A_134 = arith.constant 0 : i32
          %ne3A_135 = arith.cmpi ne, %rem3A_133, %ne3A_134 : i32
          %and3A_136 = arith.andi %ne3A_132, %ne3A_135 : i1
          %sub3A_137 = arith.constant 1 : i32
          %sub3A_138 = arith.subi %div3A_117, %sub3A_137 : i32
          %select_n3A_139 = arith.select %and3A_136, %sub3A_138, %div3A_117 : i32
          %mul3A_140 = arith.constant 160000 : i32
          %mul3A_141 = arith.muli %select_n3A_139, %mul3A_140 : i32
          %add3A_142 = arith.constant 80000 : i32
          %add3A_143 = arith.addi %mul3A_141, %add3A_142 : i32
          %mul3A_144 = arith.constant 80000 : i32
          %mul3A_145 = arith.muli %select_n3A_139, %mul3A_144 : i32
          %sub3A_146 = arith.subi %add3A_115, %mul3A_145 : i32
          %add3A_147 = arith.addi %add3A_143, %sub3A_146 : i32
          "tpu.region"() ({
            %run_scoped3A = tpu.sem_alloc : memref<!tpu.dma_semaphore, #tpu.memory_space<semaphore_mem>>
            %dma_start3A_155 = tpu.memref_slice %arg3[%add3A_147] : memref<960000xi32, #tpu.memory_space<hbm>> -> memref<200xi32, #tpu.memory_space<hbm>>
            %dma_start3A_156 = tpu.memref_slice %arg3[%add3A_147] : memref<960000xi32, #tpu.memory_space<hbm>> -> memref<200xi32, #tpu.memory_space<hbm>>
            tpu.enqueue_dma source(%dma_start3A_156 : memref<200xi32, #tpu.memory_space<hbm>>) target(%arg6 : memref<200xi32, #tpu.memory_space<vmem>>) target_semaphore(%run_scoped3A : memref<!tpu.dma_semaphore, #tpu.memory_space<semaphore_mem>>)
            %dma_wait3A_157 = tpu.memref_slice %arg3[%add3A_147] : memref<960000xi32, #tpu.memory_space<hbm>> -> memref<200xi32, #tpu.memory_space<hbm>>
            %dma_wait3A_158 = tpu.memref_slice %arg3[%add3A_147] : memref<960000xi32, #tpu.memory_space<hbm>> -> memref<200xi32, #tpu.memory_space<hbm>>
            tpu.wait_dma2 semaphore(%run_scoped3A : memref<!tpu.dma_semaphore, #tpu.memory_space<semaphore_mem>>) src(%dma_wait3A_158 : memref<200xi32, #tpu.memory_space<hbm>>) dst(%arg6 : memref<200xi32, #tpu.memory_space<vmem>>)
            tpu.yield
          }) : () -> ()
          %dma_wait3A_148 = arith.constant 0 : i32
          %dma_wait3A_149 = tpu.memref_slice %arg4[%add3A_91, %dma_wait3A_148] : memref<480000x128xf32, #tpu.memory_space<hbm>> -> memref<200x128xf32, #tpu.memory_space<hbm>>
          %dma_wait3A_150 = arith.constant 0 : i32
          %dma_wait3A_151 = tpu.memref_slice %arg4[%add3A_91, %dma_wait3A_150] : memref<480000x128xf32, #tpu.memory_space<hbm>> -> memref<200x128xf32, #tpu.memory_space<hbm>>
          tpu.wait_dma2 semaphore(%arg12 : memref<!tpu.dma_semaphore, #tpu.memory_space<semaphore_mem>>) src(%arg8 : memref<200x128xf32, #tpu.memory_space<vmem>>) dst(%dma_wait3A_151 : memref<200x128xf32, #tpu.memory_space<hbm>>)
          %dma_start3A_152 = arith.constant 0 : i32
          %dma_start3A_153 = arith.constant 0 : i32
          %dma_start3A_154 = tpu.memref_slice %arg2[%dma_start3A_152, %dma_start3A_153] : memref<160000x128xf32, #tpu.memory_space<hbm>> -> memref<160000x128xf32, #tpu.memory_space<hbm>>
          tpu.enqueue_indirect_dma source(%dma_start3A_154 : memref<160000x128xf32, #tpu.memory_space<hbm>>) target(%arg8 : memref<200x128xf32, #tpu.memory_space<vmem>>) offsets(%arg6 : memref<200xi32, #tpu.memory_space<vmem>>) semaphore(%arg10 : memref<!tpu.dma_semaphore, #tpu.memory_space<semaphore_mem>>)
        } else {
        }
        %add3A_105 = arith.constant 2 : i32
        %add3A_106 = arith.addi %add3A_83, %add3A_105 : i32
        %ge3A = arith.constant 75 : i32
        %ge3A_107 = arith.cmpi sge, %add3A_106, %ge3A : i32
        %convert_element_type3A_108 = arith.extui %ge3A_107 : i1 to i32
        %cond3A_109 = arith.constant 0 : i32
        %cond3A_110 = arith.cmpi ne, %convert_element_type3A_108, %cond3A_109 : i32
        scf.if %cond3A_110 {
          %dma_wait3A_111 = arith.constant 0 : i32
          %dma_wait3A_112 = tpu.memref_slice %arg4[%add3A_91, %dma_wait3A_111] : memref<480000x128xf32, #tpu.memory_space<hbm>> -> memref<200x128xf32, #tpu.memory_space<hbm>>
          %dma_wait3A_113 = arith.constant 0 : i32
          %dma_wait3A_114 = tpu.memref_slice %arg4[%add3A_91, %dma_wait3A_113] : memref<480000x128xf32, #tpu.memory_space<hbm>> -> memref<200x128xf32, #tpu.memory_space<hbm>>
          tpu.wait_dma2 semaphore(%arg12 : memref<!tpu.dma_semaphore, #tpu.memory_space<semaphore_mem>>) src(%arg8 : memref<200x128xf32, #tpu.memory_space<vmem>>) dst(%dma_wait3A_114 : memref<200x128xf32, #tpu.memory_space<hbm>>)
        } else {
        }
      } else {
      }
    }
    %scan3A_72 = arith.constant 38 : i32
    return
  }
}

#map = affine_map<(d0, d1) -> (0, 0)>
#map1 = affine_map<(d0, d1) -> (0)>
module attributes {stable_mosaic.version = 14 : i64} {
  func.func @gather(%arg0: i32, %arg1: i32, %arg2: memref<160000x128xf32, #tpu.memory_space<hbm>>, %arg3: memref<960000xi32, #tpu.memory_space<hbm>>, %arg4: memref<480000x128xf32, #tpu.memory_space<hbm>>, %arg5: memref<200xi32, #tpu.memory_space<vmem>>, %arg6: memref<200xi32, #tpu.memory_space<vmem>>, %arg7: memref<200x128xf32, #tpu.memory_space<vmem>>, %arg8: memref<200x128xf32, #tpu.memory_space<vmem>>, %arg9: memref<!tpu.dma_semaphore, #tpu.memory_space<semaphore_mem>>, %arg10: memref<!tpu.dma_semaphore, #tpu.memory_space<semaphore_mem>>, %arg11: memref<!tpu.dma_semaphore, #tpu.memory_space<semaphore_mem>>, %arg12: memref<!tpu.dma_semaphore, #tpu.memory_space<semaphore_mem>>) attributes {dimension_semantics = [#tpu.dimension_semantics<core_parallel>, #tpu.dimension_semantics<subcore_parallel>], iteration_bounds = array<i64: 2, 16>, scalar_prefetch = 0 : i64, scratch_operands = 8 : i64, tpu.core_type = #tpu.core_type<sc_vector_subcore>, window_params = [{transform_indices = #map}, {transform_indices = #map1}, {transform_indices = #map}]} {
    %mul3A = arith.constant 2 : i32
    %mul3A_0 = arith.muli %arg1, %mul3A : i32
    %add3A = arith.addi %mul3A_0, %arg0 : i32
    %mul3A_1 = arith.constant 15000 : i32
    %mul3A_2 = arith.muli %add3A, %mul3A_1 : i32
    %add3A_3 = arith.constant 0 : i32
    %add3A_4 = arith.addi %mul3A_2, %add3A_3 : i32
    %jit3A = arith.constant 80000 : i32
    %div3A = arith.divsi %add3A_4, %jit3A : i32
    %sign3A = arith.constant 0 : i32
    %sign3A_5 = arith.cmpi sgt, %add3A_4, %sign3A : i32
    %sign3A_6 = arith.extui %sign3A_5 : i1 to i32
    %sign3A_7 = arith.constant 0 : i32
    %sign3A_8 = arith.cmpi slt, %add3A_4, %sign3A_7 : i32
    %sign3A_9 = arith.extui %sign3A_8 : i1 to i32
    %sign3A_10 = arith.subi %sign3A_6, %sign3A_9 : i32
    %sign3A_11 = arith.constant 0 : i32
    %sign3A_12 = arith.cmpi sgt, %jit3A, %sign3A_11 : i32
    %sign3A_13 = arith.extui %sign3A_12 : i1 to i32
    %sign3A_14 = arith.constant 0 : i32
    %sign3A_15 = arith.cmpi slt, %jit3A, %sign3A_14 : i32
    %sign3A_16 = arith.extui %sign3A_15 : i1 to i32
    %sign3A_17 = arith.subi %sign3A_13, %sign3A_16 : i32
    %ne3A = arith.cmpi ne, %sign3A_10, %sign3A_17 : i32
    %rem3A = arith.remsi %add3A_4, %jit3A : i32
    %ne3A_18 = arith.constant 0 : i32
    %ne3A_19 = arith.cmpi ne, %rem3A, %ne3A_18 : i32
    %and3A = arith.andi %ne3A, %ne3A_19 : i1
    %sub3A = arith.constant 1 : i32
    %sub3A_20 = arith.subi %div3A, %sub3A : i32
    %select_n3A = arith.select %and3A, %sub3A_20, %div3A : i32
    %mul3A_21 = arith.constant 160000 : i32
    %mul3A_22 = arith.muli %select_n3A, %mul3A_21 : i32
    %add3A_23 = arith.constant 0 : i32
    %add3A_24 = arith.addi %mul3A_22, %add3A_23 : i32
    %mul3A_25 = arith.constant 80000 : i32
    %mul3A_26 = arith.muli %select_n3A, %mul3A_25 : i32
    %sub3A_27 = arith.subi %add3A_4, %mul3A_26 : i32
    %add3A_28 = arith.addi %add3A_24, %sub3A_27 : i32
    "tpu.region"() ({
      %run_scoped3A = tpu.sem_alloc : memref<!tpu.dma_semaphore, #tpu.memory_space<semaphore_mem>>
      %dma_start3A_73 = tpu.memref_slice %arg3[%add3A_28] : memref<960000xi32, #tpu.memory_space<hbm>> -> memref<200xi32, #tpu.memory_space<hbm>>
      %dma_start3A_74 = tpu.memref_slice %arg3[%add3A_28] : memref<960000xi32, #tpu.memory_space<hbm>> -> memref<200xi32, #tpu.memory_space<hbm>>
      tpu.enqueue_dma source(%dma_start3A_74 : memref<200xi32, #tpu.memory_space<hbm>>) target(%arg5 : memref<200xi32, #tpu.memory_space<vmem>>) target_semaphore(%run_scoped3A : memref<!tpu.dma_semaphore, #tpu.memory_space<semaphore_mem>>)
      %dma_wait3A = tpu.memref_slice %arg3[%add3A_28] : memref<960000xi32, #tpu.memory_space<hbm>> -> memref<200xi32, #tpu.memory_space<hbm>>
      %dma_wait3A_75 = tpu.memref_slice %arg3[%add3A_28] : memref<960000xi32, #tpu.memory_space<hbm>> -> memref<200xi32, #tpu.memory_space<hbm>>
      tpu.wait_dma2 semaphore(%run_scoped3A : memref<!tpu.dma_semaphore, #tpu.memory_space<semaphore_mem>>) src(%dma_wait3A_75 : memref<200xi32, #tpu.memory_space<hbm>>) dst(%arg5 : memref<200xi32, #tpu.memory_space<vmem>>)
      tpu.yield
    }) : () -> ()
    %dma_start3A = arith.constant 0 : i32
    %dma_start3A_29 = arith.constant 0 : i32
    %dma_start3A_30 = tpu.memref_slice %arg2[%dma_start3A, %dma_start3A_29] : memref<160000x128xf32, #tpu.memory_space<hbm>> -> memref<160000x128xf32, #tpu.memory_space<hbm>>
    tpu.enqueue_indirect_dma source(%dma_start3A_30 : memref<160000x128xf32, #tpu.memory_space<hbm>>) target(%arg7 : memref<200x128xf32, #tpu.memory_space<vmem>>) offsets(%arg5 : memref<200xi32, #tpu.memory_space<vmem>>) semaphore(%arg9 : memref<!tpu.dma_semaphore, #tpu.memory_space<semaphore_mem>>)
    %add3A_31 = arith.constant 200 : i32
    %add3A_32 = arith.addi %mul3A_2, %add3A_31 : i32
    %jit3A_33 = arith.constant 80000 : i32
    %div3A_34 = arith.divsi %add3A_32, %jit3A_33 : i32
    %sign3A_35 = arith.constant 0 : i32
    %sign3A_36 = arith.cmpi sgt, %add3A_32, %sign3A_35 : i32
    %sign3A_37 = arith.extui %sign3A_36 : i1 to i32
    %sign3A_38 = arith.constant 0 : i32
    %sign3A_39 = arith.cmpi slt, %add3A_32, %sign3A_38 : i32
    %sign3A_40 = arith.extui %sign3A_39 : i1 to i32
    %sign3A_41 = arith.subi %sign3A_37, %sign3A_40 : i32
    %sign3A_42 = arith.constant 0 : i32
    %sign3A_43 = arith.cmpi sgt, %jit3A_33, %sign3A_42 : i32
    %sign3A_44 = arith.extui %sign3A_43 : i1 to i32
    %sign3A_45 = arith.constant 0 : i32
    %sign3A_46 = arith.cmpi slt, %jit3A_33, %sign3A_45 : i32
    %sign3A_47 = arith.extui %sign3A_46 : i1 to i32
    %sign3A_48 = arith.subi %sign3A_44, %sign3A_47 : i32
    %ne3A_49 = arith.cmpi ne, %sign3A_41, %sign3A_48 : i32
    %rem3A_50 = arith.remsi %add3A_32, %jit3A_33 : i32
    %ne3A_51 = arith.constant 0 : i32
    %ne3A_52 = arith.cmpi ne, %rem3A_50, %ne3A_51 : i32
    %and3A_53 = arith.andi %ne3A_49, %ne3A_52 : i1
    %sub3A_54 = arith.constant 1 : i32
    %sub3A_55 = arith.subi %div3A_34, %sub3A_54 : i32
    %select_n3A_56 = arith.select %and3A_53, %sub3A_55, %div3A_34 : i32
    %mul3A_57 = arith.constant 160000 : i32
    %mul3A_58 = arith.muli %select_n3A_56, %mul3A_57 : i32
    %add3A_59 = arith.constant 0 : i32
    %add3A_60 = arith.addi %mul3A_58, %add3A_59 : i32
    %mul3A_61 = arith.constant 80000 : i32
    %mul3A_62 = arith.muli %select_n3A_56, %mul3A_61 : i32
    %sub3A_63 = arith.subi %add3A_32, %mul3A_62 : i32
    %add3A_64 = arith.addi %add3A_60, %sub3A_63 : i32
    "tpu.region"() ({
      %run_scoped3A = tpu.sem_alloc : memref<!tpu.dma_semaphore, #tpu.memory_space<semaphore_mem>>
      %dma_start3A_73 = tpu.memref_slice %arg3[%add3A_64] : memref<960000xi32, #tpu.memory_space<hbm>> -> memref<200xi32, #tpu.memory_space<hbm>>
      %dma_start3A_74 = tpu.memref_slice %arg3[%add3A_64] : memref<960000xi32, #tpu.memory_space<hbm>> -> memref<200xi32, #tpu.memory_space<hbm>>
      tpu.enqueue_dma source(%dma_start3A_74 : memref<200xi32, #tpu.memory_space<hbm>>) target(%arg6 : memref<200xi32, #tpu.memory_space<vmem>>) target_semaphore(%run_scoped3A : memref<!tpu.dma_semaphore, #tpu.memory_space<semaphore_mem>>)
      %dma_wait3A = tpu.memref_slice %arg3[%add3A_64] : memref<960000xi32, #tpu.memory_space<hbm>> -> memref<200xi32, #tpu.memory_space<hbm>>
      %dma_wait3A_75 = tpu.memref_slice %arg3[%add3A_64] : memref<960000xi32, #tpu.memory_space<hbm>> -> memref<200xi32, #tpu.memory_space<hbm>>
      tpu.wait_dma2 semaphore(%run_scoped3A : memref<!tpu.dma_semaphore, #tpu.memory_space<semaphore_mem>>) src(%dma_wait3A_75 : memref<200xi32, #tpu.memory_space<hbm>>) dst(%arg6 : memref<200xi32, #tpu.memory_space<vmem>>)
      tpu.yield
    }) : () -> ()
    %dma_start3A_65 = arith.constant 0 : i32
    %dma_start3A_66 = arith.constant 0 : i32
    %dma_start3A_67 = tpu.memref_slice %arg2[%dma_start3A_65, %dma_start3A_66] : memref<160000x128xf32, #tpu.memory_space<hbm>> -> memref<160000x128xf32, #tpu.memory_space<hbm>>
    tpu.enqueue_indirect_dma source(%dma_start3A_67 : memref<160000x128xf32, #tpu.memory_space<hbm>>) target(%arg8 : memref<200x128xf32, #tpu.memory_space<vmem>>) offsets(%arg6 : memref<200xi32, #tpu.memory_space<vmem>>) semaphore(%arg10 : memref<!tpu.dma_semaphore, #tpu.memory_space<semaphore_mem>>)
    %scan3A = arith.constant 0 : i32
    %scan3A_68 = arith.constant 0 : i32
    %scan3A_69 = arith.constant 38 : i32
    %scan3A_70 = arith.addi %scan3A_68, %scan3A_69 : i32
    %scan3A_71 = arith.constant 1 : i32
    scf.for %scan3A_73 = %scan3A_68 to %scan3A_70 step %scan3A_71  : i32 {
      %mul3A_74 = arith.constant 2 : i32
      %mul3A_75 = arith.muli %mul3A_74, %scan3A_73 : i32
      %add3A_76 = arith.constant 0 : i32
      %add3A_77 = arith.addi %mul3A_75, %add3A_76 : i32
      %lt3A = arith.constant 75 : i32
      %lt3A_78 = arith.cmpi slt, %add3A_77, %lt3A : i32
      %convert_element_type3A = arith.extui %lt3A_78 : i1 to i32
      %cond3A = arith.constant 0 : i32
      %cond3A_79 = arith.cmpi ne, %convert_element_type3A, %cond3A : i32
      scf.if %cond3A_79 {
        %mul3A_89 = arith.constant 200 : i32
        %mul3A_90 = arith.muli %add3A_77, %mul3A_89 : i32
        %add3A_91 = arith.addi %mul3A_2, %mul3A_90 : i32
        %dma_wait3A = arith.constant 0 : i32
        %dma_wait3A_92 = arith.constant 0 : i32
        %dma_wait3A_93 = tpu.memref_slice %arg2[%dma_wait3A, %dma_wait3A_92] : memref<160000x128xf32, #tpu.memory_space<hbm>> -> memref<160000x128xf32, #tpu.memory_space<hbm>>
        tpu.wait_indirect_dma semaphore(%arg9 : memref<!tpu.dma_semaphore, #tpu.memory_space<semaphore_mem>>) src(%dma_wait3A_93 : memref<160000x128xf32, #tpu.memory_space<hbm>>) dst(%arg7 : memref<200x128xf32, #tpu.memory_space<vmem>>)
        %dma_start3A_94 = arith.constant 0 : i32
        %dma_start3A_95 = tpu.memref_slice %arg4[%add3A_91, %dma_start3A_94] : memref<480000x128xf32, #tpu.memory_space<hbm>> -> memref<200x128xf32, #tpu.memory_space<hbm>>
        %dma_start3A_96 = arith.constant 0 : i32
        %dma_start3A_97 = tpu.memref_slice %arg4[%add3A_91, %dma_start3A_96] : memref<480000x128xf32, #tpu.memory_space<hbm>> -> memref<200x128xf32, #tpu.memory_space<hbm>>
        tpu.enqueue_dma source(%arg7 : memref<200x128xf32, #tpu.memory_space<vmem>>) target(%dma_start3A_97 : memref<200x128xf32, #tpu.memory_space<hbm>>) target_semaphore(%arg11 : memref<!tpu.dma_semaphore, #tpu.memory_space<semaphore_mem>>)
        %add3A_98 = arith.constant 2 : i32
        %add3A_99 = arith.addi %add3A_77, %add3A_98 : i32
        %lt3A_100 = arith.constant 75 : i32
        %lt3A_101 = arith.cmpi slt, %add3A_99, %lt3A_100 : i32
        %convert_element_type3A_102 = arith.extui %lt3A_101 : i1 to i32
        %cond3A_103 = arith.constant 0 : i32
        %cond3A_104 = arith.cmpi ne, %convert_element_type3A_102, %cond3A_103 : i32
        scf.if %cond3A_104 {
          %add3A_111 = arith.constant 2 : i32
          %add3A_112 = arith.addi %add3A_77, %add3A_111 : i32
          %mul3A_113 = arith.constant 200 : i32
          %mul3A_114 = arith.muli %add3A_112, %mul3A_113 : i32
          %add3A_115 = arith.addi %mul3A_2, %mul3A_114 : i32
          %jit3A_116 = arith.constant 80000 : i32
          %div3A_117 = arith.divsi %add3A_115, %jit3A_116 : i32
          %sign3A_118 = arith.constant 0 : i32
          %sign3A_119 = arith.cmpi sgt, %add3A_115, %sign3A_118 : i32
          %sign3A_120 = arith.extui %sign3A_119 : i1 to i32
          %sign3A_121 = arith.constant 0 : i32
          %sign3A_122 = arith.cmpi slt, %add3A_115, %sign3A_121 : i32
          %sign3A_123 = arith.extui %sign3A_122 : i1 to i32
          %sign3A_124 = arith.subi %sign3A_120, %sign3A_123 : i32
          %sign3A_125 = arith.constant 0 : i32
          %sign3A_126 = arith.cmpi sgt, %jit3A_116, %sign3A_125 : i32
          %sign3A_127 = arith.extui %sign3A_126 : i1 to i32
          %sign3A_128 = arith.constant 0 : i32
          %sign3A_129 = arith.cmpi slt, %jit3A_116, %sign3A_128 : i32
          %sign3A_130 = arith.extui %sign3A_129 : i1 to i32
          %sign3A_131 = arith.subi %sign3A_127, %sign3A_130 : i32
          %ne3A_132 = arith.cmpi ne, %sign3A_124, %sign3A_131 : i32
          %rem3A_133 = arith.remsi %add3A_115, %jit3A_116 : i32
          %ne3A_134 = arith.constant 0 : i32
          %ne3A_135 = arith.cmpi ne, %rem3A_133, %ne3A_134 : i32
          %and3A_136 = arith.andi %ne3A_132, %ne3A_135 : i1
          %sub3A_137 = arith.constant 1 : i32
          %sub3A_138 = arith.subi %div3A_117, %sub3A_137 : i32
          %select_n3A_139 = arith.select %and3A_136, %sub3A_138, %div3A_117 : i32
          %mul3A_140 = arith.constant 160000 : i32
          %mul3A_141 = arith.muli %select_n3A_139, %mul3A_140 : i32
          %add3A_142 = arith.constant 0 : i32
          %add3A_143 = arith.addi %mul3A_141, %add3A_142 : i32
          %mul3A_144 = arith.constant 80000 : i32
          %mul3A_145 = arith.muli %select_n3A_139, %mul3A_144 : i32
          %sub3A_146 = arith.subi %add3A_115, %mul3A_145 : i32
          %add3A_147 = arith.addi %add3A_143, %sub3A_146 : i32
          "tpu.region"() ({
            %run_scoped3A = tpu.sem_alloc : memref<!tpu.dma_semaphore, #tpu.memory_space<semaphore_mem>>
            %dma_start3A_155 = tpu.memref_slice %arg3[%add3A_147] : memref<960000xi32, #tpu.memory_space<hbm>> -> memref<200xi32, #tpu.memory_space<hbm>>
            %dma_start3A_156 = tpu.memref_slice %arg3[%add3A_147] : memref<960000xi32, #tpu.memory_space<hbm>> -> memref<200xi32, #tpu.memory_space<hbm>>
            tpu.enqueue_dma source(%dma_start3A_156 : memref<200xi32, #tpu.memory_space<hbm>>) target(%arg5 : memref<200xi32, #tpu.memory_space<vmem>>) target_semaphore(%run_scoped3A : memref<!tpu.dma_semaphore, #tpu.memory_space<semaphore_mem>>)
            %dma_wait3A_157 = tpu.memref_slice %arg3[%add3A_147] : memref<960000xi32, #tpu.memory_space<hbm>> -> memref<200xi32, #tpu.memory_space<hbm>>
            %dma_wait3A_158 = tpu.memref_slice %arg3[%add3A_147] : memref<960000xi32, #tpu.memory_space<hbm>> -> memref<200xi32, #tpu.memory_space<hbm>>
            tpu.wait_dma2 semaphore(%run_scoped3A : memref<!tpu.dma_semaphore, #tpu.memory_space<semaphore_mem>>) src(%dma_wait3A_158 : memref<200xi32, #tpu.memory_space<hbm>>) dst(%arg5 : memref<200xi32, #tpu.memory_space<vmem>>)
            tpu.yield
          }) : () -> ()
          %dma_wait3A_148 = arith.constant 0 : i32
          %dma_wait3A_149 = tpu.memref_slice %arg4[%add3A_91, %dma_wait3A_148] : memref<480000x128xf32, #tpu.memory_space<hbm>> -> memref<200x128xf32, #tpu.memory_space<hbm>>
          %dma_wait3A_150 = arith.constant 0 : i32
          %dma_wait3A_151 = tpu.memref_slice %arg4[%add3A_91, %dma_wait3A_150] : memref<480000x128xf32, #tpu.memory_space<hbm>> -> memref<200x128xf32, #tpu.memory_space<hbm>>
          tpu.wait_dma2 semaphore(%arg11 : memref<!tpu.dma_semaphore, #tpu.memory_space<semaphore_mem>>) src(%arg7 : memref<200x128xf32, #tpu.memory_space<vmem>>) dst(%dma_wait3A_151 : memref<200x128xf32, #tpu.memory_space<hbm>>)
          %dma_start3A_152 = arith.constant 0 : i32
          %dma_start3A_153 = arith.constant 0 : i32
          %dma_start3A_154 = tpu.memref_slice %arg2[%dma_start3A_152, %dma_start3A_153] : memref<160000x128xf32, #tpu.memory_space<hbm>> -> memref<160000x128xf32, #tpu.memory_space<hbm>>
          tpu.enqueue_indirect_dma source(%dma_start3A_154 : memref<160000x128xf32, #tpu.memory_space<hbm>>) target(%arg7 : memref<200x128xf32, #tpu.memory_space<vmem>>) offsets(%arg5 : memref<200xi32, #tpu.memory_space<vmem>>) semaphore(%arg9 : memref<!tpu.dma_semaphore, #tpu.memory_space<semaphore_mem>>)
        } else {
        }
        %add3A_105 = arith.constant 2 : i32
        %add3A_106 = arith.addi %add3A_77, %add3A_105 : i32
        %ge3A = arith.constant 75 : i32
        %ge3A_107 = arith.cmpi sge, %add3A_106, %ge3A : i32
        %convert_element_type3A_108 = arith.extui %ge3A_107 : i1 to i32
        %cond3A_109 = arith.constant 0 : i32
        %cond3A_110 = arith.cmpi ne, %convert_element_type3A_108, %cond3A_109 : i32
        scf.if %cond3A_110 {
          %dma_wait3A_111 = arith.constant 0 : i32
          %dma_wait3A_112 = tpu.memref_slice %arg4[%add3A_91, %dma_wait3A_111] : memref<480000x128xf32, #tpu.memory_space<hbm>> -> memref<200x128xf32, #tpu.memory_space<hbm>>
          %dma_wait3A_113 = arith.constant 0 : i32
          %dma_wait3A_114 = tpu.memref_slice %arg4[%add3A_91, %dma_wait3A_113] : memref<480000x128xf32, #tpu.memory_space<hbm>> -> memref<200x128xf32, #tpu.memory_space<hbm>>
          tpu.wait_dma2 semaphore(%arg11 : memref<!tpu.dma_semaphore, #tpu.memory_space<semaphore_mem>>) src(%arg7 : memref<200x128xf32, #tpu.memory_space<vmem>>) dst(%dma_wait3A_114 : memref<200x128xf32, #tpu.memory_space<hbm>>)
        } else {
        }
      } else {
      }
      %mul3A_80 = arith.constant 2 : i32
      %mul3A_81 = arith.muli %mul3A_80, %scan3A_73 : i32
      %add3A_82 = arith.constant 1 : i32
      %add3A_83 = arith.addi %mul3A_81, %add3A_82 : i32
      %lt3A_84 = arith.constant 75 : i32
      %lt3A_85 = arith.cmpi slt, %add3A_83, %lt3A_84 : i32
      %convert_element_type3A_86 = arith.extui %lt3A_85 : i1 to i32
      %cond3A_87 = arith.constant 0 : i32
      %cond3A_88 = arith.cmpi ne, %convert_element_type3A_86, %cond3A_87 : i32
      scf.if %cond3A_88 {
        %mul3A_89 = arith.constant 200 : i32
        %mul3A_90 = arith.muli %add3A_83, %mul3A_89 : i32
        %add3A_91 = arith.addi %mul3A_2, %mul3A_90 : i32
        %dma_wait3A = arith.constant 0 : i32
        %dma_wait3A_92 = arith.constant 0 : i32
        %dma_wait3A_93 = tpu.memref_slice %arg2[%dma_wait3A, %dma_wait3A_92] : memref<160000x128xf32, #tpu.memory_space<hbm>> -> memref<160000x128xf32, #tpu.memory_space<hbm>>
        tpu.wait_indirect_dma semaphore(%arg10 : memref<!tpu.dma_semaphore, #tpu.memory_space<semaphore_mem>>) src(%dma_wait3A_93 : memref<160000x128xf32, #tpu.memory_space<hbm>>) dst(%arg8 : memref<200x128xf32, #tpu.memory_space<vmem>>)
        %dma_start3A_94 = arith.constant 0 : i32
        %dma_start3A_95 = tpu.memref_slice %arg4[%add3A_91, %dma_start3A_94] : memref<480000x128xf32, #tpu.memory_space<hbm>> -> memref<200x128xf32, #tpu.memory_space<hbm>>
        %dma_start3A_96 = arith.constant 0 : i32
        %dma_start3A_97 = tpu.memref_slice %arg4[%add3A_91, %dma_start3A_96] : memref<480000x128xf32, #tpu.memory_space<hbm>> -> memref<200x128xf32, #tpu.memory_space<hbm>>
        tpu.enqueue_dma source(%arg8 : memref<200x128xf32, #tpu.memory_space<vmem>>) target(%dma_start3A_97 : memref<200x128xf32, #tpu.memory_space<hbm>>) target_semaphore(%arg12 : memref<!tpu.dma_semaphore, #tpu.memory_space<semaphore_mem>>)
        %add3A_98 = arith.constant 2 : i32
        %add3A_99 = arith.addi %add3A_83, %add3A_98 : i32
        %lt3A_100 = arith.constant 75 : i32
        %lt3A_101 = arith.cmpi slt, %add3A_99, %lt3A_100 : i32
        %convert_element_type3A_102 = arith.extui %lt3A_101 : i1 to i32
        %cond3A_103 = arith.constant 0 : i32
        %cond3A_104 = arith.cmpi ne, %convert_element_type3A_102, %cond3A_103 : i32
        scf.if %cond3A_104 {
          %add3A_111 = arith.constant 2 : i32
          %add3A_112 = arith.addi %add3A_83, %add3A_111 : i32
          %mul3A_113 = arith.constant 200 : i32
          %mul3A_114 = arith.muli %add3A_112, %mul3A_113 : i32
          %add3A_115 = arith.addi %mul3A_2, %mul3A_114 : i32
          %jit3A_116 = arith.constant 80000 : i32
          %div3A_117 = arith.divsi %add3A_115, %jit3A_116 : i32
          %sign3A_118 = arith.constant 0 : i32
          %sign3A_119 = arith.cmpi sgt, %add3A_115, %sign3A_118 : i32
          %sign3A_120 = arith.extui %sign3A_119 : i1 to i32
          %sign3A_121 = arith.constant 0 : i32
          %sign3A_122 = arith.cmpi slt, %add3A_115, %sign3A_121 : i32
          %sign3A_123 = arith.extui %sign3A_122 : i1 to i32
          %sign3A_124 = arith.subi %sign3A_120, %sign3A_123 : i32
          %sign3A_125 = arith.constant 0 : i32
          %sign3A_126 = arith.cmpi sgt, %jit3A_116, %sign3A_125 : i32
          %sign3A_127 = arith.extui %sign3A_126 : i1 to i32
          %sign3A_128 = arith.constant 0 : i32
          %sign3A_129 = arith.cmpi slt, %jit3A_116, %sign3A_128 : i32
          %sign3A_130 = arith.extui %sign3A_129 : i1 to i32
          %sign3A_131 = arith.subi %sign3A_127, %sign3A_130 : i32
          %ne3A_132 = arith.cmpi ne, %sign3A_124, %sign3A_131 : i32
          %rem3A_133 = arith.remsi %add3A_115, %jit3A_116 : i32
          %ne3A_134 = arith.constant 0 : i32
          %ne3A_135 = arith.cmpi ne, %rem3A_133, %ne3A_134 : i32
          %and3A_136 = arith.andi %ne3A_132, %ne3A_135 : i1
          %sub3A_137 = arith.constant 1 : i32
          %sub3A_138 = arith.subi %div3A_117, %sub3A_137 : i32
          %select_n3A_139 = arith.select %and3A_136, %sub3A_138, %div3A_117 : i32
          %mul3A_140 = arith.constant 160000 : i32
          %mul3A_141 = arith.muli %select_n3A_139, %mul3A_140 : i32
          %add3A_142 = arith.constant 0 : i32
          %add3A_143 = arith.addi %mul3A_141, %add3A_142 : i32
          %mul3A_144 = arith.constant 80000 : i32
          %mul3A_145 = arith.muli %select_n3A_139, %mul3A_144 : i32
          %sub3A_146 = arith.subi %add3A_115, %mul3A_145 : i32
          %add3A_147 = arith.addi %add3A_143, %sub3A_146 : i32
          "tpu.region"() ({
            %run_scoped3A = tpu.sem_alloc : memref<!tpu.dma_semaphore, #tpu.memory_space<semaphore_mem>>
            %dma_start3A_155 = tpu.memref_slice %arg3[%add3A_147] : memref<960000xi32, #tpu.memory_space<hbm>> -> memref<200xi32, #tpu.memory_space<hbm>>
            %dma_start3A_156 = tpu.memref_slice %arg3[%add3A_147] : memref<960000xi32, #tpu.memory_space<hbm>> -> memref<200xi32, #tpu.memory_space<hbm>>
            tpu.enqueue_dma source(%dma_start3A_156 : memref<200xi32, #tpu.memory_space<hbm>>) target(%arg6 : memref<200xi32, #tpu.memory_space<vmem>>) target_semaphore(%run_scoped3A : memref<!tpu.dma_semaphore, #tpu.memory_space<semaphore_mem>>)
            %dma_wait3A_157 = tpu.memref_slice %arg3[%add3A_147] : memref<960000xi32, #tpu.memory_space<hbm>> -> memref<200xi32, #tpu.memory_space<hbm>>
            %dma_wait3A_158 = tpu.memref_slice %arg3[%add3A_147] : memref<960000xi32, #tpu.memory_space<hbm>> -> memref<200xi32, #tpu.memory_space<hbm>>
            tpu.wait_dma2 semaphore(%run_scoped3A : memref<!tpu.dma_semaphore, #tpu.memory_space<semaphore_mem>>) src(%dma_wait3A_158 : memref<200xi32, #tpu.memory_space<hbm>>) dst(%arg6 : memref<200xi32, #tpu.memory_space<vmem>>)
            tpu.yield
          }) : () -> ()
          %dma_wait3A_148 = arith.constant 0 : i32
          %dma_wait3A_149 = tpu.memref_slice %arg4[%add3A_91, %dma_wait3A_148] : memref<480000x128xf32, #tpu.memory_space<hbm>> -> memref<200x128xf32, #tpu.memory_space<hbm>>
          %dma_wait3A_150 = arith.constant 0 : i32
          %dma_wait3A_151 = tpu.memref_slice %arg4[%add3A_91, %dma_wait3A_150] : memref<480000x128xf32, #tpu.memory_space<hbm>> -> memref<200x128xf32, #tpu.memory_space<hbm>>
          tpu.wait_dma2 semaphore(%arg12 : memref<!tpu.dma_semaphore, #tpu.memory_space<semaphore_mem>>) src(%arg8 : memref<200x128xf32, #tpu.memory_space<vmem>>) dst(%dma_wait3A_151 : memref<200x128xf32, #tpu.memory_space<hbm>>)
          %dma_start3A_152 = arith.constant 0 : i32
          %dma_start3A_153 = arith.constant 0 : i32
          %dma_start3A_154 = tpu.memref_slice %arg2[%dma_start3A_152, %dma_start3A_153] : memref<160000x128xf32, #tpu.memory_space<hbm>> -> memref<160000x128xf32, #tpu.memory_space<hbm>>
          tpu.enqueue_indirect_dma source(%dma_start3A_154 : memref<160000x128xf32, #tpu.memory_space<hbm>>) target(%arg8 : memref<200x128xf32, #tpu.memory_space<vmem>>) offsets(%arg6 : memref<200xi32, #tpu.memory_space<vmem>>) semaphore(%arg10 : memref<!tpu.dma_semaphore, #tpu.memory_space<semaphore_mem>>)
        } else {
        }
        %add3A_105 = arith.constant 2 : i32
        %add3A_106 = arith.addi %add3A_83, %add3A_105 : i32
        %ge3A = arith.constant 75 : i32
        %ge3A_107 = arith.cmpi sge, %add3A_106, %ge3A : i32
        %convert_element_type3A_108 = arith.extui %ge3A_107 : i1 to i32
        %cond3A_109 = arith.constant 0 : i32
        %cond3A_110 = arith.cmpi ne, %convert_element_type3A_108, %cond3A_109 : i32
        scf.if %cond3A_110 {
          %dma_wait3A_111 = arith.constant 0 : i32
          %dma_wait3A_112 = tpu.memref_slice %arg4[%add3A_91, %dma_wait3A_111] : memref<480000x128xf32, #tpu.memory_space<hbm>> -> memref<200x128xf32, #tpu.memory_space<hbm>>
          %dma_wait3A_113 = arith.constant 0 : i32
          %dma_wait3A_114 = tpu.memref_slice %arg4[%add3A_91, %dma_wait3A_113] : memref<480000x128xf32, #tpu.memory_space<hbm>> -> memref<200x128xf32, #tpu.memory_space<hbm>>
          tpu.wait_dma2 semaphore(%arg12 : memref<!tpu.dma_semaphore, #tpu.memory_space<semaphore_mem>>) src(%arg8 : memref<200x128xf32, #tpu.memory_space<vmem>>) dst(%dma_wait3A_114 : memref<200x128xf32, #tpu.memory_space<hbm>>)
        } else {
        }
      } else {
      }
    }
    %scan3A_72 = arith.constant 38 : i32
    return
  }
}

module attributes {stable_mosaic.version = 14 : i64} {
  func.func @_emb_body(%arg0: i32, %arg1: memref<3200x37xf32, #tpu.memory_space<vmem>>, %arg2: memref<37x128xf32, #tpu.memory_space<vmem>>, %arg3: memref<1x128xf32, #tpu.memory_space<vmem>>, %arg4: memref<3200x6xi32, #tpu.memory_space<vmem>>, %arg5: memref<3200x128xf32, #tpu.memory_space<vmem>>, %arg6: memref<6x3200xi32, #tpu.memory_space<vmem>>) attributes {dimension_semantics = [#tpu.dimension_semantics<parallel>], iteration_bounds = array<i64: 50>, scalar_prefetch = 0 : i64, scratch_operands = 0 : i64, tpu.core_type = #tpu.core_type<tc>, window_params = [{transform_indices = @transform_0, window_bounds = array<i64: 3200, 37>}, {pipeline_mode = #tpu.pipeline_mode<synchronous>, transform_indices = @transform_1, window_bounds = array<i64: 37, 128>}, {pipeline_mode = #tpu.pipeline_mode<synchronous>, transform_indices = @transform_2, window_bounds = array<i64: 1, 128>}, {transform_indices = @transform_3, window_bounds = array<i64: 3200, 6>}, {transform_indices = @transform_4, window_bounds = array<i64: 3200, 128>}, {transform_indices = @transform_5, window_bounds = array<i64: 6, 3200>}]} {
    %get3A = arith.constant 0 : index
    %get3A_0 = arith.constant 0 : index
    %get3A_1 = vector.load %arg1[%get3A, %get3A_0] : memref<3200x37xf32, #tpu.memory_space<vmem>>, vector<3200x37xf32>
    %get3A_2 = arith.constant 0 : index
    %get3A_3 = arith.constant 0 : index
    %get3A_4 = vector.load %arg2[%get3A_2, %get3A_3] : memref<37x128xf32, #tpu.memory_space<vmem>>, vector<37x128xf32>
    %dot_general3A = arith.constant dense<0.000000e+00> : vector<3200x128xf32>
    %dot_general3A_5 = tpu.matmul %get3A_1, %get3A_4, %dot_general3A {dimension_numbers = #tpu.dot_dimension_numbers<[1], [0], [0], [1], [0, 0, 1, 1], [], []>, transpose_lhs_hint = false} : vector<3200x37xf32>, vector<37x128xf32>, vector<3200x128xf32> -> vector<3200x128xf32>
    %get3A_6 = arith.constant 0 : index
    %get3A_7 = arith.constant 0 : index
    %get3A_8 = vector.load %arg3[%get3A_6, %get3A_7] : memref<1x128xf32, #tpu.memory_space<vmem>>, vector<1x128xf32>
    %add3A = vector.broadcast %get3A_8 : vector<1x128xf32> to vector<3200x128xf32>
    %add3A_9 = arith.addf %dot_general3A_5, %add3A : vector<3200x128xf32>
    %ge3A = arith.constant 0.000000e+00 : f32
    %ge3A_10 = vector.broadcast %ge3A : f32 to vector<3200x128xf32>
    %ge3A_11 = arith.cmpf oge, %add3A_9, %ge3A_10 : vector<3200x128xf32>
    %mul3A = arith.constant 1.000000e-01 : f32
    %mul3A_12 = vector.broadcast %mul3A : f32 to vector<3200x128xf32>
    %mul3A_13 = arith.mulf %mul3A_12, %add3A_9 : vector<3200x128xf32>
    %select_n3A = arith.select %ge3A_11, %add3A_9, %mul3A_13 : vector<3200x128xi1>, vector<3200x128xf32>
    %swap3A = arith.constant 0 : index
    %swap3A_14 = arith.constant 0 : index
    %swap3A_15 = vector.load %arg5[%swap3A, %swap3A_14] : memref<3200x128xf32, #tpu.memory_space<vmem>>, vector<3200x128xf32>
    tpu.vector_store %arg5[%swap3A, %swap3A_14], %select_n3A {strides = array<i32>} : memref<3200x128xf32, #tpu.memory_space<vmem>>, vector<3200x128xf32>,
    %get3A_16 = arith.constant 0 : index
    %get3A_17 = arith.constant 0 : index
    %get3A_18 = vector.load %arg4[%get3A_16, %get3A_17] : memref<3200x6xi32, #tpu.memory_space<vmem>>, vector<3200x6xi32>
    %transpose3A = tpu.transpose %get3A_18, [1, 0] : vector<3200x6xi32> -> vector<6x3200xi32>
    %swap3A_19 = arith.constant 0 : index
    %swap3A_20 = arith.constant 0 : index
    %swap3A_21 = vector.load %arg6[%swap3A_19, %swap3A_20] : memref<6x3200xi32, #tpu.memory_space<vmem>>, vector<6x3200xi32>
    tpu.vector_store %arg6[%swap3A_19, %swap3A_20], %transpose3A {strides = array<i32>} : memref<6x3200xi32, #tpu.memory_space<vmem>>, vector<6x3200xi32>,
    return
  }
  func.func @transform_0(%arg0: i32) -> (i32, i32) {
    %c0_i32 = arith.constant 0 : i32
    %c0_i32_0 = arith.constant 0 : i32
    return %arg0, %c0_i32 : i32, i32
  }
  func.func @transform_1(%arg0: i32) -> (i32, i32) {
    %c0_i32 = arith.constant 0 : i32
    %c0_i32_0 = arith.constant 0 : i32
    %c0_i32_1 = arith.constant 0 : i32
    return %c0_i32, %c0_i32_0 : i32, i32
  }
  func.func @transform_2(%arg0: i32) -> (i32, i32) {
    %c0_i32 = arith.constant 0 : i32
    %c0_i32_0 = arith.constant 0 : i32
    %c0_i32_1 = arith.constant 0 : i32
    return %c0_i32, %c0_i32_0 : i32, i32
  }
  func.func @transform_3(%arg0: i32) -> (i32, i32) {
    %c0_i32 = arith.constant 0 : i32
    %c0_i32_0 = arith.constant 0 : i32
    return %arg0, %c0_i32 : i32, i32
  }
  func.func @transform_4(%arg0: i32) -> (i32, i32) {
    %c0_i32 = arith.constant 0 : i32
    %c0_i32_0 = arith.constant 0 : i32
    return %arg0, %c0_i32 : i32, i32
  }
  func.func @transform_5(%arg0: i32) -> (i32, i32) {
    %c0_i32 = arith.constant 0 : i32
    %c0_i32_0 = arith.constant 0 : i32
    return %c0_i32, %arg0 : i32, i32
  }
}

module attributes {stable_mosaic.version = 14 : i64} {
  func.func @_att_body(%arg0: i32, %arg1: memref<1600x128xf32, #tpu.memory_space<vmem>>, %arg2: memref<1600x128xf32, #tpu.memory_space<vmem>>, %arg3: memref<1600x128xf32, #tpu.memory_space<vmem>>, %arg4: memref<1600x128xf32, #tpu.memory_space<vmem>>, %arg5: memref<1600x128xf32, #tpu.memory_space<vmem>>, %arg6: memref<1600x128xf32, #tpu.memory_space<vmem>>, %arg7: memref<1600x128xf32, #tpu.memory_space<vmem>>, %arg8: memref<1600x6xi32, #tpu.memory_space<vmem>>, %arg9: memref<128x128xbf16, #tpu.memory_space<vmem>>, %arg10: memref<128x128xbf16, #tpu.memory_space<vmem>>, %arg11: memref<128x128xbf16, #tpu.memory_space<vmem>>, %arg12: memref<128x128xf32, #tpu.memory_space<vmem>>, %arg13: memref<1600x128xf32, #tpu.memory_space<vmem>>) attributes {dimension_semantics = [#tpu.dimension_semantics<parallel>], iteration_bounds = array<i64: 50>, scalar_prefetch = 0 : i64, scratch_operands = 0 : i64, tpu.core_type = #tpu.core_type<tc>, window_params = [{transform_indices = @transform_0, window_bounds = array<i64: 1600, 128>}, {transform_indices = @transform_1, window_bounds = array<i64: 1600, 128>}, {transform_indices = @transform_2, window_bounds = array<i64: 1600, 128>}, {transform_indices = @transform_3, window_bounds = array<i64: 1600, 128>}, {transform_indices = @transform_4, window_bounds = array<i64: 1600, 128>}, {transform_indices = @transform_5, window_bounds = array<i64: 1600, 128>}, {transform_indices = @transform_6, window_bounds = array<i64: 1600, 128>}, {transform_indices = @transform_7, window_bounds = array<i64: 1600, 6>}, {pipeline_mode = #tpu.pipeline_mode<synchronous>, transform_indices = @transform_8, window_bounds = array<i64: 128, 128>}, {pipeline_mode = #tpu.pipeline_mode<synchronous>, transform_indices = @transform_9, window_bounds = array<i64: 128, 128>}, {pipeline_mode = #tpu.pipeline_mode<synchronous>, transform_indices = @transform_10, window_bounds = array<i64: 128, 128>}, {pipeline_mode = #tpu.pipeline_mode<synchronous>, transform_indices = @transform_11, window_bounds = array<i64: 128, 128>}, {transform_indices = @transform_12, window_bounds = array<i64: 1600, 128>}]} {
    %get3A = arith.constant 0 : index
    %get3A_0 = arith.constant 0 : index
    %get3A_1 = vector.load %arg1[%get3A, %get3A_0] : memref<1600x128xf32, #tpu.memory_space<vmem>>, vector<1600x128xf32>
    %ge3A = arith.constant 0.000000e+00 : f32
    %ge3A_2 = vector.broadcast %ge3A : f32 to vector<1600x128xf32>
    %ge3A_3 = arith.cmpf oge, %get3A_1, %ge3A_2 : vector<1600x128xf32>
    %mul3A = arith.constant 1.000000e+01 : f32
    %mul3A_4 = vector.broadcast %mul3A : f32 to vector<1600x128xf32>
    %mul3A_5 = arith.mulf %mul3A_4, %get3A_1 : vector<1600x128xf32>
    %select_n3A = arith.select %ge3A_3, %get3A_1, %mul3A_5 : vector<1600x128xi1>, vector<1600x128xf32>
    %convert_element_type3A = arith.truncf %get3A_1 : vector<1600x128xf32> to vector<1600x128xbf16>
    %get3A_6 = arith.constant 0 : index
    %get3A_7 = arith.constant 0 : index
    %get3A_8 = vector.load %arg9[%get3A_6, %get3A_7] : memref<128x128xbf16, #tpu.memory_space<vmem>>, vector<128x128xbf16>
    %dot_general3A = arith.constant dense<0.000000e+00> : vector<1600x128xf32>
    %dot_general3A_9 = tpu.matmul %convert_element_type3A, %get3A_8, %dot_general3A {dimension_numbers = #tpu.dot_dimension_numbers<[1], [0], [0], [1], [0, 0, 1, 1], [], []>, transpose_lhs_hint = false} : vector<1600x128xbf16>, vector<128x128xbf16>, vector<1600x128xf32> -> vector<1600x128xf32>
    %iota3A = tpu.iota {dimensions = array<i32: 0>} : vector<128x4xi32>
    %jit3A = arith.constant 32 : i32
    %div3A = vector.broadcast %jit3A : i32 to vector<128x4xi32>
    %div3A_10 = arith.divsi %iota3A, %div3A : vector<128x4xi32>
    %sign3A = arith.constant 0 : i32
    %sign3A_11 = vector.broadcast %sign3A : i32 to vector<128x4xi32>
    %sign3A_12 = arith.cmpi sgt, %iota3A, %sign3A_11 : vector<128x4xi32>
    %sign3A_13 = arith.extui %sign3A_12 : vector<128x4xi1> to vector<128x4xi32>
    %sign3A_14 = arith.constant 0 : i32
    %sign3A_15 = vector.broadcast %sign3A_14 : i32 to vector<128x4xi32>
    %sign3A_16 = arith.cmpi slt, %iota3A, %sign3A_15 : vector<128x4xi32>
    %sign3A_17 = arith.extui %sign3A_16 : vector<128x4xi1> to vector<128x4xi32>
    %sign3A_18 = arith.subi %sign3A_13, %sign3A_17 : vector<128x4xi32>
    %sign3A_19 = arith.constant 0 : i32
    %sign3A_20 = arith.cmpi sgt, %jit3A, %sign3A_19 : i32
    %sign3A_21 = arith.extui %sign3A_20 : i1 to i32
    %sign3A_22 = arith.constant 0 : i32
    %sign3A_23 = arith.cmpi slt, %jit3A, %sign3A_22 : i32
    %sign3A_24 = arith.extui %sign3A_23 : i1 to i32
    %sign3A_25 = arith.subi %sign3A_21, %sign3A_24 : i32
    %ne3A = vector.broadcast %sign3A_25 : i32 to vector<128x4xi32>
    %ne3A_26 = arith.cmpi ne, %sign3A_18, %ne3A : vector<128x4xi32>
    %rem3A = vector.broadcast %jit3A : i32 to vector<128x4xi32>
    %rem3A_27 = arith.remsi %iota3A, %rem3A : vector<128x4xi32>
    %ne3A_28 = arith.constant 0 : i32
    %ne3A_29 = vector.broadcast %ne3A_28 : i32 to vector<128x4xi32>
    %ne3A_30 = arith.cmpi ne, %rem3A_27, %ne3A_29 : vector<128x4xi32>
    %and3A = arith.andi %ne3A_26, %ne3A_30 : vector<128x4xi1>
    %sub3A = arith.constant 1 : i32
    %sub3A_31 = vector.broadcast %sub3A : i32 to vector<128x4xi32>
    %sub3A_32 = arith.subi %div3A_10, %sub3A_31 : vector<128x4xi32>
    %select_n3A_33 = arith.select %and3A, %sub3A_32, %div3A_10 : vector<128x4xi1>, vector<128x4xi32>
    %iota3A_34 = tpu.iota {dimensions = array<i32: 1>} : vector<128x4xi32>
    %eq3A = arith.cmpi eq, %select_n3A_33, %iota3A_34 : vector<128x4xi32>
    %convert_element_type3A_35 = arith.extui %eq3A : vector<128x4xi1> to vector<128x4xi32>
    %convert_element_type3A_36 = arith.sitofp %convert_element_type3A_35 : vector<128x4xi32> to vector<128x4xf32>
    %iota3A_37 = tpu.iota {dimensions = array<i32: 1>} : vector<4x128xi32>
    %jit3A_38 = arith.constant 32 : i32
    %div3A_39 = vector.broadcast %jit3A_38 : i32 to vector<4x128xi32>
    %div3A_40 = arith.divsi %iota3A_37, %div3A_39 : vector<4x128xi32>
    %sign3A_41 = arith.constant 0 : i32
    %sign3A_42 = vector.broadcast %sign3A_41 : i32 to vector<4x128xi32>
    %sign3A_43 = arith.cmpi sgt, %iota3A_37, %sign3A_42 : vector<4x128xi32>
    %sign3A_44 = arith.extui %sign3A_43 : vector<4x128xi1> to vector<4x128xi32>
    %sign3A_45 = arith.constant 0 : i32
    %sign3A_46 = vector.broadcast %sign3A_45 : i32 to vector<4x128xi32>
    %sign3A_47 = arith.cmpi slt, %iota3A_37, %sign3A_46 : vector<4x128xi32>
    %sign3A_48 = arith.extui %sign3A_47 : vector<4x128xi1> to vector<4x128xi32>
    %sign3A_49 = arith.subi %sign3A_44, %sign3A_48 : vector<4x128xi32>
    %sign3A_50 = arith.constant 0 : i32
    %sign3A_51 = arith.cmpi sgt, %jit3A_38, %sign3A_50 : i32
    %sign3A_52 = arith.extui %sign3A_51 : i1 to i32
    %sign3A_53 = arith.constant 0 : i32
    %sign3A_54 = arith.cmpi slt, %jit3A_38, %sign3A_53 : i32
    %sign3A_55 = arith.extui %sign3A_54 : i1 to i32
    %sign3A_56 = arith.subi %sign3A_52, %sign3A_55 : i32
    %ne3A_57 = vector.broadcast %sign3A_56 : i32 to vector<4x128xi32>
    %ne3A_58 = arith.cmpi ne, %sign3A_49, %ne3A_57 : vector<4x128xi32>
    %rem3A_59 = vector.broadcast %jit3A_38 : i32 to vector<4x128xi32>
    %rem3A_60 = arith.remsi %iota3A_37, %rem3A_59 : vector<4x128xi32>
    %ne3A_61 = arith.constant 0 : i32
    %ne3A_62 = vector.broadcast %ne3A_61 : i32 to vector<4x128xi32>
    %ne3A_63 = arith.cmpi ne, %rem3A_60, %ne3A_62 : vector<4x128xi32>
    %and3A_64 = arith.andi %ne3A_58, %ne3A_63 : vector<4x128xi1>
    %sub3A_65 = arith.constant 1 : i32
    %sub3A_66 = vector.broadcast %sub3A_65 : i32 to vector<4x128xi32>
    %sub3A_67 = arith.subi %div3A_40, %sub3A_66 : vector<4x128xi32>
    %select_n3A_68 = arith.select %and3A_64, %sub3A_67, %div3A_40 : vector<4x128xi1>, vector<4x128xi32>
    %iota3A_69 = tpu.iota {dimensions = array<i32: 0>} : vector<4x128xi32>
    %eq3A_70 = arith.cmpi eq, %select_n3A_68, %iota3A_69 : vector<4x128xi32>
    %convert_element_type3A_71 = arith.extui %eq3A_70 : vector<4x128xi1> to vector<4x128xi32>
    %convert_element_type3A_72 = arith.sitofp %convert_element_type3A_71 : vector<4x128xi32> to vector<4x128xf32>
    %get3A_73 = arith.constant 0 : index
    %get3A_74 = arith.constant 0 : index
    %get3A_75 = vector.load %arg8[%get3A_73, %get3A_74] : memref<1600x6xi32, #tpu.memory_space<vmem>>, vector<1600x6xi32>
    %get3A_76 = arith.constant 0 : index
    %get3A_77 = arith.constant 0 : index
    %get3A_78 = vector.load %arg2[%get3A_76, %get3A_77] : memref<1600x128xf32, #tpu.memory_space<vmem>>, vector<1600x128xf32>
    %convert_element_type3A_79 = arith.truncf %get3A_78 : vector<1600x128xf32> to vector<1600x128xbf16>
    %get3A_80 = arith.constant 0 : index
    %get3A_81 = arith.constant 0 : index
    %get3A_82 = vector.load %arg10[%get3A_80, %get3A_81] : memref<128x128xbf16, #tpu.memory_space<vmem>>, vector<128x128xbf16>
    %dot_general3A_83 = arith.constant dense<0.000000e+00> : vector<1600x128xf32>
    %dot_general3A_84 = tpu.matmul %convert_element_type3A_79, %get3A_82, %dot_general3A_83 {dimension_numbers = #tpu.dot_dimension_numbers<[1], [0], [0], [1], [0, 0, 1, 1], [], []>, transpose_lhs_hint = false} : vector<1600x128xbf16>, vector<128x128xbf16>, vector<1600x128xf32> -> vector<1600x128xf32>
    %get3A_85 = arith.constant 0 : index
    %get3A_86 = arith.constant 0 : index
    %get3A_87 = vector.load %arg11[%get3A_85, %get3A_86] : memref<128x128xbf16, #tpu.memory_space<vmem>>, vector<128x128xbf16>
    %dot_general3A_88 = arith.constant dense<0.000000e+00> : vector<1600x128xf32>
    %dot_general3A_89 = tpu.matmul %convert_element_type3A_79, %get3A_87, %dot_general3A_88 {dimension_numbers = #tpu.dot_dimension_numbers<[1], [0], [0], [1], [0, 0, 1, 1], [], []>, transpose_lhs_hint = false} : vector<1600x128xbf16>, vector<128x128xbf16>, vector<1600x128xf32> -> vector<1600x128xf32>
    %mul3A_90 = arith.mulf %dot_general3A_9, %dot_general3A_84 : vector<1600x128xf32>
    %dot_general3A_91 = arith.constant dense<0.000000e+00> : vector<1600x4xf32>
    %dot_general3A_92 = tpu.matmul %mul3A_90, %convert_element_type3A_36, %dot_general3A_91 {dimension_numbers = #tpu.dot_dimension_numbers<[1], [0], [0], [1], [0, 0, 1, 1], [], []>, transpose_lhs_hint = false} : vector<1600x128xf32>, vector<128x4xf32>, vector<1600x4xf32> -> vector<1600x4xf32>
    %slice3A = vector.extract_strided_slice %get3A_75 {offsets = [0, 0], sizes = [1600, 1], strides = [1, 1]} : vector<1600x6xi32> to vector<1600x1xi32>
    %ne3A_93 = arith.constant 0 : i32
    %ne3A_94 = vector.broadcast %ne3A_93 : i32 to vector<1600x1xi32>
    %ne3A_95 = arith.cmpi ne, %slice3A, %ne3A_94 : vector<1600x1xi32>
    %convert_element_type3A_96 = arith.extui %ne3A_95 : vector<1600x1xi1> to vector<1600x1xi32>
    %convert_element_type3A_97 = arith.sitofp %convert_element_type3A_96 : vector<1600x1xi32> to vector<1600x1xf32>
    %mul3A_98 = arith.constant 0.176776692 : f32
    %mul3A_99 = vector.broadcast %mul3A_98 : f32 to vector<1600x4xf32>
    %mul3A_100 = arith.mulf %dot_general3A_92, %mul3A_99 : vector<1600x4xf32>
    %exp3A = math.exp %mul3A_100 : vector<1600x4xf32>
    %mul3A_101 = vector.broadcast %convert_element_type3A_97 : vector<1600x1xf32> to vector<1600x4xf32>
    %mul3A_102 = arith.mulf %exp3A, %mul3A_101 : vector<1600x4xf32>
    %get3A_103 = arith.constant 0 : index
    %get3A_104 = arith.constant 0 : index
    %get3A_105 = vector.load %arg3[%get3A_103, %get3A_104] : memref<1600x128xf32, #tpu.memory_space<vmem>>, vector<1600x128xf32>
    %convert_element_type3A_106 = arith.truncf %get3A_105 : vector<1600x128xf32> to vector<1600x128xbf16>
    %get3A_107 = arith.constant 0 : index
    %get3A_108 = arith.constant 0 : index
    %get3A_109 = vector.load %arg10[%get3A_107, %get3A_108] : memref<128x128xbf16, #tpu.memory_space<vmem>>, vector<128x128xbf16>
    %dot_general3A_110 = arith.constant dense<0.000000e+00> : vector<1600x128xf32>
    %dot_general3A_111 = tpu.matmul %convert_element_type3A_106, %get3A_109, %dot_general3A_110 {dimension_numbers = #tpu.dot_dimension_numbers<[1], [0], [0], [1], [0, 0, 1, 1], [], []>, transpose_lhs_hint = false} : vector<1600x128xbf16>, vector<128x128xbf16>, vector<1600x128xf32> -> vector<1600x128xf32>
    %get3A_112 = arith.constant 0 : index
    %get3A_113 = arith.constant 0 : index
    %get3A_114 = vector.load %arg11[%get3A_112, %get3A_113] : memref<128x128xbf16, #tpu.memory_space<vmem>>, vector<128x128xbf16>
    %dot_general3A_115 = arith.constant dense<0.000000e+00> : vector<1600x128xf32>
    %dot_general3A_116 = tpu.matmul %convert_element_type3A_106, %get3A_114, %dot_general3A_115 {dimension_numbers = #tpu.dot_dimension_numbers<[1], [0], [0], [1], [0, 0, 1, 1], [], []>, transpose_lhs_hint = false} : vector<1600x128xbf16>, vector<128x128xbf16>, vector<1600x128xf32> -> vector<1600x128xf32>
    %mul3A_117 = arith.mulf %dot_general3A_9, %dot_general3A_111 : vector<1600x128xf32>
    %dot_general3A_118 = arith.constant dense<0.000000e+00> : vector<1600x4xf32>
    %dot_general3A_119 = tpu.matmul %mul3A_117, %convert_element_type3A_36, %dot_general3A_118 {dimension_numbers = #tpu.dot_dimension_numbers<[1], [0], [0], [1], [0, 0, 1, 1], [], []>, transpose_lhs_hint = false} : vector<1600x128xf32>, vector<128x4xf32>, vector<1600x4xf32> -> vector<1600x4xf32>
    %slice3A_120 = vector.extract_strided_slice %get3A_75 {offsets = [0, 1], sizes = [1600, 1], strides = [1, 1]} : vector<1600x6xi32> to vector<1600x1xi32>
    %ne3A_121 = arith.constant 0 : i32
    %ne3A_122 = vector.broadcast %ne3A_121 : i32 to vector<1600x1xi32>
    %ne3A_123 = arith.cmpi ne, %slice3A_120, %ne3A_122 : vector<1600x1xi32>
    %convert_element_type3A_124 = arith.extui %ne3A_123 : vector<1600x1xi1> to vector<1600x1xi32>
    %convert_element_type3A_125 = arith.sitofp %convert_element_type3A_124 : vector<1600x1xi32> to vector<1600x1xf32>
    %mul3A_126 = arith.constant 0.176776692 : f32
    %mul3A_127 = vector.broadcast %mul3A_126 : f32 to vector<1600x4xf32>
    %mul3A_128 = arith.mulf %dot_general3A_119, %mul3A_127 : vector<1600x4xf32>
    %exp3A_129 = math.exp %mul3A_128 : vector<1600x4xf32>
    %mul3A_130 = vector.broadcast %convert_element_type3A_125 : vector<1600x1xf32> to vector<1600x4xf32>
    %mul3A_131 = arith.mulf %exp3A_129, %mul3A_130 : vector<1600x4xf32>
    %add3A = arith.addf %mul3A_102, %mul3A_131 : vector<1600x4xf32>
    %get3A_132 = arith.constant 0 : index
    %get3A_133 = arith.constant 0 : index
    %get3A_134 = vector.load %arg4[%get3A_132, %get3A_133] : memref<1600x128xf32, #tpu.memory_space<vmem>>, vector<1600x128xf32>
    %convert_element_type3A_135 = arith.truncf %get3A_134 : vector<1600x128xf32> to vector<1600x128xbf16>
    %get3A_136 = arith.constant 0 : index
    %get3A_137 = arith.constant 0 : index
    %get3A_138 = vector.load %arg10[%get3A_136, %get3A_137] : memref<128x128xbf16, #tpu.memory_space<vmem>>, vector<128x128xbf16>
    %dot_general3A_139 = arith.constant dense<0.000000e+00> : vector<1600x128xf32>
    %dot_general3A_140 = tpu.matmul %convert_element_type3A_135, %get3A_138, %dot_general3A_139 {dimension_numbers = #tpu.dot_dimension_numbers<[1], [0], [0], [1], [0, 0, 1, 1], [], []>, transpose_lhs_hint = false} : vector<1600x128xbf16>, vector<128x128xbf16>, vector<1600x128xf32> -> vector<1600x128xf32>
    %get3A_141 = arith.constant 0 : index
    %get3A_142 = arith.constant 0 : index
    %get3A_143 = vector.load %arg11[%get3A_141, %get3A_142] : memref<128x128xbf16, #tpu.memory_space<vmem>>, vector<128x128xbf16>
    %dot_general3A_144 = arith.constant dense<0.000000e+00> : vector<1600x128xf32>
    %dot_general3A_145 = tpu.matmul %convert_element_type3A_135, %get3A_143, %dot_general3A_144 {dimension_numbers = #tpu.dot_dimension_numbers<[1], [0], [0], [1], [0, 0, 1, 1], [], []>, transpose_lhs_hint = false} : vector<1600x128xbf16>, vector<128x128xbf16>, vector<1600x128xf32> -> vector<1600x128xf32>
    %mul3A_146 = arith.mulf %dot_general3A_9, %dot_general3A_140 : vector<1600x128xf32>
    %dot_general3A_147 = arith.constant dense<0.000000e+00> : vector<1600x4xf32>
    %dot_general3A_148 = tpu.matmul %mul3A_146, %convert_element_type3A_36, %dot_general3A_147 {dimension_numbers = #tpu.dot_dimension_numbers<[1], [0], [0], [1], [0, 0, 1, 1], [], []>, transpose_lhs_hint = false} : vector<1600x128xf32>, vector<128x4xf32>, vector<1600x4xf32> -> vector<1600x4xf32>
    %slice3A_149 = vector.extract_strided_slice %get3A_75 {offsets = [0, 2], sizes = [1600, 1], strides = [1, 1]} : vector<1600x6xi32> to vector<1600x1xi32>
    %ne3A_150 = arith.constant 0 : i32
    %ne3A_151 = vector.broadcast %ne3A_150 : i32 to vector<1600x1xi32>
    %ne3A_152 = arith.cmpi ne, %slice3A_149, %ne3A_151 : vector<1600x1xi32>
    %convert_element_type3A_153 = arith.extui %ne3A_152 : vector<1600x1xi1> to vector<1600x1xi32>
    %convert_element_type3A_154 = arith.sitofp %convert_element_type3A_153 : vector<1600x1xi32> to vector<1600x1xf32>
    %mul3A_155 = arith.constant 0.176776692 : f32
    %mul3A_156 = vector.broadcast %mul3A_155 : f32 to vector<1600x4xf32>
    %mul3A_157 = arith.mulf %dot_general3A_148, %mul3A_156 : vector<1600x4xf32>
    %exp3A_158 = math.exp %mul3A_157 : vector<1600x4xf32>
    %mul3A_159 = vector.broadcast %convert_element_type3A_154 : vector<1600x1xf32> to vector<1600x4xf32>
    %mul3A_160 = arith.mulf %exp3A_158, %mul3A_159 : vector<1600x4xf32>
    %add3A_161 = arith.addf %add3A, %mul3A_160 : vector<1600x4xf32>
    %get3A_162 = arith.constant 0 : index
    %get3A_163 = arith.constant 0 : index
    %get3A_164 = vector.load %arg5[%get3A_162, %get3A_163] : memref<1600x128xf32, #tpu.memory_space<vmem>>, vector<1600x128xf32>
    %convert_element_type3A_165 = arith.truncf %get3A_164 : vector<1600x128xf32> to vector<1600x128xbf16>
    %get3A_166 = arith.constant 0 : index
    %get3A_167 = arith.constant 0 : index
    %get3A_168 = vector.load %arg10[%get3A_166, %get3A_167] : memref<128x128xbf16, #tpu.memory_space<vmem>>, vector<128x128xbf16>
    %dot_general3A_169 = arith.constant dense<0.000000e+00> : vector<1600x128xf32>
    %dot_general3A_170 = tpu.matmul %convert_element_type3A_165, %get3A_168, %dot_general3A_169 {dimension_numbers = #tpu.dot_dimension_numbers<[1], [0], [0], [1], [0, 0, 1, 1], [], []>, transpose_lhs_hint = false} : vector<1600x128xbf16>, vector<128x128xbf16>, vector<1600x128xf32> -> vector<1600x128xf32>
    %get3A_171 = arith.constant 0 : index
    %get3A_172 = arith.constant 0 : index
    %get3A_173 = vector.load %arg11[%get3A_171, %get3A_172] : memref<128x128xbf16, #tpu.memory_space<vmem>>, vector<128x128xbf16>
    %dot_general3A_174 = arith.constant dense<0.000000e+00> : vector<1600x128xf32>
    %dot_general3A_175 = tpu.matmul %convert_element_type3A_165, %get3A_173, %dot_general3A_174 {dimension_numbers = #tpu.dot_dimension_numbers<[1], [0], [0], [1], [0, 0, 1, 1], [], []>, transpose_lhs_hint = false} : vector<1600x128xbf16>, vector<128x128xbf16>, vector<1600x128xf32> -> vector<1600x128xf32>
    %mul3A_176 = arith.mulf %dot_general3A_9, %dot_general3A_170 : vector<1600x128xf32>
    %dot_general3A_177 = arith.constant dense<0.000000e+00> : vector<1600x4xf32>
    %dot_general3A_178 = tpu.matmul %mul3A_176, %convert_element_type3A_36, %dot_general3A_177 {dimension_numbers = #tpu.dot_dimension_numbers<[1], [0], [0], [1], [0, 0, 1, 1], [], []>, transpose_lhs_hint = false} : vector<1600x128xf32>, vector<128x4xf32>, vector<1600x4xf32> -> vector<1600x4xf32>
    %slice3A_179 = vector.extract_strided_slice %get3A_75 {offsets = [0, 3], sizes = [1600, 1], strides = [1, 1]} : vector<1600x6xi32> to vector<1600x1xi32>
    %ne3A_180 = arith.constant 0 : i32
    %ne3A_181 = vector.broadcast %ne3A_180 : i32 to vector<1600x1xi32>
    %ne3A_182 = arith.cmpi ne, %slice3A_179, %ne3A_181 : vector<1600x1xi32>
    %convert_element_type3A_183 = arith.extui %ne3A_182 : vector<1600x1xi1> to vector<1600x1xi32>
    %convert_element_type3A_184 = arith.sitofp %convert_element_type3A_183 : vector<1600x1xi32> to vector<1600x1xf32>
    %mul3A_185 = arith.constant 0.176776692 : f32
    %mul3A_186 = vector.broadcast %mul3A_185 : f32 to vector<1600x4xf32>
    %mul3A_187 = arith.mulf %dot_general3A_178, %mul3A_186 : vector<1600x4xf32>
    %exp3A_188 = math.exp %mul3A_187 : vector<1600x4xf32>
    %mul3A_189 = vector.broadcast %convert_element_type3A_184 : vector<1600x1xf32> to vector<1600x4xf32>
    %mul3A_190 = arith.mulf %exp3A_188, %mul3A_189 : vector<1600x4xf32>
    %add3A_191 = arith.addf %add3A_161, %mul3A_190 : vector<1600x4xf32>
    %get3A_192 = arith.constant 0 : index
    %get3A_193 = arith.constant 0 : index
    %get3A_194 = vector.load %arg6[%get3A_192, %get3A_193] : memref<1600x128xf32, #tpu.memory_space<vmem>>, vector<1600x128xf32>
    %convert_element_type3A_195 = arith.truncf %get3A_194 : vector<1600x128xf32> to vector<1600x128xbf16>
    %get3A_196 = arith.constant 0 : index
    %get3A_197 = arith.constant 0 : index
    %get3A_198 = vector.load %arg10[%get3A_196, %get3A_197] : memref<128x128xbf16, #tpu.memory_space<vmem>>, vector<128x128xbf16>
    %dot_general3A_199 = arith.constant dense<0.000000e+00> : vector<1600x128xf32>
    %dot_general3A_200 = tpu.matmul %convert_element_type3A_195, %get3A_198, %dot_general3A_199 {dimension_numbers = #tpu.dot_dimension_numbers<[1], [0], [0], [1], [0, 0, 1, 1], [], []>, transpose_lhs_hint = false} : vector<1600x128xbf16>, vector<128x128xbf16>, vector<1600x128xf32> -> vector<1600x128xf32>
    %get3A_201 = arith.constant 0 : index
    %get3A_202 = arith.constant 0 : index
    %get3A_203 = vector.load %arg11[%get3A_201, %get3A_202] : memref<128x128xbf16, #tpu.memory_space<vmem>>, vector<128x128xbf16>
    %dot_general3A_204 = arith.constant dense<0.000000e+00> : vector<1600x128xf32>
    %dot_general3A_205 = tpu.matmul %convert_element_type3A_195, %get3A_203, %dot_general3A_204 {dimension_numbers = #tpu.dot_dimension_numbers<[1], [0], [0], [1], [0, 0, 1, 1], [], []>, transpose_lhs_hint = false} : vector<1600x128xbf16>, vector<128x128xbf16>, vector<1600x128xf32> -> vector<1600x128xf32>
    %mul3A_206 = arith.mulf %dot_general3A_9, %dot_general3A_200 : vector<1600x128xf32>
    %dot_general3A_207 = arith.constant dense<0.000000e+00> : vector<1600x4xf32>
    %dot_general3A_208 = tpu.matmul %mul3A_206, %convert_element_type3A_36, %dot_general3A_207 {dimension_numbers = #tpu.dot_dimension_numbers<[1], [0], [0], [1], [0, 0, 1, 1], [], []>, transpose_lhs_hint = false} : vector<1600x128xf32>, vector<128x4xf32>, vector<1600x4xf32> -> vector<1600x4xf32>
    %slice3A_209 = vector.extract_strided_slice %get3A_75 {offsets = [0, 4], sizes = [1600, 1], strides = [1, 1]} : vector<1600x6xi32> to vector<1600x1xi32>
    %ne3A_210 = arith.constant 0 : i32
    %ne3A_211 = vector.broadcast %ne3A_210 : i32 to vector<1600x1xi32>
    %ne3A_212 = arith.cmpi ne, %slice3A_209, %ne3A_211 : vector<1600x1xi32>
    %convert_element_type3A_213 = arith.extui %ne3A_212 : vector<1600x1xi1> to vector<1600x1xi32>
    %convert_element_type3A_214 = arith.sitofp %convert_element_type3A_213 : vector<1600x1xi32> to vector<1600x1xf32>
    %mul3A_215 = arith.constant 0.176776692 : f32
    %mul3A_216 = vector.broadcast %mul3A_215 : f32 to vector<1600x4xf32>
    %mul3A_217 = arith.mulf %dot_general3A_208, %mul3A_216 : vector<1600x4xf32>
    %exp3A_218 = math.exp %mul3A_217 : vector<1600x4xf32>
    %mul3A_219 = vector.broadcast %convert_element_type3A_214 : vector<1600x1xf32> to vector<1600x4xf32>
    %mul3A_220 = arith.mulf %exp3A_218, %mul3A_219 : vector<1600x4xf32>
    %add3A_221 = arith.addf %add3A_191, %mul3A_220 : vector<1600x4xf32>
    %get3A_222 = arith.constant 0 : index
    %get3A_223 = arith.constant 0 : index
    %get3A_224 = vector.load %arg7[%get3A_222, %get3A_223] : memref<1600x128xf32, #tpu.memory_space<vmem>>, vector<1600x128xf32>
    %convert_element_type3A_225 = arith.truncf %get3A_224 : vector<1600x128xf32> to vector<1600x128xbf16>
    %get3A_226 = arith.constant 0 : index
    %get3A_227 = arith.constant 0 : index
    %get3A_228 = vector.load %arg10[%get3A_226, %get3A_227] : memref<128x128xbf16, #tpu.memory_space<vmem>>, vector<128x128xbf16>
    %dot_general3A_229 = arith.constant dense<0.000000e+00> : vector<1600x128xf32>
    %dot_general3A_230 = tpu.matmul %convert_element_type3A_225, %get3A_228, %dot_general3A_229 {dimension_numbers = #tpu.dot_dimension_numbers<[1], [0], [0], [1], [0, 0, 1, 1], [], []>, transpose_lhs_hint = false} : vector<1600x128xbf16>, vector<128x128xbf16>, vector<1600x128xf32> -> vector<1600x128xf32>
    %get3A_231 = arith.constant 0 : index
    %get3A_232 = arith.constant 0 : index
    %get3A_233 = vector.load %arg11[%get3A_231, %get3A_232] : memref<128x128xbf16, #tpu.memory_space<vmem>>, vector<128x128xbf16>
    %dot_general3A_234 = arith.constant dense<0.000000e+00> : vector<1600x128xf32>
    %dot_general3A_235 = tpu.matmul %convert_element_type3A_225, %get3A_233, %dot_general3A_234 {dimension_numbers = #tpu.dot_dimension_numbers<[1], [0], [0], [1], [0, 0, 1, 1], [], []>, transpose_lhs_hint = false} : vector<1600x128xbf16>, vector<128x128xbf16>, vector<1600x128xf32> -> vector<1600x128xf32>
    %mul3A_236 = arith.mulf %dot_general3A_9, %dot_general3A_230 : vector<1600x128xf32>
    %dot_general3A_237 = arith.constant dense<0.000000e+00> : vector<1600x4xf32>
    %dot_general3A_238 = tpu.matmul %mul3A_236, %convert_element_type3A_36, %dot_general3A_237 {dimension_numbers = #tpu.dot_dimension_numbers<[1], [0], [0], [1], [0, 0, 1, 1], [], []>, transpose_lhs_hint = false} : vector<1600x128xf32>, vector<128x4xf32>, vector<1600x4xf32> -> vector<1600x4xf32>
    %slice3A_239 = vector.extract_strided_slice %get3A_75 {offsets = [0, 5], sizes = [1600, 1], strides = [1, 1]} : vector<1600x6xi32> to vector<1600x1xi32>
    %ne3A_240 = arith.constant 0 : i32
    %ne3A_241 = vector.broadcast %ne3A_240 : i32 to vector<1600x1xi32>
    %ne3A_242 = arith.cmpi ne, %slice3A_239, %ne3A_241 : vector<1600x1xi32>
    %convert_element_type3A_243 = arith.extui %ne3A_242 : vector<1600x1xi1> to vector<1600x1xi32>
    %convert_element_type3A_244 = arith.sitofp %convert_element_type3A_243 : vector<1600x1xi32> to vector<1600x1xf32>
    %mul3A_245 = arith.constant 0.176776692 : f32
    %mul3A_246 = vector.broadcast %mul3A_245 : f32 to vector<1600x4xf32>
    %mul3A_247 = arith.mulf %dot_general3A_238, %mul3A_246 : vector<1600x4xf32>
    %exp3A_248 = math.exp %mul3A_247 : vector<1600x4xf32>
    %mul3A_249 = vector.broadcast %convert_element_type3A_244 : vector<1600x1xf32> to vector<1600x4xf32>
    %mul3A_250 = arith.mulf %exp3A_248, %mul3A_249 : vector<1600x4xf32>
    %add3A_251 = arith.addf %add3A_221, %mul3A_250 : vector<1600x4xf32>
    %max3A = arith.constant 1.000000e-30 : f32
    %max3A_252 = vector.broadcast %max3A : f32 to vector<1600x4xf32>
    %max3A_253 = arith.maximumf %add3A_251, %max3A_252 : vector<1600x4xf32>
    %div3A_254 = arith.constant 1.000000e+00 : f32
    %div3A_255 = vector.broadcast %div3A_254 : f32 to vector<1600x4xf32>
    %div3A_256 = arith.divf %div3A_255, %max3A_253 : vector<1600x4xf32>
    %mul3A_257 = arith.mulf %mul3A_102, %div3A_256 : vector<1600x4xf32>
    %dot_general3A_258 = arith.constant dense<0.000000e+00> : vector<1600x128xf32>
    %dot_general3A_259 = tpu.matmul %mul3A_257, %convert_element_type3A_72, %dot_general3A_258 {dimension_numbers = #tpu.dot_dimension_numbers<[1], [0], [0], [1], [0, 0, 1, 1], [], []>, transpose_lhs_hint = false} : vector<1600x4xf32>, vector<4x128xf32>, vector<1600x128xf32> -> vector<1600x128xf32>
    %mul3A_260 = arith.mulf %dot_general3A_89, %dot_general3A_259 : vector<1600x128xf32>
    %mul3A_261 = arith.mulf %mul3A_131, %div3A_256 : vector<1600x4xf32>
    %dot_general3A_262 = arith.constant dense<0.000000e+00> : vector<1600x128xf32>
    %dot_general3A_263 = tpu.matmul %mul3A_261, %convert_element_type3A_72, %dot_general3A_262 {dimension_numbers = #tpu.dot_dimension_numbers<[1], [0], [0], [1], [0, 0, 1, 1], [], []>, transpose_lhs_hint = false} : vector<1600x4xf32>, vector<4x128xf32>, vector<1600x128xf32> -> vector<1600x128xf32>
    %mul3A_264 = arith.mulf %dot_general3A_116, %dot_general3A_263 : vector<1600x128xf32>
    %add3A_265 = arith.addf %mul3A_260, %mul3A_264 : vector<1600x128xf32>
    %mul3A_266 = arith.mulf %mul3A_160, %div3A_256 : vector<1600x4xf32>
    %dot_general3A_267 = arith.constant dense<0.000000e+00> : vector<1600x128xf32>
    %dot_general3A_268 = tpu.matmul %mul3A_266, %convert_element_type3A_72, %dot_general3A_267 {dimension_numbers = #tpu.dot_dimension_numbers<[1], [0], [0], [1], [0, 0, 1, 1], [], []>, transpose_lhs_hint = false} : vector<1600x4xf32>, vector<4x128xf32>, vector<1600x128xf32> -> vector<1600x128xf32>
    %mul3A_269 = arith.mulf %dot_general3A_145, %dot_general3A_268 : vector<1600x128xf32>
    %add3A_270 = arith.addf %add3A_265, %mul3A_269 : vector<1600x128xf32>
    %mul3A_271 = arith.mulf %mul3A_190, %div3A_256 : vector<1600x4xf32>
    %dot_general3A_272 = arith.constant dense<0.000000e+00> : vector<1600x128xf32>
    %dot_general3A_273 = tpu.matmul %mul3A_271, %convert_element_type3A_72, %dot_general3A_272 {dimension_numbers = #tpu.dot_dimension_numbers<[1], [0], [0], [1], [0, 0, 1, 1], [], []>, transpose_lhs_hint = false} : vector<1600x4xf32>, vector<4x128xf32>, vector<1600x128xf32> -> vector<1600x128xf32>
    %mul3A_274 = arith.mulf %dot_general3A_175, %dot_general3A_273 : vector<1600x128xf32>
    %add3A_275 = arith.addf %add3A_270, %mul3A_274 : vector<1600x128xf32>
    %mul3A_276 = arith.mulf %mul3A_220, %div3A_256 : vector<1600x4xf32>
    %dot_general3A_277 = arith.constant dense<0.000000e+00> : vector<1600x128xf32>
    %dot_general3A_278 = tpu.matmul %mul3A_276, %convert_element_type3A_72, %dot_general3A_277 {dimension_numbers = #tpu.dot_dimension_numbers<[1], [0], [0], [1], [0, 0, 1, 1], [], []>, transpose_lhs_hint = false} : vector<1600x4xf32>, vector<4x128xf32>, vector<1600x128xf32> -> vector<1600x128xf32>
    %mul3A_279 = arith.mulf %dot_general3A_205, %dot_general3A_278 : vector<1600x128xf32>
    %add3A_280 = arith.addf %add3A_275, %mul3A_279 : vector<1600x128xf32>
    %mul3A_281 = arith.mulf %mul3A_250, %div3A_256 : vector<1600x4xf32>
    %dot_general3A_282 = arith.constant dense<0.000000e+00> : vector<1600x128xf32>
    %dot_general3A_283 = tpu.matmul %mul3A_281, %convert_element_type3A_72, %dot_general3A_282 {dimension_numbers = #tpu.dot_dimension_numbers<[1], [0], [0], [1], [0, 0, 1, 1], [], []>, transpose_lhs_hint = false} : vector<1600x4xf32>, vector<4x128xf32>, vector<1600x128xf32> -> vector<1600x128xf32>
    %mul3A_284 = arith.mulf %dot_general3A_235, %dot_general3A_283 : vector<1600x128xf32>
    %add3A_285 = arith.addf %add3A_280, %mul3A_284 : vector<1600x128xf32>
    %get3A_286 = arith.constant 0 : index
    %get3A_287 = arith.constant 0 : index
    %get3A_288 = vector.load %arg12[%get3A_286, %get3A_287] : memref<128x128xf32, #tpu.memory_space<vmem>>, vector<128x128xf32>
    %dot_general3A_289 = arith.constant dense<0.000000e+00> : vector<1600x128xf32>
    %dot_general3A_290 = tpu.matmul %add3A_285, %get3A_288, %dot_general3A_289 {dimension_numbers = #tpu.dot_dimension_numbers<[1], [0], [0], [1], [0, 0, 1, 1], [], []>, transpose_lhs_hint = false} : vector<1600x128xf32>, vector<128x128xf32>, vector<1600x128xf32> -> vector<1600x128xf32>
    %add3A_291 = arith.addf %select_n3A, %dot_general3A_290 : vector<1600x128xf32>
    %ge3A_292 = arith.constant 0.000000e+00 : f32
    %ge3A_293 = vector.broadcast %ge3A_292 : f32 to vector<1600x128xf32>
    %ge3A_294 = arith.cmpf oge, %add3A_291, %ge3A_293 : vector<1600x128xf32>
    %mul3A_295 = arith.constant 1.000000e-01 : f32
    %mul3A_296 = vector.broadcast %mul3A_295 : f32 to vector<1600x128xf32>
    %mul3A_297 = arith.mulf %mul3A_296, %add3A_291 : vector<1600x128xf32>
    %select_n3A_298 = arith.select %ge3A_294, %add3A_291, %mul3A_297 : vector<1600x128xi1>, vector<1600x128xf32>
    %swap3A = arith.constant 0 : index
    %swap3A_299 = arith.constant 0 : index
    %swap3A_300 = vector.load %arg13[%swap3A, %swap3A_299] : memref<1600x128xf32, #tpu.memory_space<vmem>>, vector<1600x128xf32>
    tpu.vector_store %arg13[%swap3A, %swap3A_299], %select_n3A_298 {strides = array<i32>} : memref<1600x128xf32, #tpu.memory_space<vmem>>, vector<1600x128xf32>,
    return
  }
  func.func @transform_0(%arg0: i32) -> (i32, i32) {
    %add3A = arith.constant 0 : i32
    %add3A_0 = arith.addi %add3A, %arg0 : i32
    %c0_i32 = arith.constant 0 : i32
    %c0_i32_1 = arith.constant 0 : i32
    return %add3A_0, %c0_i32 : i32, i32
  }
  func.func @transform_1(%arg0: i32) -> (i32, i32) {
    %add3A = arith.constant 0 : i32
    %add3A_0 = arith.addi %add3A, %arg0 : i32
    %c0_i32 = arith.constant 0 : i32
    %c0_i32_1 = arith.constant 0 : i32
    return %add3A_0, %c0_i32 : i32, i32
  }
  func.func @transform_2(%arg0: i32) -> (i32, i32) {
    %add3A = arith.constant 50 : i32
    %add3A_0 = arith.addi %add3A, %arg0 : i32
    %c0_i32 = arith.constant 0 : i32
    %c0_i32_1 = arith.constant 0 : i32
    return %add3A_0, %c0_i32 : i32, i32
  }
  func.func @transform_3(%arg0: i32) -> (i32, i32) {
    %add3A = arith.constant 100 : i32
    %add3A_0 = arith.addi %add3A, %arg0 : i32
    %c0_i32 = arith.constant 0 : i32
    %c0_i32_1 = arith.constant 0 : i32
    return %add3A_0, %c0_i32 : i32, i32
  }
  func.func @transform_4(%arg0: i32) -> (i32, i32) {
    %add3A = arith.constant 150 : i32
    %add3A_0 = arith.addi %add3A, %arg0 : i32
    %c0_i32 = arith.constant 0 : i32
    %c0_i32_1 = arith.constant 0 : i32
    return %add3A_0, %c0_i32 : i32, i32
  }
  func.func @transform_5(%arg0: i32) -> (i32, i32) {
    %add3A = arith.constant 200 : i32
    %add3A_0 = arith.addi %add3A, %arg0 : i32
    %c0_i32 = arith.constant 0 : i32
    %c0_i32_1 = arith.constant 0 : i32
    return %add3A_0, %c0_i32 : i32, i32
  }
  func.func @transform_6(%arg0: i32) -> (i32, i32) {
    %add3A = arith.constant 250 : i32
    %add3A_0 = arith.addi %add3A, %arg0 : i32
    %c0_i32 = arith.constant 0 : i32
    %c0_i32_1 = arith.constant 0 : i32
    return %add3A_0, %c0_i32 : i32, i32
  }
  func.func @transform_7(%arg0: i32) -> (i32, i32) {
    %add3A = arith.constant 0 : i32
    %add3A_0 = arith.addi %add3A, %arg0 : i32
    %c0_i32 = arith.constant 0 : i32
    %c0_i32_1 = arith.constant 0 : i32
    return %add3A_0, %c0_i32 : i32, i32
  }
  func.func @transform_8(%arg0: i32) -> (i32, i32) {
    %c0_i32 = arith.constant 0 : i32
    %c0_i32_0 = arith.constant 0 : i32
    %c0_i32_1 = arith.constant 0 : i32
    return %c0_i32, %c0_i32_0 : i32, i32
  }
  func.func @transform_9(%arg0: i32) -> (i32, i32) {
    %c0_i32 = arith.constant 0 : i32
    %c0_i32_0 = arith.constant 0 : i32
    %c0_i32_1 = arith.constant 0 : i32
    return %c0_i32, %c0_i32_0 : i32, i32
  }
  func.func @transform_10(%arg0: i32) -> (i32, i32) {
    %c0_i32 = arith.constant 0 : i32
    %c0_i32_0 = arith.constant 0 : i32
    %c0_i32_1 = arith.constant 0 : i32
    return %c0_i32, %c0_i32_0 : i32, i32
  }
  func.func @transform_11(%arg0: i32) -> (i32, i32) {
    %c0_i32 = arith.constant 0 : i32
    %c0_i32_0 = arith.constant 0 : i32
    %c0_i32_1 = arith.constant 0 : i32
    return %c0_i32, %c0_i32_0 : i32, i32
  }
  func.func @transform_12(%arg0: i32) -> (i32, i32) {
    %add3A = arith.constant 0 : i32
    %add3A_0 = arith.addi %add3A, %arg0 : i32
    %c0_i32 = arith.constant 0 : i32
    %c0_i32_1 = arith.constant 0 : i32
    return %add3A_0, %c0_i32 : i32, i32
  }
}

module attributes {stable_mosaic.version = 14 : i64} {
  func.func @_att_body(%arg0: i32, %arg1: memref<1600x128xf32, #tpu.memory_space<vmem>>, %arg2: memref<1600x128xf32, #tpu.memory_space<vmem>>, %arg3: memref<1600x128xf32, #tpu.memory_space<vmem>>, %arg4: memref<1600x128xf32, #tpu.memory_space<vmem>>, %arg5: memref<1600x128xf32, #tpu.memory_space<vmem>>, %arg6: memref<1600x128xf32, #tpu.memory_space<vmem>>, %arg7: memref<1600x128xf32, #tpu.memory_space<vmem>>, %arg8: memref<1600x6xi32, #tpu.memory_space<vmem>>, %arg9: memref<128x128xbf16, #tpu.memory_space<vmem>>, %arg10: memref<128x128xbf16, #tpu.memory_space<vmem>>, %arg11: memref<128x128xbf16, #tpu.memory_space<vmem>>, %arg12: memref<128x128xf32, #tpu.memory_space<vmem>>, %arg13: memref<160000x128xf32, #tpu.memory_space<any>>, %arg14: memref<1600x128xf32, #tpu.memory_space<vmem>>) attributes {dimension_semantics = [#tpu.dimension_semantics<parallel>], iteration_bounds = array<i64: 50>, scalar_prefetch = 0 : i64, scratch_operands = 0 : i64, tpu.core_type = #tpu.core_type<tc>, window_params = [{transform_indices = @transform_0, window_bounds = array<i64: 1600, 128>}, {transform_indices = @transform_1, window_bounds = array<i64: 1600, 128>}, {transform_indices = @transform_2, window_bounds = array<i64: 1600, 128>}, {transform_indices = @transform_3, window_bounds = array<i64: 1600, 128>}, {transform_indices = @transform_4, window_bounds = array<i64: 1600, 128>}, {transform_indices = @transform_5, window_bounds = array<i64: 1600, 128>}, {transform_indices = @transform_6, window_bounds = array<i64: 1600, 128>}, {transform_indices = @transform_7, window_bounds = array<i64: 1600, 6>}, {pipeline_mode = #tpu.pipeline_mode<synchronous>, transform_indices = @transform_8, window_bounds = array<i64: 128, 128>}, {pipeline_mode = #tpu.pipeline_mode<synchronous>, transform_indices = @transform_9, window_bounds = array<i64: 128, 128>}, {pipeline_mode = #tpu.pipeline_mode<synchronous>, transform_indices = @transform_10, window_bounds = array<i64: 128, 128>}, {pipeline_mode = #tpu.pipeline_mode<synchronous>, transform_indices = @transform_11, window_bounds = array<i64: 128, 128>}, {}, {transform_indices = @transform_13, window_bounds = array<i64: 1600, 128>}]} {
    %get3A = arith.constant 0 : index
    %get3A_0 = arith.constant 0 : index
    %get3A_1 = vector.load %arg1[%get3A, %get3A_0] : memref<1600x128xf32, #tpu.memory_space<vmem>>, vector<1600x128xf32>
    %ge3A = arith.constant 0.000000e+00 : f32
    %ge3A_2 = vector.broadcast %ge3A : f32 to vector<1600x128xf32>
    %ge3A_3 = arith.cmpf oge, %get3A_1, %ge3A_2 : vector<1600x128xf32>
    %mul3A = arith.constant 1.000000e+01 : f32
    %mul3A_4 = vector.broadcast %mul3A : f32 to vector<1600x128xf32>
    %mul3A_5 = arith.mulf %mul3A_4, %get3A_1 : vector<1600x128xf32>
    %select_n3A = arith.select %ge3A_3, %get3A_1, %mul3A_5 : vector<1600x128xi1>, vector<1600x128xf32>
    %convert_element_type3A = arith.truncf %get3A_1 : vector<1600x128xf32> to vector<1600x128xbf16>
    %get3A_6 = arith.constant 0 : index
    %get3A_7 = arith.constant 0 : index
    %get3A_8 = vector.load %arg9[%get3A_6, %get3A_7] : memref<128x128xbf16, #tpu.memory_space<vmem>>, vector<128x128xbf16>
    %dot_general3A = arith.constant dense<0.000000e+00> : vector<1600x128xf32>
    %dot_general3A_9 = tpu.matmul %convert_element_type3A, %get3A_8, %dot_general3A {dimension_numbers = #tpu.dot_dimension_numbers<[1], [0], [0], [1], [0, 0, 1, 1], [], []>, transpose_lhs_hint = false} : vector<1600x128xbf16>, vector<128x128xbf16>, vector<1600x128xf32> -> vector<1600x128xf32>
    %iota3A = tpu.iota {dimensions = array<i32: 0>} : vector<128x4xi32>
    %jit3A = arith.constant 32 : i32
    %div3A = vector.broadcast %jit3A : i32 to vector<128x4xi32>
    %div3A_10 = arith.divsi %iota3A, %div3A : vector<128x4xi32>
    %sign3A = arith.constant 0 : i32
    %sign3A_11 = vector.broadcast %sign3A : i32 to vector<128x4xi32>
    %sign3A_12 = arith.cmpi sgt, %iota3A, %sign3A_11 : vector<128x4xi32>
    %sign3A_13 = arith.extui %sign3A_12 : vector<128x4xi1> to vector<128x4xi32>
    %sign3A_14 = arith.constant 0 : i32
    %sign3A_15 = vector.broadcast %sign3A_14 : i32 to vector<128x4xi32>
    %sign3A_16 = arith.cmpi slt, %iota3A, %sign3A_15 : vector<128x4xi32>
    %sign3A_17 = arith.extui %sign3A_16 : vector<128x4xi1> to vector<128x4xi32>
    %sign3A_18 = arith.subi %sign3A_13, %sign3A_17 : vector<128x4xi32>
    %sign3A_19 = arith.constant 0 : i32
    %sign3A_20 = arith.cmpi sgt, %jit3A, %sign3A_19 : i32
    %sign3A_21 = arith.extui %sign3A_20 : i1 to i32
    %sign3A_22 = arith.constant 0 : i32
    %sign3A_23 = arith.cmpi slt, %jit3A, %sign3A_22 : i32
    %sign3A_24 = arith.extui %sign3A_23 : i1 to i32
    %sign3A_25 = arith.subi %sign3A_21, %sign3A_24 : i32
    %ne3A = vector.broadcast %sign3A_25 : i32 to vector<128x4xi32>
    %ne3A_26 = arith.cmpi ne, %sign3A_18, %ne3A : vector<128x4xi32>
    %rem3A = vector.broadcast %jit3A : i32 to vector<128x4xi32>
    %rem3A_27 = arith.remsi %iota3A, %rem3A : vector<128x4xi32>
    %ne3A_28 = arith.constant 0 : i32
    %ne3A_29 = vector.broadcast %ne3A_28 : i32 to vector<128x4xi32>
    %ne3A_30 = arith.cmpi ne, %rem3A_27, %ne3A_29 : vector<128x4xi32>
    %and3A = arith.andi %ne3A_26, %ne3A_30 : vector<128x4xi1>
    %sub3A = arith.constant 1 : i32
    %sub3A_31 = vector.broadcast %sub3A : i32 to vector<128x4xi32>
    %sub3A_32 = arith.subi %div3A_10, %sub3A_31 : vector<128x4xi32>
    %select_n3A_33 = arith.select %and3A, %sub3A_32, %div3A_10 : vector<128x4xi1>, vector<128x4xi32>
    %iota3A_34 = tpu.iota {dimensions = array<i32: 1>} : vector<128x4xi32>
    %eq3A = arith.cmpi eq, %select_n3A_33, %iota3A_34 : vector<128x4xi32>
    %convert_element_type3A_35 = arith.extui %eq3A : vector<128x4xi1> to vector<128x4xi32>
    %convert_element_type3A_36 = arith.sitofp %convert_element_type3A_35 : vector<128x4xi32> to vector<128x4xf32>
    %iota3A_37 = tpu.iota {dimensions = array<i32: 1>} : vector<4x128xi32>
    %jit3A_38 = arith.constant 32 : i32
    %div3A_39 = vector.broadcast %jit3A_38 : i32 to vector<4x128xi32>
    %div3A_40 = arith.divsi %iota3A_37, %div3A_39 : vector<4x128xi32>
    %sign3A_41 = arith.constant 0 : i32
    %sign3A_42 = vector.broadcast %sign3A_41 : i32 to vector<4x128xi32>
    %sign3A_43 = arith.cmpi sgt, %iota3A_37, %sign3A_42 : vector<4x128xi32>
    %sign3A_44 = arith.extui %sign3A_43 : vector<4x128xi1> to vector<4x128xi32>
    %sign3A_45 = arith.constant 0 : i32
    %sign3A_46 = vector.broadcast %sign3A_45 : i32 to vector<4x128xi32>
    %sign3A_47 = arith.cmpi slt, %iota3A_37, %sign3A_46 : vector<4x128xi32>
    %sign3A_48 = arith.extui %sign3A_47 : vector<4x128xi1> to vector<4x128xi32>
    %sign3A_49 = arith.subi %sign3A_44, %sign3A_48 : vector<4x128xi32>
    %sign3A_50 = arith.constant 0 : i32
    %sign3A_51 = arith.cmpi sgt, %jit3A_38, %sign3A_50 : i32
    %sign3A_52 = arith.extui %sign3A_51 : i1 to i32
    %sign3A_53 = arith.constant 0 : i32
    %sign3A_54 = arith.cmpi slt, %jit3A_38, %sign3A_53 : i32
    %sign3A_55 = arith.extui %sign3A_54 : i1 to i32
    %sign3A_56 = arith.subi %sign3A_52, %sign3A_55 : i32
    %ne3A_57 = vector.broadcast %sign3A_56 : i32 to vector<4x128xi32>
    %ne3A_58 = arith.cmpi ne, %sign3A_49, %ne3A_57 : vector<4x128xi32>
    %rem3A_59 = vector.broadcast %jit3A_38 : i32 to vector<4x128xi32>
    %rem3A_60 = arith.remsi %iota3A_37, %rem3A_59 : vector<4x128xi32>
    %ne3A_61 = arith.constant 0 : i32
    %ne3A_62 = vector.broadcast %ne3A_61 : i32 to vector<4x128xi32>
    %ne3A_63 = arith.cmpi ne, %rem3A_60, %ne3A_62 : vector<4x128xi32>
    %and3A_64 = arith.andi %ne3A_58, %ne3A_63 : vector<4x128xi1>
    %sub3A_65 = arith.constant 1 : i32
    %sub3A_66 = vector.broadcast %sub3A_65 : i32 to vector<4x128xi32>
    %sub3A_67 = arith.subi %div3A_40, %sub3A_66 : vector<4x128xi32>
    %select_n3A_68 = arith.select %and3A_64, %sub3A_67, %div3A_40 : vector<4x128xi1>, vector<4x128xi32>
    %iota3A_69 = tpu.iota {dimensions = array<i32: 0>} : vector<4x128xi32>
    %eq3A_70 = arith.cmpi eq, %select_n3A_68, %iota3A_69 : vector<4x128xi32>
    %convert_element_type3A_71 = arith.extui %eq3A_70 : vector<4x128xi1> to vector<4x128xi32>
    %convert_element_type3A_72 = arith.sitofp %convert_element_type3A_71 : vector<4x128xi32> to vector<4x128xf32>
    %get3A_73 = arith.constant 0 : index
    %get3A_74 = arith.constant 0 : index
    %get3A_75 = vector.load %arg8[%get3A_73, %get3A_74] : memref<1600x6xi32, #tpu.memory_space<vmem>>, vector<1600x6xi32>
    %get3A_76 = arith.constant 0 : index
    %get3A_77 = arith.constant 0 : index
    %get3A_78 = vector.load %arg2[%get3A_76, %get3A_77] : memref<1600x128xf32, #tpu.memory_space<vmem>>, vector<1600x128xf32>
    %convert_element_type3A_79 = arith.truncf %get3A_78 : vector<1600x128xf32> to vector<1600x128xbf16>
    %get3A_80 = arith.constant 0 : index
    %get3A_81 = arith.constant 0 : index
    %get3A_82 = vector.load %arg10[%get3A_80, %get3A_81] : memref<128x128xbf16, #tpu.memory_space<vmem>>, vector<128x128xbf16>
    %dot_general3A_83 = arith.constant dense<0.000000e+00> : vector<1600x128xf32>
    %dot_general3A_84 = tpu.matmul %convert_element_type3A_79, %get3A_82, %dot_general3A_83 {dimension_numbers = #tpu.dot_dimension_numbers<[1], [0], [0], [1], [0, 0, 1, 1], [], []>, transpose_lhs_hint = false} : vector<1600x128xbf16>, vector<128x128xbf16>, vector<1600x128xf32> -> vector<1600x128xf32>
    %get3A_85 = arith.constant 0 : index
    %get3A_86 = arith.constant 0 : index
    %get3A_87 = vector.load %arg11[%get3A_85, %get3A_86] : memref<128x128xbf16, #tpu.memory_space<vmem>>, vector<128x128xbf16>
    %dot_general3A_88 = arith.constant dense<0.000000e+00> : vector<1600x128xf32>
    %dot_general3A_89 = tpu.matmul %convert_element_type3A_79, %get3A_87, %dot_general3A_88 {dimension_numbers = #tpu.dot_dimension_numbers<[1], [0], [0], [1], [0, 0, 1, 1], [], []>, transpose_lhs_hint = false} : vector<1600x128xbf16>, vector<128x128xbf16>, vector<1600x128xf32> -> vector<1600x128xf32>
    %mul3A_90 = arith.mulf %dot_general3A_9, %dot_general3A_84 : vector<1600x128xf32>
    %dot_general3A_91 = arith.constant dense<0.000000e+00> : vector<1600x4xf32>
    %dot_general3A_92 = tpu.matmul %mul3A_90, %convert_element_type3A_36, %dot_general3A_91 {dimension_numbers = #tpu.dot_dimension_numbers<[1], [0], [0], [1], [0, 0, 1, 1], [], []>, transpose_lhs_hint = false} : vector<1600x128xf32>, vector<128x4xf32>, vector<1600x4xf32> -> vector<1600x4xf32>
    %slice3A = vector.extract_strided_slice %get3A_75 {offsets = [0, 0], sizes = [1600, 1], strides = [1, 1]} : vector<1600x6xi32> to vector<1600x1xi32>
    %ne3A_93 = arith.constant 0 : i32
    %ne3A_94 = vector.broadcast %ne3A_93 : i32 to vector<1600x1xi32>
    %ne3A_95 = arith.cmpi ne, %slice3A, %ne3A_94 : vector<1600x1xi32>
    %convert_element_type3A_96 = arith.extui %ne3A_95 : vector<1600x1xi1> to vector<1600x1xi32>
    %convert_element_type3A_97 = arith.sitofp %convert_element_type3A_96 : vector<1600x1xi32> to vector<1600x1xf32>
    %mul3A_98 = arith.constant 0.176776692 : f32
    %mul3A_99 = vector.broadcast %mul3A_98 : f32 to vector<1600x4xf32>
    %mul3A_100 = arith.mulf %dot_general3A_92, %mul3A_99 : vector<1600x4xf32>
    %exp3A = math.exp %mul3A_100 : vector<1600x4xf32>
    %mul3A_101 = vector.broadcast %convert_element_type3A_97 : vector<1600x1xf32> to vector<1600x4xf32>
    %mul3A_102 = arith.mulf %exp3A, %mul3A_101 : vector<1600x4xf32>
    %get3A_103 = arith.constant 0 : index
    %get3A_104 = arith.constant 0 : index
    %get3A_105 = vector.load %arg3[%get3A_103, %get3A_104] : memref<1600x128xf32, #tpu.memory_space<vmem>>, vector<1600x128xf32>
    %convert_element_type3A_106 = arith.truncf %get3A_105 : vector<1600x128xf32> to vector<1600x128xbf16>
    %get3A_107 = arith.constant 0 : index
    %get3A_108 = arith.constant 0 : index
    %get3A_109 = vector.load %arg10[%get3A_107, %get3A_108] : memref<128x128xbf16, #tpu.memory_space<vmem>>, vector<128x128xbf16>
    %dot_general3A_110 = arith.constant dense<0.000000e+00> : vector<1600x128xf32>
    %dot_general3A_111 = tpu.matmul %convert_element_type3A_106, %get3A_109, %dot_general3A_110 {dimension_numbers = #tpu.dot_dimension_numbers<[1], [0], [0], [1], [0, 0, 1, 1], [], []>, transpose_lhs_hint = false} : vector<1600x128xbf16>, vector<128x128xbf16>, vector<1600x128xf32> -> vector<1600x128xf32>
    %get3A_112 = arith.constant 0 : index
    %get3A_113 = arith.constant 0 : index
    %get3A_114 = vector.load %arg11[%get3A_112, %get3A_113] : memref<128x128xbf16, #tpu.memory_space<vmem>>, vector<128x128xbf16>
    %dot_general3A_115 = arith.constant dense<0.000000e+00> : vector<1600x128xf32>
    %dot_general3A_116 = tpu.matmul %convert_element_type3A_106, %get3A_114, %dot_general3A_115 {dimension_numbers = #tpu.dot_dimension_numbers<[1], [0], [0], [1], [0, 0, 1, 1], [], []>, transpose_lhs_hint = false} : vector<1600x128xbf16>, vector<128x128xbf16>, vector<1600x128xf32> -> vector<1600x128xf32>
    %mul3A_117 = arith.mulf %dot_general3A_9, %dot_general3A_111 : vector<1600x128xf32>
    %dot_general3A_118 = arith.constant dense<0.000000e+00> : vector<1600x4xf32>
    %dot_general3A_119 = tpu.matmul %mul3A_117, %convert_element_type3A_36, %dot_general3A_118 {dimension_numbers = #tpu.dot_dimension_numbers<[1], [0], [0], [1], [0, 0, 1, 1], [], []>, transpose_lhs_hint = false} : vector<1600x128xf32>, vector<128x4xf32>, vector<1600x4xf32> -> vector<1600x4xf32>
    %slice3A_120 = vector.extract_strided_slice %get3A_75 {offsets = [0, 1], sizes = [1600, 1], strides = [1, 1]} : vector<1600x6xi32> to vector<1600x1xi32>
    %ne3A_121 = arith.constant 0 : i32
    %ne3A_122 = vector.broadcast %ne3A_121 : i32 to vector<1600x1xi32>
    %ne3A_123 = arith.cmpi ne, %slice3A_120, %ne3A_122 : vector<1600x1xi32>
    %convert_element_type3A_124 = arith.extui %ne3A_123 : vector<1600x1xi1> to vector<1600x1xi32>
    %convert_element_type3A_125 = arith.sitofp %convert_element_type3A_124 : vector<1600x1xi32> to vector<1600x1xf32>
    %mul3A_126 = arith.constant 0.176776692 : f32
    %mul3A_127 = vector.broadcast %mul3A_126 : f32 to vector<1600x4xf32>
    %mul3A_128 = arith.mulf %dot_general3A_119, %mul3A_127 : vector<1600x4xf32>
    %exp3A_129 = math.exp %mul3A_128 : vector<1600x4xf32>
    %mul3A_130 = vector.broadcast %convert_element_type3A_125 : vector<1600x1xf32> to vector<1600x4xf32>
    %mul3A_131 = arith.mulf %exp3A_129, %mul3A_130 : vector<1600x4xf32>
    %add3A = arith.addf %mul3A_102, %mul3A_131 : vector<1600x4xf32>
    %get3A_132 = arith.constant 0 : index
    %get3A_133 = arith.constant 0 : index
    %get3A_134 = vector.load %arg4[%get3A_132, %get3A_133] : memref<1600x128xf32, #tpu.memory_space<vmem>>, vector<1600x128xf32>
    %convert_element_type3A_135 = arith.truncf %get3A_134 : vector<1600x128xf32> to vector<1600x128xbf16>
    %get3A_136 = arith.constant 0 : index
    %get3A_137 = arith.constant 0 : index
    %get3A_138 = vector.load %arg10[%get3A_136, %get3A_137] : memref<128x128xbf16, #tpu.memory_space<vmem>>, vector<128x128xbf16>
    %dot_general3A_139 = arith.constant dense<0.000000e+00> : vector<1600x128xf32>
    %dot_general3A_140 = tpu.matmul %convert_element_type3A_135, %get3A_138, %dot_general3A_139 {dimension_numbers = #tpu.dot_dimension_numbers<[1], [0], [0], [1], [0, 0, 1, 1], [], []>, transpose_lhs_hint = false} : vector<1600x128xbf16>, vector<128x128xbf16>, vector<1600x128xf32> -> vector<1600x128xf32>
    %get3A_141 = arith.constant 0 : index
    %get3A_142 = arith.constant 0 : index
    %get3A_143 = vector.load %arg11[%get3A_141, %get3A_142] : memref<128x128xbf16, #tpu.memory_space<vmem>>, vector<128x128xbf16>
    %dot_general3A_144 = arith.constant dense<0.000000e+00> : vector<1600x128xf32>
    %dot_general3A_145 = tpu.matmul %convert_element_type3A_135, %get3A_143, %dot_general3A_144 {dimension_numbers = #tpu.dot_dimension_numbers<[1], [0], [0], [1], [0, 0, 1, 1], [], []>, transpose_lhs_hint = false} : vector<1600x128xbf16>, vector<128x128xbf16>, vector<1600x128xf32> -> vector<1600x128xf32>
    %mul3A_146 = arith.mulf %dot_general3A_9, %dot_general3A_140 : vector<1600x128xf32>
    %dot_general3A_147 = arith.constant dense<0.000000e+00> : vector<1600x4xf32>
    %dot_general3A_148 = tpu.matmul %mul3A_146, %convert_element_type3A_36, %dot_general3A_147 {dimension_numbers = #tpu.dot_dimension_numbers<[1], [0], [0], [1], [0, 0, 1, 1], [], []>, transpose_lhs_hint = false} : vector<1600x128xf32>, vector<128x4xf32>, vector<1600x4xf32> -> vector<1600x4xf32>
    %slice3A_149 = vector.extract_strided_slice %get3A_75 {offsets = [0, 2], sizes = [1600, 1], strides = [1, 1]} : vector<1600x6xi32> to vector<1600x1xi32>
    %ne3A_150 = arith.constant 0 : i32
    %ne3A_151 = vector.broadcast %ne3A_150 : i32 to vector<1600x1xi32>
    %ne3A_152 = arith.cmpi ne, %slice3A_149, %ne3A_151 : vector<1600x1xi32>
    %convert_element_type3A_153 = arith.extui %ne3A_152 : vector<1600x1xi1> to vector<1600x1xi32>
    %convert_element_type3A_154 = arith.sitofp %convert_element_type3A_153 : vector<1600x1xi32> to vector<1600x1xf32>
    %mul3A_155 = arith.constant 0.176776692 : f32
    %mul3A_156 = vector.broadcast %mul3A_155 : f32 to vector<1600x4xf32>
    %mul3A_157 = arith.mulf %dot_general3A_148, %mul3A_156 : vector<1600x4xf32>
    %exp3A_158 = math.exp %mul3A_157 : vector<1600x4xf32>
    %mul3A_159 = vector.broadcast %convert_element_type3A_154 : vector<1600x1xf32> to vector<1600x4xf32>
    %mul3A_160 = arith.mulf %exp3A_158, %mul3A_159 : vector<1600x4xf32>
    %add3A_161 = arith.addf %add3A, %mul3A_160 : vector<1600x4xf32>
    %get3A_162 = arith.constant 0 : index
    %get3A_163 = arith.constant 0 : index
    %get3A_164 = vector.load %arg5[%get3A_162, %get3A_163] : memref<1600x128xf32, #tpu.memory_space<vmem>>, vector<1600x128xf32>
    %convert_element_type3A_165 = arith.truncf %get3A_164 : vector<1600x128xf32> to vector<1600x128xbf16>
    %get3A_166 = arith.constant 0 : index
    %get3A_167 = arith.constant 0 : index
    %get3A_168 = vector.load %arg10[%get3A_166, %get3A_167] : memref<128x128xbf16, #tpu.memory_space<vmem>>, vector<128x128xbf16>
    %dot_general3A_169 = arith.constant dense<0.000000e+00> : vector<1600x128xf32>
    %dot_general3A_170 = tpu.matmul %convert_element_type3A_165, %get3A_168, %dot_general3A_169 {dimension_numbers = #tpu.dot_dimension_numbers<[1], [0], [0], [1], [0, 0, 1, 1], [], []>, transpose_lhs_hint = false} : vector<1600x128xbf16>, vector<128x128xbf16>, vector<1600x128xf32> -> vector<1600x128xf32>
    %get3A_171 = arith.constant 0 : index
    %get3A_172 = arith.constant 0 : index
    %get3A_173 = vector.load %arg11[%get3A_171, %get3A_172] : memref<128x128xbf16, #tpu.memory_space<vmem>>, vector<128x128xbf16>
    %dot_general3A_174 = arith.constant dense<0.000000e+00> : vector<1600x128xf32>
    %dot_general3A_175 = tpu.matmul %convert_element_type3A_165, %get3A_173, %dot_general3A_174 {dimension_numbers = #tpu.dot_dimension_numbers<[1], [0], [0], [1], [0, 0, 1, 1], [], []>, transpose_lhs_hint = false} : vector<1600x128xbf16>, vector<128x128xbf16>, vector<1600x128xf32> -> vector<1600x128xf32>
    %mul3A_176 = arith.mulf %dot_general3A_9, %dot_general3A_170 : vector<1600x128xf32>
    %dot_general3A_177 = arith.constant dense<0.000000e+00> : vector<1600x4xf32>
    %dot_general3A_178 = tpu.matmul %mul3A_176, %convert_element_type3A_36, %dot_general3A_177 {dimension_numbers = #tpu.dot_dimension_numbers<[1], [0], [0], [1], [0, 0, 1, 1], [], []>, transpose_lhs_hint = false} : vector<1600x128xf32>, vector<128x4xf32>, vector<1600x4xf32> -> vector<1600x4xf32>
    %slice3A_179 = vector.extract_strided_slice %get3A_75 {offsets = [0, 3], sizes = [1600, 1], strides = [1, 1]} : vector<1600x6xi32> to vector<1600x1xi32>
    %ne3A_180 = arith.constant 0 : i32
    %ne3A_181 = vector.broadcast %ne3A_180 : i32 to vector<1600x1xi32>
    %ne3A_182 = arith.cmpi ne, %slice3A_179, %ne3A_181 : vector<1600x1xi32>
    %convert_element_type3A_183 = arith.extui %ne3A_182 : vector<1600x1xi1> to vector<1600x1xi32>
    %convert_element_type3A_184 = arith.sitofp %convert_element_type3A_183 : vector<1600x1xi32> to vector<1600x1xf32>
    %mul3A_185 = arith.constant 0.176776692 : f32
    %mul3A_186 = vector.broadcast %mul3A_185 : f32 to vector<1600x4xf32>
    %mul3A_187 = arith.mulf %dot_general3A_178, %mul3A_186 : vector<1600x4xf32>
    %exp3A_188 = math.exp %mul3A_187 : vector<1600x4xf32>
    %mul3A_189 = vector.broadcast %convert_element_type3A_184 : vector<1600x1xf32> to vector<1600x4xf32>
    %mul3A_190 = arith.mulf %exp3A_188, %mul3A_189 : vector<1600x4xf32>
    %add3A_191 = arith.addf %add3A_161, %mul3A_190 : vector<1600x4xf32>
    %get3A_192 = arith.constant 0 : index
    %get3A_193 = arith.constant 0 : index
    %get3A_194 = vector.load %arg6[%get3A_192, %get3A_193] : memref<1600x128xf32, #tpu.memory_space<vmem>>, vector<1600x128xf32>
    %convert_element_type3A_195 = arith.truncf %get3A_194 : vector<1600x128xf32> to vector<1600x128xbf16>
    %get3A_196 = arith.constant 0 : index
    %get3A_197 = arith.constant 0 : index
    %get3A_198 = vector.load %arg10[%get3A_196, %get3A_197] : memref<128x128xbf16, #tpu.memory_space<vmem>>, vector<128x128xbf16>
    %dot_general3A_199 = arith.constant dense<0.000000e+00> : vector<1600x128xf32>
    %dot_general3A_200 = tpu.matmul %convert_element_type3A_195, %get3A_198, %dot_general3A_199 {dimension_numbers = #tpu.dot_dimension_numbers<[1], [0], [0], [1], [0, 0, 1, 1], [], []>, transpose_lhs_hint = false} : vector<1600x128xbf16>, vector<128x128xbf16>, vector<1600x128xf32> -> vector<1600x128xf32>
    %get3A_201 = arith.constant 0 : index
    %get3A_202 = arith.constant 0 : index
    %get3A_203 = vector.load %arg11[%get3A_201, %get3A_202] : memref<128x128xbf16, #tpu.memory_space<vmem>>, vector<128x128xbf16>
    %dot_general3A_204 = arith.constant dense<0.000000e+00> : vector<1600x128xf32>
    %dot_general3A_205 = tpu.matmul %convert_element_type3A_195, %get3A_203, %dot_general3A_204 {dimension_numbers = #tpu.dot_dimension_numbers<[1], [0], [0], [1], [0, 0, 1, 1], [], []>, transpose_lhs_hint = false} : vector<1600x128xbf16>, vector<128x128xbf16>, vector<1600x128xf32> -> vector<1600x128xf32>
    %mul3A_206 = arith.mulf %dot_general3A_9, %dot_general3A_200 : vector<1600x128xf32>
    %dot_general3A_207 = arith.constant dense<0.000000e+00> : vector<1600x4xf32>
    %dot_general3A_208 = tpu.matmul %mul3A_206, %convert_element_type3A_36, %dot_general3A_207 {dimension_numbers = #tpu.dot_dimension_numbers<[1], [0], [0], [1], [0, 0, 1, 1], [], []>, transpose_lhs_hint = false} : vector<1600x128xf32>, vector<128x4xf32>, vector<1600x4xf32> -> vector<1600x4xf32>
    %slice3A_209 = vector.extract_strided_slice %get3A_75 {offsets = [0, 4], sizes = [1600, 1], strides = [1, 1]} : vector<1600x6xi32> to vector<1600x1xi32>
    %ne3A_210 = arith.constant 0 : i32
    %ne3A_211 = vector.broadcast %ne3A_210 : i32 to vector<1600x1xi32>
    %ne3A_212 = arith.cmpi ne, %slice3A_209, %ne3A_211 : vector<1600x1xi32>
    %convert_element_type3A_213 = arith.extui %ne3A_212 : vector<1600x1xi1> to vector<1600x1xi32>
    %convert_element_type3A_214 = arith.sitofp %convert_element_type3A_213 : vector<1600x1xi32> to vector<1600x1xf32>
    %mul3A_215 = arith.constant 0.176776692 : f32
    %mul3A_216 = vector.broadcast %mul3A_215 : f32 to vector<1600x4xf32>
    %mul3A_217 = arith.mulf %dot_general3A_208, %mul3A_216 : vector<1600x4xf32>
    %exp3A_218 = math.exp %mul3A_217 : vector<1600x4xf32>
    %mul3A_219 = vector.broadcast %convert_element_type3A_214 : vector<1600x1xf32> to vector<1600x4xf32>
    %mul3A_220 = arith.mulf %exp3A_218, %mul3A_219 : vector<1600x4xf32>
    %add3A_221 = arith.addf %add3A_191, %mul3A_220 : vector<1600x4xf32>
    %get3A_222 = arith.constant 0 : index
    %get3A_223 = arith.constant 0 : index
    %get3A_224 = vector.load %arg7[%get3A_222, %get3A_223] : memref<1600x128xf32, #tpu.memory_space<vmem>>, vector<1600x128xf32>
    %convert_element_type3A_225 = arith.truncf %get3A_224 : vector<1600x128xf32> to vector<1600x128xbf16>
    %get3A_226 = arith.constant 0 : index
    %get3A_227 = arith.constant 0 : index
    %get3A_228 = vector.load %arg10[%get3A_226, %get3A_227] : memref<128x128xbf16, #tpu.memory_space<vmem>>, vector<128x128xbf16>
    %dot_general3A_229 = arith.constant dense<0.000000e+00> : vector<1600x128xf32>
    %dot_general3A_230 = tpu.matmul %convert_element_type3A_225, %get3A_228, %dot_general3A_229 {dimension_numbers = #tpu.dot_dimension_numbers<[1], [0], [0], [1], [0, 0, 1, 1], [], []>, transpose_lhs_hint = false} : vector<1600x128xbf16>, vector<128x128xbf16>, vector<1600x128xf32> -> vector<1600x128xf32>
    %get3A_231 = arith.constant 0 : index
    %get3A_232 = arith.constant 0 : index
    %get3A_233 = vector.load %arg11[%get3A_231, %get3A_232] : memref<128x128xbf16, #tpu.memory_space<vmem>>, vector<128x128xbf16>
    %dot_general3A_234 = arith.constant dense<0.000000e+00> : vector<1600x128xf32>
    %dot_general3A_235 = tpu.matmul %convert_element_type3A_225, %get3A_233, %dot_general3A_234 {dimension_numbers = #tpu.dot_dimension_numbers<[1], [0], [0], [1], [0, 0, 1, 1], [], []>, transpose_lhs_hint = false} : vector<1600x128xbf16>, vector<128x128xbf16>, vector<1600x128xf32> -> vector<1600x128xf32>
    %mul3A_236 = arith.mulf %dot_general3A_9, %dot_general3A_230 : vector<1600x128xf32>
    %dot_general3A_237 = arith.constant dense<0.000000e+00> : vector<1600x4xf32>
    %dot_general3A_238 = tpu.matmul %mul3A_236, %convert_element_type3A_36, %dot_general3A_237 {dimension_numbers = #tpu.dot_dimension_numbers<[1], [0], [0], [1], [0, 0, 1, 1], [], []>, transpose_lhs_hint = false} : vector<1600x128xf32>, vector<128x4xf32>, vector<1600x4xf32> -> vector<1600x4xf32>
    %slice3A_239 = vector.extract_strided_slice %get3A_75 {offsets = [0, 5], sizes = [1600, 1], strides = [1, 1]} : vector<1600x6xi32> to vector<1600x1xi32>
    %ne3A_240 = arith.constant 0 : i32
    %ne3A_241 = vector.broadcast %ne3A_240 : i32 to vector<1600x1xi32>
    %ne3A_242 = arith.cmpi ne, %slice3A_239, %ne3A_241 : vector<1600x1xi32>
    %convert_element_type3A_243 = arith.extui %ne3A_242 : vector<1600x1xi1> to vector<1600x1xi32>
    %convert_element_type3A_244 = arith.sitofp %convert_element_type3A_243 : vector<1600x1xi32> to vector<1600x1xf32>
    %mul3A_245 = arith.constant 0.176776692 : f32
    %mul3A_246 = vector.broadcast %mul3A_245 : f32 to vector<1600x4xf32>
    %mul3A_247 = arith.mulf %dot_general3A_238, %mul3A_246 : vector<1600x4xf32>
    %exp3A_248 = math.exp %mul3A_247 : vector<1600x4xf32>
    %mul3A_249 = vector.broadcast %convert_element_type3A_244 : vector<1600x1xf32> to vector<1600x4xf32>
    %mul3A_250 = arith.mulf %exp3A_248, %mul3A_249 : vector<1600x4xf32>
    %add3A_251 = arith.addf %add3A_221, %mul3A_250 : vector<1600x4xf32>
    %max3A = arith.constant 1.000000e-30 : f32
    %max3A_252 = vector.broadcast %max3A : f32 to vector<1600x4xf32>
    %max3A_253 = arith.maximumf %add3A_251, %max3A_252 : vector<1600x4xf32>
    %div3A_254 = arith.constant 1.000000e+00 : f32
    %div3A_255 = vector.broadcast %div3A_254 : f32 to vector<1600x4xf32>
    %div3A_256 = arith.divf %div3A_255, %max3A_253 : vector<1600x4xf32>
    %mul3A_257 = arith.mulf %mul3A_102, %div3A_256 : vector<1600x4xf32>
    %dot_general3A_258 = arith.constant dense<0.000000e+00> : vector<1600x128xf32>
    %dot_general3A_259 = tpu.matmul %mul3A_257, %convert_element_type3A_72, %dot_general3A_258 {dimension_numbers = #tpu.dot_dimension_numbers<[1], [0], [0], [1], [0, 0, 1, 1], [], []>, transpose_lhs_hint = false} : vector<1600x4xf32>, vector<4x128xf32>, vector<1600x128xf32> -> vector<1600x128xf32>
    %mul3A_260 = arith.mulf %dot_general3A_89, %dot_general3A_259 : vector<1600x128xf32>
    %mul3A_261 = arith.mulf %mul3A_131, %div3A_256 : vector<1600x4xf32>
    %dot_general3A_262 = arith.constant dense<0.000000e+00> : vector<1600x128xf32>
    %dot_general3A_263 = tpu.matmul %mul3A_261, %convert_element_type3A_72, %dot_general3A_262 {dimension_numbers = #tpu.dot_dimension_numbers<[1], [0], [0], [1], [0, 0, 1, 1], [], []>, transpose_lhs_hint = false} : vector<1600x4xf32>, vector<4x128xf32>, vector<1600x128xf32> -> vector<1600x128xf32>
    %mul3A_264 = arith.mulf %dot_general3A_116, %dot_general3A_263 : vector<1600x128xf32>
    %add3A_265 = arith.addf %mul3A_260, %mul3A_264 : vector<1600x128xf32>
    %mul3A_266 = arith.mulf %mul3A_160, %div3A_256 : vector<1600x4xf32>
    %dot_general3A_267 = arith.constant dense<0.000000e+00> : vector<1600x128xf32>
    %dot_general3A_268 = tpu.matmul %mul3A_266, %convert_element_type3A_72, %dot_general3A_267 {dimension_numbers = #tpu.dot_dimension_numbers<[1], [0], [0], [1], [0, 0, 1, 1], [], []>, transpose_lhs_hint = false} : vector<1600x4xf32>, vector<4x128xf32>, vector<1600x128xf32> -> vector<1600x128xf32>
    %mul3A_269 = arith.mulf %dot_general3A_145, %dot_general3A_268 : vector<1600x128xf32>
    %add3A_270 = arith.addf %add3A_265, %mul3A_269 : vector<1600x128xf32>
    %mul3A_271 = arith.mulf %mul3A_190, %div3A_256 : vector<1600x4xf32>
    %dot_general3A_272 = arith.constant dense<0.000000e+00> : vector<1600x128xf32>
    %dot_general3A_273 = tpu.matmul %mul3A_271, %convert_element_type3A_72, %dot_general3A_272 {dimension_numbers = #tpu.dot_dimension_numbers<[1], [0], [0], [1], [0, 0, 1, 1], [], []>, transpose_lhs_hint = false} : vector<1600x4xf32>, vector<4x128xf32>, vector<1600x128xf32> -> vector<1600x128xf32>
    %mul3A_274 = arith.mulf %dot_general3A_175, %dot_general3A_273 : vector<1600x128xf32>
    %add3A_275 = arith.addf %add3A_270, %mul3A_274 : vector<1600x128xf32>
    %mul3A_276 = arith.mulf %mul3A_220, %div3A_256 : vector<1600x4xf32>
    %dot_general3A_277 = arith.constant dense<0.000000e+00> : vector<1600x128xf32>
    %dot_general3A_278 = tpu.matmul %mul3A_276, %convert_element_type3A_72, %dot_general3A_277 {dimension_numbers = #tpu.dot_dimension_numbers<[1], [0], [0], [1], [0, 0, 1, 1], [], []>, transpose_lhs_hint = false} : vector<1600x4xf32>, vector<4x128xf32>, vector<1600x128xf32> -> vector<1600x128xf32>
    %mul3A_279 = arith.mulf %dot_general3A_205, %dot_general3A_278 : vector<1600x128xf32>
    %add3A_280 = arith.addf %add3A_275, %mul3A_279 : vector<1600x128xf32>
    %mul3A_281 = arith.mulf %mul3A_250, %div3A_256 : vector<1600x4xf32>
    %dot_general3A_282 = arith.constant dense<0.000000e+00> : vector<1600x128xf32>
    %dot_general3A_283 = tpu.matmul %mul3A_281, %convert_element_type3A_72, %dot_general3A_282 {dimension_numbers = #tpu.dot_dimension_numbers<[1], [0], [0], [1], [0, 0, 1, 1], [], []>, transpose_lhs_hint = false} : vector<1600x4xf32>, vector<4x128xf32>, vector<1600x128xf32> -> vector<1600x128xf32>
    %mul3A_284 = arith.mulf %dot_general3A_235, %dot_general3A_283 : vector<1600x128xf32>
    %add3A_285 = arith.addf %add3A_280, %mul3A_284 : vector<1600x128xf32>
    %get3A_286 = arith.constant 0 : index
    %get3A_287 = arith.constant 0 : index
    %get3A_288 = vector.load %arg12[%get3A_286, %get3A_287] : memref<128x128xf32, #tpu.memory_space<vmem>>, vector<128x128xf32>
    %dot_general3A_289 = arith.constant dense<0.000000e+00> : vector<1600x128xf32>
    %dot_general3A_290 = tpu.matmul %add3A_285, %get3A_288, %dot_general3A_289 {dimension_numbers = #tpu.dot_dimension_numbers<[1], [0], [0], [1], [0, 0, 1, 1], [], []>, transpose_lhs_hint = false} : vector<1600x128xf32>, vector<128x128xf32>, vector<1600x128xf32> -> vector<1600x128xf32>
    %add3A_291 = arith.addf %select_n3A, %dot_general3A_290 : vector<1600x128xf32>
    %ge3A_292 = arith.constant 0.000000e+00 : f32
    %ge3A_293 = vector.broadcast %ge3A_292 : f32 to vector<1600x128xf32>
    %ge3A_294 = arith.cmpf oge, %add3A_291, %ge3A_293 : vector<1600x128xf32>
    %mul3A_295 = arith.constant 1.000000e-01 : f32
    %mul3A_296 = vector.broadcast %mul3A_295 : f32 to vector<1600x128xf32>
    %mul3A_297 = arith.mulf %mul3A_296, %add3A_291 : vector<1600x128xf32>
    %select_n3A_298 = arith.select %ge3A_294, %add3A_291, %mul3A_297 : vector<1600x128xi1>, vector<1600x128xf32>
    %swap3A = arith.constant 0 : index
    %swap3A_299 = arith.constant 0 : index
    %swap3A_300 = vector.load %arg14[%swap3A, %swap3A_299] : memref<1600x128xf32, #tpu.memory_space<vmem>>, vector<1600x128xf32>
    tpu.vector_store %arg14[%swap3A, %swap3A_299], %select_n3A_298 {strides = array<i32>} : memref<1600x128xf32, #tpu.memory_space<vmem>>, vector<1600x128xf32>,
    return
  }
  func.func @transform_0(%arg0: i32) -> (i32, i32) {
    %add3A = arith.constant 50 : i32
    %add3A_0 = arith.addi %add3A, %arg0 : i32
    %c0_i32 = arith.constant 0 : i32
    %c0_i32_1 = arith.constant 0 : i32
    return %add3A_0, %c0_i32 : i32, i32
  }
  func.func @transform_1(%arg0: i32) -> (i32, i32) {
    %add3A = arith.constant 0 : i32
    %add3A_0 = arith.addi %add3A, %arg0 : i32
    %c0_i32 = arith.constant 0 : i32
    %c0_i32_1 = arith.constant 0 : i32
    return %add3A_0, %c0_i32 : i32, i32
  }
  func.func @transform_2(%arg0: i32) -> (i32, i32) {
    %add3A = arith.constant 50 : i32
    %add3A_0 = arith.addi %add3A, %arg0 : i32
    %c0_i32 = arith.constant 0 : i32
    %c0_i32_1 = arith.constant 0 : i32
    return %add3A_0, %c0_i32 : i32, i32
  }
  func.func @transform_3(%arg0: i32) -> (i32, i32) {
    %add3A = arith.constant 100 : i32
    %add3A_0 = arith.addi %add3A, %arg0 : i32
    %c0_i32 = arith.constant 0 : i32
    %c0_i32_1 = arith.constant 0 : i32
    return %add3A_0, %c0_i32 : i32, i32
  }
  func.func @transform_4(%arg0: i32) -> (i32, i32) {
    %add3A = arith.constant 150 : i32
    %add3A_0 = arith.addi %add3A, %arg0 : i32
    %c0_i32 = arith.constant 0 : i32
    %c0_i32_1 = arith.constant 0 : i32
    return %add3A_0, %c0_i32 : i32, i32
  }
  func.func @transform_5(%arg0: i32) -> (i32, i32) {
    %add3A = arith.constant 200 : i32
    %add3A_0 = arith.addi %add3A, %arg0 : i32
    %c0_i32 = arith.constant 0 : i32
    %c0_i32_1 = arith.constant 0 : i32
    return %add3A_0, %c0_i32 : i32, i32
  }
  func.func @transform_6(%arg0: i32) -> (i32, i32) {
    %add3A = arith.constant 250 : i32
    %add3A_0 = arith.addi %add3A, %arg0 : i32
    %c0_i32 = arith.constant 0 : i32
    %c0_i32_1 = arith.constant 0 : i32
    return %add3A_0, %c0_i32 : i32, i32
  }
  func.func @transform_7(%arg0: i32) -> (i32, i32) {
    %add3A = arith.constant 50 : i32
    %add3A_0 = arith.addi %add3A, %arg0 : i32
    %c0_i32 = arith.constant 0 : i32
    %c0_i32_1 = arith.constant 0 : i32
    return %add3A_0, %c0_i32 : i32, i32
  }
  func.func @transform_8(%arg0: i32) -> (i32, i32) {
    %c0_i32 = arith.constant 0 : i32
    %c0_i32_0 = arith.constant 0 : i32
    %c0_i32_1 = arith.constant 0 : i32
    return %c0_i32, %c0_i32_0 : i32, i32
  }
  func.func @transform_9(%arg0: i32) -> (i32, i32) {
    %c0_i32 = arith.constant 0 : i32
    %c0_i32_0 = arith.constant 0 : i32
    %c0_i32_1 = arith.constant 0 : i32
    return %c0_i32, %c0_i32_0 : i32, i32
  }
  func.func @transform_10(%arg0: i32) -> (i32, i32) {
    %c0_i32 = arith.constant 0 : i32
    %c0_i32_0 = arith.constant 0 : i32
    %c0_i32_1 = arith.constant 0 : i32
    return %c0_i32, %c0_i32_0 : i32, i32
  }
  func.func @transform_11(%arg0: i32) -> (i32, i32) {
    %c0_i32 = arith.constant 0 : i32
    %c0_i32_0 = arith.constant 0 : i32
    %c0_i32_1 = arith.constant 0 : i32
    return %c0_i32, %c0_i32_0 : i32, i32
  }
  func.func @transform_13(%arg0: i32) -> (i32, i32) {
    %add3A = arith.constant 50 : i32
    %add3A_0 = arith.addi %add3A, %arg0 : i32
    %c0_i32 = arith.constant 0 : i32
    %c0_i32_1 = arith.constant 0 : i32
    return %add3A_0, %c0_i32 : i32, i32
  }
}

module attributes {stable_mosaic.version = 14 : i64} {
  func.func @_out_body(%arg0: i32, %arg1: memref<1024x31xf32, #tpu.memory_space<vmem>>, %arg2: memref<1024x128xf32, #tpu.memory_space<vmem>>, %arg3: memref<1024x128xf32, #tpu.memory_space<vmem>>, %arg4: memref<1024x128xf32, #tpu.memory_space<vmem>>, %arg5: memref<1024x128xf32, #tpu.memory_space<vmem>>, %arg6: memref<1024x128xf32, #tpu.memory_space<vmem>>, %arg7: memref<1024x128xf32, #tpu.memory_space<vmem>>, %arg8: memref<31x128xf32, #tpu.memory_space<vmem>>, %arg9: memref<128x128xf32, #tpu.memory_space<vmem>>, %arg10: memref<1x128xf32, #tpu.memory_space<vmem>>, %arg11: memref<1024x128xf32, #tpu.memory_space<vmem>>) attributes {dimension_semantics = [#tpu.dimension_semantics<parallel>], iteration_bounds = array<i64: 10>, scalar_prefetch = 0 : i64, scratch_operands = 0 : i64, tpu.core_type = #tpu.core_type<tc>, window_params = [{transform_indices = @transform_0, window_bounds = array<i64: 1024, 31>}, {transform_indices = @transform_1, window_bounds = array<i64: 1024, 128>}, {transform_indices = @transform_2, window_bounds = array<i64: 1024, 128>}, {transform_indices = @transform_3, window_bounds = array<i64: 1024, 128>}, {transform_indices = @transform_4, window_bounds = array<i64: 1024, 128>}, {transform_indices = @transform_5, window_bounds = array<i64: 1024, 128>}, {transform_indices = @transform_6, window_bounds = array<i64: 1024, 128>}, {pipeline_mode = #tpu.pipeline_mode<synchronous>, transform_indices = @transform_7, window_bounds = array<i64: 31, 128>}, {pipeline_mode = #tpu.pipeline_mode<synchronous>, transform_indices = @transform_8, window_bounds = array<i64: 128, 128>}, {pipeline_mode = #tpu.pipeline_mode<synchronous>, transform_indices = @transform_9, window_bounds = array<i64: 1, 128>}, {transform_indices = @transform_10, window_bounds = array<i64: 1024, 128>}]} {
    %get3A = arith.constant 0 : index
    %get3A_0 = arith.constant 0 : index
    %get3A_1 = vector.load %arg2[%get3A, %get3A_0] : memref<1024x128xf32, #tpu.memory_space<vmem>>, vector<1024x128xf32>
    %get3A_2 = arith.constant 0 : index
    %get3A_3 = arith.constant 0 : index
    %get3A_4 = vector.load %arg3[%get3A_2, %get3A_3] : memref<1024x128xf32, #tpu.memory_space<vmem>>, vector<1024x128xf32>
    %add3A = arith.addf %get3A_1, %get3A_4 : vector<1024x128xf32>
    %get3A_5 = arith.constant 0 : index
    %get3A_6 = arith.constant 0 : index
    %get3A_7 = vector.load %arg4[%get3A_5, %get3A_6] : memref<1024x128xf32, #tpu.memory_space<vmem>>, vector<1024x128xf32>
    %add3A_8 = arith.addf %add3A, %get3A_7 : vector<1024x128xf32>
    %get3A_9 = arith.constant 0 : index
    %get3A_10 = arith.constant 0 : index
    %get3A_11 = vector.load %arg5[%get3A_9, %get3A_10] : memref<1024x128xf32, #tpu.memory_space<vmem>>, vector<1024x128xf32>
    %add3A_12 = arith.addf %add3A_8, %get3A_11 : vector<1024x128xf32>
    %get3A_13 = arith.constant 0 : index
    %get3A_14 = arith.constant 0 : index
    %get3A_15 = vector.load %arg6[%get3A_13, %get3A_14] : memref<1024x128xf32, #tpu.memory_space<vmem>>, vector<1024x128xf32>
    %add3A_16 = arith.addf %add3A_12, %get3A_15 : vector<1024x128xf32>
    %get3A_17 = arith.constant 0 : index
    %get3A_18 = arith.constant 0 : index
    %get3A_19 = vector.load %arg7[%get3A_17, %get3A_18] : memref<1024x128xf32, #tpu.memory_space<vmem>>, vector<1024x128xf32>
    %add3A_20 = arith.addf %add3A_16, %get3A_19 : vector<1024x128xf32>
    %get3A_21 = arith.constant 0 : index
    %get3A_22 = arith.constant 0 : index
    %get3A_23 = vector.load %arg1[%get3A_21, %get3A_22] : memref<1024x31xf32, #tpu.memory_space<vmem>>, vector<1024x31xf32>
    %get3A_24 = arith.constant 0 : index
    %get3A_25 = arith.constant 0 : index
    %get3A_26 = vector.load %arg8[%get3A_24, %get3A_25] : memref<31x128xf32, #tpu.memory_space<vmem>>, vector<31x128xf32>
    %dot_general3A = arith.constant dense<0.000000e+00> : vector<1024x128xf32>
    %dot_general3A_27 = tpu.matmul %get3A_23, %get3A_26, %dot_general3A {dimension_numbers = #tpu.dot_dimension_numbers<[1], [0], [0], [1], [0, 0, 1, 1], [], []>, transpose_lhs_hint = false} : vector<1024x31xf32>, vector<31x128xf32>, vector<1024x128xf32> -> vector<1024x128xf32>
    %get3A_28 = arith.constant 0 : index
    %get3A_29 = arith.constant 0 : index
    %get3A_30 = vector.load %arg9[%get3A_28, %get3A_29] : memref<128x128xf32, #tpu.memory_space<vmem>>, vector<128x128xf32>
    %dot_general3A_31 = arith.constant dense<0.000000e+00> : vector<1024x128xf32>
    %dot_general3A_32 = tpu.matmul %add3A_20, %get3A_30, %dot_general3A_31 {dimension_numbers = #tpu.dot_dimension_numbers<[1], [0], [0], [1], [0, 0, 1, 1], [], []>, transpose_lhs_hint = false} : vector<1024x128xf32>, vector<128x128xf32>, vector<1024x128xf32> -> vector<1024x128xf32>
    %add3A_33 = arith.addf %dot_general3A_27, %dot_general3A_32 : vector<1024x128xf32>
    %get3A_34 = arith.constant 0 : index
    %get3A_35 = arith.constant 0 : index
    %get3A_36 = vector.load %arg10[%get3A_34, %get3A_35] : memref<1x128xf32, #tpu.memory_space<vmem>>, vector<1x128xf32>
    %add3A_37 = vector.broadcast %get3A_36 : vector<1x128xf32> to vector<1024x128xf32>
    %add3A_38 = arith.addf %add3A_33, %add3A_37 : vector<1024x128xf32>
    %ge3A = arith.constant 0.000000e+00 : f32
    %ge3A_39 = vector.broadcast %ge3A : f32 to vector<1024x128xf32>
    %ge3A_40 = arith.cmpf oge, %add3A_38, %ge3A_39 : vector<1024x128xf32>
    %mul3A = arith.constant 1.000000e-01 : f32
    %mul3A_41 = vector.broadcast %mul3A : f32 to vector<1024x128xf32>
    %mul3A_42 = arith.mulf %mul3A_41, %add3A_38 : vector<1024x128xf32>
    %select_n3A = arith.select %ge3A_40, %add3A_38, %mul3A_42 : vector<1024x128xi1>, vector<1024x128xf32>
    %swap3A = arith.constant 0 : index
    %swap3A_43 = arith.constant 0 : index
    %swap3A_44 = vector.load %arg11[%swap3A, %swap3A_43] : memref<1024x128xf32, #tpu.memory_space<vmem>>, vector<1024x128xf32>
    tpu.vector_store %arg11[%swap3A, %swap3A_43], %select_n3A {strides = array<i32>} : memref<1024x128xf32, #tpu.memory_space<vmem>>, vector<1024x128xf32>,
    return
  }
  func.func @transform_0(%arg0: i32) -> (i32, i32) {
    %c0_i32 = arith.constant 0 : i32
    %c0_i32_0 = arith.constant 0 : i32
    return %arg0, %c0_i32 : i32, i32
  }
  func.func @transform_1(%arg0: i32) -> (i32, i32) {
    %add3A = arith.constant 0 : i32
    %add3A_0 = arith.addi %add3A, %arg0 : i32
    %c0_i32 = arith.constant 0 : i32
    %c0_i32_1 = arith.constant 0 : i32
    return %add3A_0, %c0_i32 : i32, i32
  }
  func.func @transform_2(%arg0: i32) -> (i32, i32) {
    %add3A = arith.constant 10 : i32
    %add3A_0 = arith.addi %add3A, %arg0 : i32
    %c0_i32 = arith.constant 0 : i32
    %c0_i32_1 = arith.constant 0 : i32
    return %add3A_0, %c0_i32 : i32, i32
  }
  func.func @transform_3(%arg0: i32) -> (i32, i32) {
    %add3A = arith.constant 20 : i32
    %add3A_0 = arith.addi %add3A, %arg0 : i32
    %c0_i32 = arith.constant 0 : i32
    %c0_i32_1 = arith.constant 0 : i32
    return %add3A_0, %c0_i32 : i32, i32
  }
  func.func @transform_4(%arg0: i32) -> (i32, i32) {
    %add3A = arith.constant 30 : i32
    %add3A_0 = arith.addi %add3A, %arg0 : i32
    %c0_i32 = arith.constant 0 : i32
    %c0_i32_1 = arith.constant 0 : i32
    return %add3A_0, %c0_i32 : i32, i32
  }
  func.func @transform_5(%arg0: i32) -> (i32, i32) {
    %add3A = arith.constant 40 : i32
    %add3A_0 = arith.addi %add3A, %arg0 : i32
    %c0_i32 = arith.constant 0 : i32
    %c0_i32_1 = arith.constant 0 : i32
    return %add3A_0, %c0_i32 : i32, i32
  }
  func.func @transform_6(%arg0: i32) -> (i32, i32) {
    %add3A = arith.constant 50 : i32
    %add3A_0 = arith.addi %add3A, %arg0 : i32
    %c0_i32 = arith.constant 0 : i32
    %c0_i32_1 = arith.constant 0 : i32
    return %add3A_0, %c0_i32 : i32, i32
  }
  func.func @transform_7(%arg0: i32) -> (i32, i32) {
    %c0_i32 = arith.constant 0 : i32
    %c0_i32_0 = arith.constant 0 : i32
    %c0_i32_1 = arith.constant 0 : i32
    return %c0_i32, %c0_i32_0 : i32, i32
  }
  func.func @transform_8(%arg0: i32) -> (i32, i32) {
    %c0_i32 = arith.constant 0 : i32
    %c0_i32_0 = arith.constant 0 : i32
    %c0_i32_1 = arith.constant 0 : i32
    return %c0_i32, %c0_i32_0 : i32, i32
  }
  func.func @transform_9(%arg0: i32) -> (i32, i32) {
    %c0_i32 = arith.constant 0 : i32
    %c0_i32_0 = arith.constant 0 : i32
    %c0_i32_1 = arith.constant 0 : i32
    return %c0_i32, %c0_i32_0 : i32, i32
  }
  func.func @transform_10(%arg0: i32) -> (i32, i32) {
    %c0_i32 = arith.constant 0 : i32
    %c0_i32_0 = arith.constant 0 : i32
    return %arg0, %c0_i32 : i32, i32
  }
}

</mosaic_0001>

<sc_bundles>
// kernel: kernel.12.cloned.1.call-start
scs
__scs_entry_jumppad:
0x0: {  	(pc) =	sbr.rel $0x88, $3  }
0x1: {  	(tag) =	ssettag $0x0;
	lr =	simm.s32 $0x1  }
0x2: {  	[smem:$0x3F95] =	sst lr;
	_ =	strace $0xD0000000  }
0x3: {  	_ = 	snop  }
0x4: {  	_ = 	snop  }
0x5: {  	_ = 	snop  }
0x6: {  	_ = 	snop  }
0x7: {  	_ = 	snop  }
__scs_overlays_trampoline_lowered:
0x8: {  	[smem:$0x3FA4] =	sst s0  }
0x9: {  	[smem:$0x3FA5] =	sst s1  }
0xa: {  	[smem:$0x3FA6] =	sst s2  }
0xb: {  	[smem:$0x3FA7] =	sst s3  }
0xc: {  	[smem:$0x3FA8] =	sst s4  }
0xd: {  	[smem:$0x3FA9] =	sst s5  }
0xe: {  	[smem:$0x3FAA] =	sst s6  }
0xf: {  	[smem:$0x3FAB] =	sst s7  }
0x10: {  	[smem:$0x3FAC] =	sst s8  }
0x11: {  	[smem:$0x3FAD] =	sst s9;
	s0 =	simm.s32 @!p0 $0x0  }
0x12: {  	s1 =	sld [smem:$0x3F93];
	s0 =	simm.s32 @p0 $0x1  }
0x13: {  	[smem:$0x3FAE] =	sst s0;
	s0 =	simm.s32 @!p1 $0x0  }
0x14: {  	s2 =	sld [smem:$0x3F92];
	s0 =	simm.s32 @p1 $0x1  }
0x15: {  	[smem:$0x3FAF] =	sst s0;
	s0 =	simm.s32 @!p2 $0x0  }
0x16: {  	s3 =	sld [smem:$0x3FDB];
	s0 =	simm.s32 @p2 $0x1  }
0x17: {  	s4 =	simm.s32 $0x1BF5;
	[smem:$0x3FB1] =	sst s0  }
0x18: {  	s0 =	sld [smem:$0x3F94];
	_ =	swait.ge [sflag:s4], $0x0  }
0x19: {  	s7 =	sld [smem:$0x3F95]  }
0x1a: {  	s8 =	sadd.s32 $0xFFFFE003, lr  }
0x1b: {  	s9 =	sadd.s32 $0xFFFFFEF7, lr;
	s5 =	simm.s32 $0xFFFFFFFF;
	p2 =	slt.u32 s8, $0xFFFFF086  }
0x1c: {  	p1 =	slt.u32 s9, $0xF7A;
	s5 =	simm.s32 @!p2 $0x0  }
0x1d: {  	s5 =	simm.s32 @p1 $0x1;
	p0 =	seq.s32 s7, s2  }
0x1e: {  	s7 =	smul.u32 @!p0 $0xF7A, s2;
	p2 =	seq.s32 @!p0 s5, $0x0  }
0x1f: {  	s9 =	smul.u32 $0xF7A, s1;
	s8 =	simm.s32 @!p0 $0x1BF5;
	p2 =	por !p2, p0  }
0x20: {  	[sflag:s8] =	ssyncset.s32 @!p0 $0xFFFFF086;
	s6 =	sadd.s32 @!p0 s3, s7;
	s7 =	simm.s32 @!p0 $0x108  }
0x21: {  	s3 =	sadd.s32 s3, s9;
	s6 =	sadd.s32 @!p0 $0x88, s6;
	s7 =	simm.s32 @p2 $0x1082  }
0x22: {  	[simem:s7], [sflag:s8] =	dma.local @!p0 [hbm:s6], $0xF7A  }
0x23: {  	s9 =	sor.u32 $0xD0000000, s2;
	s6 =	simm.s32 $0x108;
	_ =	swait.ge @!p0 [sflag:s8], $0x0  }
0x24: {  	s3 =	sadd.s32 $0x88, s3;
	s6 =	simm.s32 @!p1 $0x1082;
	[sflag:s4] =	ssyncset.s32 $0xFFFFF086  }
0x25: {  	[simem:s6], [sflag:s4] =	dma.local [hbm:s3], $0xF7A  }
0x26: {  	[smem:$0x3F95] =	sst s1;
	(tag) =	ssettag s2;
	_ =	strace s9  }
0x27: {  	s1 =	sld [smem:$0x3FA5]  }
0x28: {  	s2 =	sld [smem:$0x3FA6]  }
0x29: {  	s4 =	sld [smem:$0x3FA8]  }
0x2a: {  	p0 =	seq.s32 s5, $0x0;
	s5 =	sld [smem:$0x3FA9]  }
0x2b: {  	s6 =	sld [smem:$0x3FAA]  }
0x2c: {  	s7 =	sld [smem:$0x3FAB]  }
0x2d: {  	s3 =	simm.s32 $0x108;
	s8 =	sld [smem:$0x3FAC]  }
0x2e: {  	s3 =	simm.s32 @!p0 $0x1082;
	s9 =	sld [smem:$0x3FAD]  }
0x2f: {  	lr =	sadd.s32 s0, s3;
	s0 =	sld [smem:$0x3FA4]  }
0x30: {  	s3 =	sld [smem:$0x3FA7]  }
0x31: {  	[smem:$0x3FB0] =	sst s10  }
0x32: {  	s10 =	sld [smem:$0x3FAE];
	_ =	sdelay $0x3  }
0x33: {  	p0 =	seq.s32 s10, $0x1;
	s10 =	sld [smem:$0x3FB0];
	_ =	sdelay $0x3  }
0x34: {  	[smem:$0x3FB0] =	sst s10  }
0x35: {  	s10 =	sld [smem:$0x3FAF];
	_ =	sdelay $0x3  }
0x36: {  	p1 =	seq.s32 s10, $0x1;
	s10 =	sld [smem:$0x3FB0];
	_ =	sdelay $0x3  }
0x37: {  	[smem:$0x3FB0] =	sst s10  }
0x38: {  	s10 =	sld [smem:$0x3FB1]  }
0x39: {  	_ = 	snop;
	(pc) =	sbr.ind lr, $3  }
0x3a: {  	_ = 	snop  }
0x3b: {  	_ = 	snop  }
0x3c: {  	p2 =	seq.s32 s10, $0x1;
	s10 =	sld [smem:$0x3FB0]  }
0x3d: {  	_ =	shalt  }
0x3e: {  	_ =	shalt  }
0x3f: {  	_ =	shalt  }
0x40: {  	_ =	shalt  }
0x41: {  	_ =	shalt  }
0x42: {  	_ =	shalt  }
0x43: {  	_ =	shalt  }
0x44: {  	_ =	shalt  }
0x45: {  	_ =	shalt  }
0x46: {  	_ =	shalt  }
0x47: {  	_ =	shalt  }
0x48: {  	_ =	shalt  }
0x49: {  	_ =	shalt  }
0x4a: {  	_ =	shalt  }
0x4b: {  	_ =	shalt  }
0x4c: {  	_ =	shalt  }
0x4d: {  	_ =	shalt  }
0x4e: {  	_ =	shalt  }
0x4f: {  	_ =	shalt  }
0x50: {  	_ =	shalt  }
0x51: {  	_ =	shalt  }
0x52: {  	_ =	shalt  }
0x53: {  	_ =	shalt  }
0x54: {  	_ =	shalt  }
0x55: {  	_ =	shalt  }
0x56: {  	_ =	shalt  }
0x57: {  	_ =	shalt  }
0x58: {  	_ =	shalt  }
0x59: {  	_ =	shalt  }
0x5a: {  	_ =	shalt  }
0x5b: {  	_ =	shalt  }
0x5c: {  	_ =	shalt  }
0x5d: {  	_ =	shalt  }
0x5e: {  	_ =	shalt  }
0x5f: {  	_ =	shalt  }
0x60: {  	_ =	shalt  }
0x61: {  	_ =	shalt  }
0x62: {  	_ =	shalt  }
0x63: {  	_ =	shalt  }
0x64: {  	_ =	shalt  }
0x65: {  	_ =	shalt  }
0x66: {  	_ =	shalt  }
0x67: {  	_ =	shalt  }
0x68: {  	_ =	shalt  }
0x69: {  	_ =	shalt  }
0x6a: {  	_ =	shalt  }
0x6b: {  	_ =	shalt  }
0x6c: {  	_ =	shalt  }
0x6d: {  	_ =	shalt  }
0x6e: {  	_ =	shalt  }
0x6f: {  	_ =	shalt  }
0x70: {  	_ =	shalt  }
0x71: {  	_ =	shalt  }
0x72: {  	_ =	shalt  }
0x73: {  	_ =	shalt  }
0x74: {  	_ =	shalt  }
0x75: {  	_ =	shalt  }
0x76: {  	_ =	shalt  }
0x77: {  	_ =	shalt  }
0x78: {  	_ =	shalt  }
0x79: {  	_ =	shalt  }
0x7a: {  	_ =	shalt  }
0x7b: {  	_ =	shalt  }
0x7c: {  	_ =	shalt  }
0x7d: {  	_ =	shalt  }
0x7e: {  	_ =	shalt  }
0x7f: {  	_ =	shalt  }
0x80: {  	_ =	shalt  }
0x81: {  	_ =	shalt  }
0x82: {  	_ =	shalt  }
0x83: {  	_ =	shalt  }
0x84: {  	_ =	shalt  }
0x85: {  	_ =	shalt  }
0x86: {  	_ =	shalt  }
0x87: {  	_ =	shalt  }
.Lfunc_end0:
.L_simem_size_0:
called_computation.1_lowered:
.L_overlay_start_0:
0x88: {  	s2 =	sld [smem:$0x3FD9]  }
0x89: {  	s3 =	sld [smem:$0x3FFE];
	_ =	sdelay $0x1  }
0x8a: {  	s1 =	srdreg.scid  }
0x8b: {  	s0 =	sand.u32 $0x1, s1  }
0x8c: {  	s17 =	sshll.u32 s0, $0xA;
	s2 =	sadd.s32 s3, s2  }
0x8d: {  	s2 =	sadd.s32 s2, s17  }
0x8e: {  	[smem:$0x3FBC] =	sst s2  }
0x8f: {  	_ = 	snop  }
0x90: {  	s18 =	sld [smem:$0x3FD0];
	(tm) =	ssettm $0x1  }
0x91: {  	s19 =	sld [smem:$0x3FFB];
	_ =	sdelay $0x3  }
0x92: {  	_ =	strace s19  }
0x93: {  	s2 =	sld [smem:$0x3FFC];
	_ =	sdelay $0x3  }
0x94: {  	_ =	strace s2  }
0x95: {  	s2 =	sld [smem:$0x3FFD];
	_ =	sdelay $0x3  }
0x96: {  	_ =	strace s2  }
0x97: {  	_ =	strace $0x8FFFFFFF  }
0x98: {  	s20 =	sld [smem:$0x3FDB];
	_ =	sdelay $0x1  }
0x99: {  	s4 =	simm.s32 $_scs_section_size  }
0x9a: {  	s5 =	simm.s32 $_size__tile_overlayer_lowered;
	s6 =	simm.s32 $_tile_overlayer_lowered  }
0x9b: {  	s7 =	simm.s32 $0x1BFF;
	s21 =	sshll.u32 s6, $0x1;
	s4 =	sadd.s32 s4, s20  }
0x9c: {  	s22 =	simm.s32 $0x0;
	s5 =	sshll.u32 s5, $0x1;
	s6 =	sadd.s32 s21, s4  }
0x9d: {  	[timem:s22], [sflag:s7] =	dma.local [hbm:s6], s5  }
0x9e: {  	_ =	swait.ge [sflag:s7], s5  }
0x9f: {  	s5 =	ssub.s32 $0x0, s5;
	[sflag:s7] =	ssyncset.done $0x0  }
0xa0: {  	[sflag:s7] =	ssyncadd.s32 s5;
	_ =	sdelay $0x1  }
0xa1: {  	s23 =	simm.s32 $0x1B8B  }
0xa2: {  	_ =	swait.ge [sflag:s23], $0x1  }
0xa3: {  	[sflag:s23] =	ssyncset.done $0x0  }
0xa4: {  	[sflag:s23] =	ssyncadd.s32 $0xFFFFFFFF  }
0xa5: {  	s5 =	sld [smem:$0x0]  }
0xa6: {  	s6 =	sand.u32 $0xFFFFFFFE, s1  }
0xa7: {  	p0 =	sne.s32 s1, s6  }
0xa8: {  	s6 =	sshll.u32 @p0 s6, $0xE  }
0xa9: {  	s6 =	sadd.s32 @p0 $0x11B8D, s6;
	s7 =	sshll.u32 @p0 s5, $0x11  }
0xaa: {  	s6 =	sor.u32 @p0 s7, s6  }
0xab: {  	[sflag:s6] =	ssyncadd.remote.s32 @p0 $0x1;
	_ =	sdelay $0x1  }
0xac: {  	s6 =	simm.s32 @p0 $0x1B8D  }
0xad: {  	_ =	swait.eq @p0 [sflag:s6], $0x1  }
0xae: {  	[sflag:s6] =	ssyncadd.s32 @p0 $0xFFFFFFFF  }
0xaf: {  	s7 =	sshll.u32 @!p0 s1, $0xE  }
0xb0: {  	s7 =	sor.u32 @!p0 $0x4000, s7;
	s6 =	simm.s32 @!p0 $0x1B8D  }
0xb1: {  	s5 =	sshll.u32 @!p0 s5, $0x11;
	s7 =	sadd.s32 @!p0 $0x11B8D, s7;
	_ =	swait.eq @!p0 [sflag:s6], $0x1  }
0xb2: {  	s5 =	sor.u32 @!p0 s5, s7;
	[sflag:s6] =	ssyncadd.s32 @!p0 $0xFFFFFFFF  }
0xb3: {  	s25 =	simm.s32 $0x1B8E;
	s24 =	sld [smem:$0x3FFE];
	[sflag:s5] =	ssyncadd.remote.s32 @!p0 $0x1  }
0xb4: {  	s26 =	simm.s32 $execute0_lowered;
	[smem:$0x3FD2] =	sst s25  }
0xb5: {  	s6 =	sshll.u32 s26, $0x1;
	_ =	strace $0x80000049;
	[dreg:$0x1] =	wrdreg $0xFFFFFFFF  }
0xb6: {  	s28 =	simm.s32 $_size_execute0_lowered;
	s4 =	sadd.s32 s4, s6;
	[dreg:$0x0] =	wrdreg $0x0  }
0xb7: {  	s6 =	sshll.u32 s28, $0x1;
	[dreg:$0x2] =	wrdreg s4  }
0xb8: {  	[dreg:$0x3] =	wrdreg s6  }
0xb9: {  	[dreg:$0x4] =	wrdreg $0xC0  }
0xba: {  	_ =	task [dreg:s22], $0x5FFFF  }
0xbb: {  	[dreg:$0x1] =	wrdreg $0xFFFFFFFF  }
0xbc: {  	[dreg:$0x0] =	wrdreg $0x60  }
0xbd: {  	[dreg:$0x2] =	wrdreg s24  }
0xbe: {  	[dreg:$0x3] =	wrdreg s18  }
0xbf: {  	[dreg:$0x4] =	wrdreg $0xA  }
0xc0: {  	_ =	task.clear_ibuf [dreg:s22], $0x5FFFF;
	_ =	strace $0x90000049  }
0xc1: {  	s29 =	simm.s32 $0xA;
	_ =	strace $0x8000004B  }
0xc2: {  	_ =	swait.ge [sflag:s29], $0x1  }
0xc3: {  	[sflag:s29] =	ssyncadd.s32 $0xFFFFFFFF  }
0xc4: {  	_ =	strace $0x9000004B  }
0xc5: {  	_ =	sfence  }
0xc6: {  	s30 =	sld [smem:$0x0];
	_ =	sdelay $0x2  }
0xc7: {  	s31 =	sshll.u32 s1, $0xD;
	s1 =	sshrl.u32 s1, $0x2  }
0xc8: {  	s4 =	sand.u32 $0x4000, s31;
	s1 =	sadd.s32 s1, s30  }
0xc9: {  	s0 =	sor.u32 s4, s0;
	s1 =	sshll.u32 s1, $0x11  }
0xca: {  	s0 =	sor.u32 s1, s0  }
0xcb: {  	s0 =	sadd.s32 $0x8F2B, s0  }
0xcc: {  	[sflag:s0] =	ssyncadd.remote.s32 $0x1  }
0xcd: {  	_ =	sfence.sel $0xFFFF  }
0xce: {  	[dreg:$0x0] =	wrdreg $0xFFFFFFFF;
	(pc) =	sbr.abs _section_cstart, $3  }
0xcf: {  	[dreg:$0x1] =	wrdreg $0xFFFFFFFF  }
0xd0: {  	_ =	task.clear_ibuf [dreg:s22], $0x2FFFF;
	_ =	strace $0x9FFFFFFF  }
0xd1: {  	(tm) =	ssettm $0x7FFFFFFF  }
tec
execute0_lowered:
.L_overlay_start_1:
0x0: {  	(tag) =	ssettag $0x1  }
0x1: {  	s0 =	stileid.u32;
	s7 =	rddreg [dreg:$0x0]  }
0x2: {  	s1 =	srdreg.scid;
	s2 =	rddreg [dreg:$0x1];
	s3 =	simm.s32 $0x0  }
0x3: {  	s5 =	sand.u32 $0x1, s1;
	s22 =	sshll.u32 s0, $0x1;
	s9 =	smul.u32 $0x75300, s0  }
0x4: {  	s13 =	simm.s32 $0x100;
	s28 =	smul.u32 $0x7530, s0;
	s1 =	sor.u32 s5, s22  }
0x5: {  	s14 =	simm.s32 $0x6600;
	s15 =	simm.s32 $0x1;
	s6 =	smul.u32 $0x3A98, s1  }
0x6: {  	s16 =	simm.s32 $0x3;
	s17 =	simm.s32 $0x0;
	s26 =	smul.u32 $0x3A980, s5  }
0x7: {  	[smem:$0x7FF] =	sst s3;
	s10 =	ssub.s32 $0x2, s5;
	s4 =	smulhi.u32 $0xD1B71759, s6  }
0x8: {  	s29 =	smul.u32 $0x3A98, s5;
	s1 =	rddreg [dreg:$0x2];
	s8 =	sadd.s32 $0xC8, s6  }
0x9: {  	_ =	strace $0x8000004A;
	s8 =	smulhi.u32 $0xD1B71759, s8;
	s4 =	sshrl.u32 s4, $0x10  }
0xa: {  	s24 =	sshrl.u32 s10, $0x1;
	s31 =	sadd.s32 s29, s28;
	s11 =	smul.u32 $0x13880, s4  }
0xb: {  	s23 =	sshrl.u32 s8, $0x10;
	s4 =	sadd.s32 $0x4E4000, s7;
	s7 =	sadd.s32 s9, s7  }
0xc: {  	s8 =	ssub.s32 s10, s24;
	s10 =	simm.s32 $0x5;
	s12 =	smul.u32 $0x13880, s23  }
.Ltmp0:
0xd: {  	s30 =	sadd.s32 s26, s7;
	s7 =	smax.u32 s8, $0x1;
	(pc) =	sbr.rel .LBB2_1-.Ltmp0, $4  }
0xe: {  	s25 =	sadd.s32 s11, s6;
	s8 =	sadd.s32 $0xEA8000, s30;
	s6 =	sadd.s32 s12, s6  }
0xf: {  	s11 =	simm.s32 $0xC8;
	s9 =	sadd.s32 $0x13880, s25;
	s6 =	sadd.s32 $0x13948, s6  }
0x10: {  	s12 =	simm.s32 $0x200;
	s9 =	sshrl.u32 s9, $0x3;
	s6 =	sshrl.u32 s6, $0x3  }
0x11: {  	s5 =	sadd.s32 s2, s9;
	s9 =	sadd.s32 $0x258, s31;
	s6 =	sadd.s32 s2, s6  }
.LBB2_3:
0x12: {  	_ =	swait.ge [sflag:s16], $0x6400  }
0x13: {  	[sflag:s16] =	ssyncset.done $0x0  }
0x14: {  	[sflag:s16] =	ssyncadd.s32 $0xFFFF9C00  }
.LBB2_5:
0x15: {  	s17 =	sadd.s32 $0x1, s17  }
0x16: {  	p0 =	sne.s32 s17, s7  }
.Ltmp1:
0x17: {  	_ = 	snop;
	(pc) =	sbr.rel @!p0 .LBB2_6-.Ltmp1, $1  }
0x18: {  	_ =	sdelay $0x3  }
.LBB2_1:
0x19: {  	[tilespmem:s3], [sflag:$0x5] =	stream.linear.gather [hbm4b:s5+s3], $0xC8, $0x38;
	[tilespmem:$0xCA00] =	vst v63  }
0x1a: {  	_ =	swait.ge [sflag:s10], $0xC8  }
0x1b: {  	[sflag:s10] =	ssyncset.done $0x0  }
0x1c: {  	[sflag:s10] =	ssyncadd.s32 $0xFFFFFF38  }
0x1d: {  	[tilespmem:s12], [sflag:$0x1] =	stream.indirect.gather [hbm4b:s4+s11], $0x80, s3, s11, $0xb8;
	[tilespmem:$0xCA00] =	vst v63  }
0x1e: {  	_ = 	snop  }
0x1f: {  	[tilespmem:s13], [sflag:$0x5] =	stream.linear.gather [hbm4b:s6+s3], $0xC8, $0x38;
	[tilespmem:$0xCA00] =	vst v63  }
0x20: {  	_ =	swait.ge [sflag:s10], $0xC8  }
0x21: {  	s18 =	smov.u32 s9;
	s19 =	simm.s32 $0x1;
	[sflag:s10] =	ssyncset.done $0x0  }
0x22: {  	s20 =	simm.s32 $0x0;
	s21 =	simm.s32 $0x0;
	[sflag:s10] =	ssyncadd.s32 $0xFFFFFF38  }
0x23: {  	[tilespmem:s14], [sflag:$0x2] =	stream.indirect.gather [hbm4b:s4+s11], $0x80, s13, s11, $0xb8;
	[tilespmem:$0xCA00] =	vst v63  }
.LBB2_2:
0x24: {  	p0 =	sne.s32 s20, $0x39D00  }
.Ltmp2:
0x25: {  	_ = 	snop;
	(pc) =	sbr.rel @!p0 .LBB2_3-.Ltmp2, $4  }
0x26: {  	_ =	swait.ge [sflag:s15], $0x6400  }
0x27: {  	[sflag:s15] =	ssyncset.done $0x0  }
0x28: {  	s22 =	sadd.s32 s20, s8;
	[sflag:s15] =	ssyncadd.s32 $0xFFFF9C00  }
0x29: {  	[hbm4b:s22+s3] =	stream.linear.scatter [tilespmem:s12], [sflag:$0x3], $0x6400, $0x38;
	[tilespmem:$0xCA00] =	vst v63  }
0x2a: {  	s22 =	sadd.s32 $0xFFFFFF38, s18  }
0x2b: {  	s23 =	smulhi.u32 $0xD1B71759, s22;
	_ =	sdelay $0x1  }
0x2c: {  	s23 =	sshrl.u32 s23, $0x10  }
0x2d: {  	s23 =	smul.u32 $0x13880, s23;
	_ =	sdelay $0x1  }
0x2e: {  	s22 =	sadd.s32 s23, s22  }
0x2f: {  	s22 =	sadd.s32 $0x13880, s22  }
0x30: {  	s22 =	sshrl.u32 s22, $0x3  }
0x31: {  	s22 =	sadd.s32 s2, s22  }
0x32: {  	[tilespmem:s3], [sflag:$0x5] =	stream.linear.gather [hbm4b:s22+s3], $0xC8, $0x38;
	[tilespmem:$0xCA00] =	vst v63  }
0x33: {  	_ =	swait.ge [sflag:s10], $0xC8  }
0x34: {  	[sflag:s10] =	ssyncset.done $0x0  }
0x35: {  	[sflag:s10] =	ssyncadd.s32 $0xFFFFFF38  }
0x36: {  	_ =	swait.ge [sflag:s16], $0x6400  }
0x37: {  	p1 =	sgt.u32 s19, $0x4A;
	[sflag:s16] =	ssyncset.done $0x0  }
0x38: {  	p2 =	sgt.u32 @!p1 s21, $0x23;
	s22 =	simm.s32 @!p1 $0x2;
	[sflag:s16] =	ssyncadd.s32 $0xFFFF9C00  }
0x39: {  	[tilespmem:s12], [sflag:$0x1] =	stream.indirect.gather [hbm4b:s4+s11], $0x80, s3, s11, $0xb8;
	[tilespmem:$0xCA00] =	vst v63  }
0x3a: {  	s24 =	simm.s32 @!p1 $0x6600;
	p0 =	por p2, p1;
	_ =	swait.ge @!p1 [sflag:s22], $0x6400  }
0x3b: {  	s25 =	smulhi.u32 @!p0 $0xD1B71759, s18;
	s23 =	sadd.s32 @!p1 s20, s8;
	[sflag:s22] =	ssyncset.done @!p1 $0x0  }
0x3c: {  	[sflag:s22] =	ssyncadd.s32 @!p1 $0xFFFF9C00;
	s22 =	sadd.s32 @!p1 $0xC80, s23;
	s23 =	simm.s32 @!p1 $0x0  }
0x3d: {  	[hbm4b:s22+s23] =	stream.linear.scatter @!p1 [tilespmem:s24], [sflag:$0x4], $0x6400, $0x38;
	[tilespmem:$0xCA00] =	vst v63  }
0x3e: {  	s22 =	sshrl.u32 @!p0 s25, $0x10  }
0x3f: {  	s22 =	smul.u32 @!p0 $0x13880, s22  }
0x40: {  	p1 =	por !p2, p1  }
0x41: {  	s23 =	simm.s32 @!p1 $0x4;
	s22 =	sadd.s32 @!p0 s22, s18  }
0x42: {  	_ =	swait.ge @!p1 [sflag:s23], $0x6400;
	s22 =	sadd.s32 @!p0 $0x13880, s22  }
0x43: {  	s24 =	simm.s32 @!p0 $0x100;
	[sflag:s23] =	ssyncset.done @!p1 $0x0;
	s22 =	sshrl.u32 @!p0 s22, $0x3  }
0x44: {  	[sflag:s23] =	ssyncadd.s32 @!p1 $0xFFFF9C00;
	s23 =	simm.s32 @!p0 $0x0;
	s22 =	sadd.s32 @!p0 s2, s22  }
0x45: {  	[tilespmem:s24], [sflag:$0x5] =	stream.linear.gather @!p0 [hbm4b:s22+s23], $0xC8, $0x38;
	[tilespmem:$0xCA00] =	vst v63  }
0x46: {  	s22 =	simm.s32 @!p0 $0x5  }
0x47: {  	_ =	swait.ge @!p0 [sflag:s22], $0xC8  }
0x48: {  	[sflag:s22] =	ssyncset.done @!p0 $0x0  }
0x49: {  	[sflag:s22] =	ssyncadd.s32 @!p0 $0xFFFFFF38;
	s22 =	simm.s32 @!p0 $0x4  }
0x4a: {  	_ =	swait.ge @!p0 [sflag:s22], $0x6400  }
0x4b: {  	s20 =	sadd.s32 $0x1900, s20;
	[sflag:s22] =	ssyncset.done @!p0 $0x0  }
0x4c: {  	s23 =	simm.s32 @!p0 $0x6600;
	[sflag:s22] =	ssyncadd.s32 @!p0 $0xFFFF9C00;
	s22 =	simm.s32 @!p0 $0xC8  }
0x4d: {  	[tilespmem:s23], [sflag:$0x2] =	stream.indirect.gather @!p0 [hbm4b:s4+s22], $0x80, s24, s22, $0xb8;
	[tilespmem:$0xCA00] =	vst v63  }
0x4e: {  	p0 =	sne.s32 s20, $0x3B600  }
.Ltmp3:
0x4f: {  	_ = 	snop;
	(pc) =	sbr.rel @p0 .LBB2_2-.Ltmp3, $4  }
.Ltmp4:
0x50: {  	_ = 	snop;
	(pc) =	sbr.rel @!p0 .LBB2_5-.Ltmp4, $4  }
0x51: {  	_ = 	snop  }
0x52: {  	_ = 	snop  }
0x53: {  	s19 =	sadd.s32 $0x2, s19;
	s21 =	sadd.s32 $0x1, s21;
	s18 =	sadd.s32 $0x190, s18  }
0x54: {  	_ = 	snop  }
.LBB2_6:
0x55: {  	_ =	sfence.sel $0x180000  }
0x56: {  	[bflag:$0x0] =	sbarrier.arrive $0xFFFF  }
0x57: {  	p0 =	sne.s32 s0, $0x0;
	_ =	strace $0x9000004A  }
0x58: {  	s0 =	sadd.s32 @!p0 $0x100000, s1;
	[bflag:$0x2] =	sbarrier.arrive $0xFFFF  }
0x59: {  	[sflag:s0] =	ssyncadd.tile.s32 @!p0 $0x1;
	_ =	shalt  }
.Lfunc_end2:
_tile_overlayer_lowered:
.L_overlay_start_2:
0x5a: {  	(tag) =	ssettag $0x2  }
0x5b: {  	s0 =	rddreg [dreg:$0x0];
	s2 =	stileid.u32  }
0x5c: {  	s1 =	rddreg [dreg:$0x1];
	p0 =	sne.s32 s2, $0x0  }
0x5d: {  	s3 =	rddreg [dreg:$0x2];
	[bflag:$0x3] =	sbarrier.arrive $0xFFFF;
	s2 =	simm.s32 @!p0 $0x1C05  }
0x5e: {  	[timem:s3], [sflag:s2] =	dma.local @!p0 [hbm:s0], s1  }
0x5f: {  	s0 =	simm.s32 @!p0 $0x5  }
0x60: {  	_ =	swait.ge @!p0 [sflag:s0], s1  }
0x61: {  	s1 =	ssub.s32 @!p0 $0x0, s1;
	[sflag:s0] =	ssyncset.done @!p0 $0x0  }
0x62: {  	[sflag:s0] =	ssyncadd.s32 @!p0 s1  }
0x63: {  	[bflag:$0x3] =	sbarrier.arrive $0xFFFF  }
0x64: {  	_ =	shalt  }

// kernel: kernel.15.cloned.1.call-start
scs
__scs_entry_jumppad:
0x0: {  	(pc) =	sbr.rel $0x88, $3  }
0x1: {  	(tag) =	ssettag $0x0;
	lr =	simm.s32 $0x1  }
0x2: {  	[smem:$0x3F95] =	sst lr;
	_ =	strace $0xD0000000  }
0x3: {  	_ = 	snop  }
0x4: {  	_ = 	snop  }
0x5: {  	_ = 	snop  }
0x6: {  	_ = 	snop  }
0x7: {  	_ = 	snop  }
__scs_overlays_trampoline_lowered:
0x8: {  	[smem:$0x3FA4] =	sst s0  }
0x9: {  	[smem:$0x3FA5] =	sst s1  }
0xa: {  	[smem:$0x3FA6] =	sst s2  }
0xb: {  	[smem:$0x3FA7] =	sst s3  }
0xc: {  	[smem:$0x3FA8] =	sst s4  }
0xd: {  	[smem:$0x3FA9] =	sst s5  }
0xe: {  	[smem:$0x3FAA] =	sst s6  }
0xf: {  	[smem:$0x3FAB] =	sst s7  }
0x10: {  	[smem:$0x3FAC] =	sst s8  }
0x11: {  	[smem:$0x3FAD] =	sst s9;
	s0 =	simm.s32 @!p0 $0x0  }
0x12: {  	s1 =	sld [smem:$0x3F93];
	s0 =	simm.s32 @p0 $0x1  }
0x13: {  	[smem:$0x3FAE] =	sst s0;
	s0 =	simm.s32 @!p1 $0x0  }
0x14: {  	s2 =	sld [smem:$0x3F92];
	s0 =	simm.s32 @p1 $0x1  }
0x15: {  	[smem:$0x3FAF] =	sst s0;
	s0 =	simm.s32 @!p2 $0x0  }
0x16: {  	s3 =	sld [smem:$0x3FDB];
	s0 =	simm.s32 @p2 $0x1  }
0x17: {  	s4 =	simm.s32 $0x1BF5;
	[smem:$0x3FB1] =	sst s0  }
0x18: {  	s0 =	sld [smem:$0x3F94];
	_ =	swait.ge [sflag:s4], $0x0  }
0x19: {  	s7 =	sld [smem:$0x3F95]  }
0x1a: {  	s8 =	sadd.s32 $0xFFFFE003, lr  }
0x1b: {  	s9 =	sadd.s32 $0xFFFFFEF7, lr;
	s5 =	simm.s32 $0xFFFFFFFF;
	p2 =	slt.u32 s8, $0xFFFFF086  }
0x1c: {  	p1 =	slt.u32 s9, $0xF7A;
	s5 =	simm.s32 @!p2 $0x0  }
0x1d: {  	s5 =	simm.s32 @p1 $0x1;
	p0 =	seq.s32 s7, s2  }
0x1e: {  	s7 =	smul.u32 @!p0 $0xF7A, s2;
	p2 =	seq.s32 @!p0 s5, $0x0  }
0x1f: {  	s9 =	smul.u32 $0xF7A, s1;
	s8 =	simm.s32 @!p0 $0x1BF5;
	p2 =	por !p2, p0  }
0x20: {  	[sflag:s8] =	ssyncset.s32 @!p0 $0xFFFFF086;
	s6 =	sadd.s32 @!p0 s3, s7;
	s7 =	simm.s32 @!p0 $0x108  }
0x21: {  	s3 =	sadd.s32 s3, s9;
	s6 =	sadd.s32 @!p0 $0x88, s6;
	s7 =	simm.s32 @p2 $0x1082  }
0x22: {  	[simem:s7], [sflag:s8] =	dma.local @!p0 [hbm:s6], $0xF7A  }
0x23: {  	s9 =	sor.u32 $0xD0000000, s2;
	s6 =	simm.s32 $0x108;
	_ =	swait.ge @!p0 [sflag:s8], $0x0  }
0x24: {  	s3 =	sadd.s32 $0x88, s3;
	s6 =	simm.s32 @!p1 $0x1082;
	[sflag:s4] =	ssyncset.s32 $0xFFFFF086  }
0x25: {  	[simem:s6], [sflag:s4] =	dma.local [hbm:s3], $0xF7A  }
0x26: {  	[smem:$0x3F95] =	sst s1;
	(tag) =	ssettag s2;
	_ =	strace s9  }
0x27: {  	s1 =	sld [smem:$0x3FA5]  }
0x28: {  	s2 =	sld [smem:$0x3FA6]  }
0x29: {  	s4 =	sld [smem:$0x3FA8]  }
0x2a: {  	p0 =	seq.s32 s5, $0x0;
	s5 =	sld [smem:$0x3FA9]  }
0x2b: {  	s6 =	sld [smem:$0x3FAA]  }
0x2c: {  	s7 =	sld [smem:$0x3FAB]  }
0x2d: {  	s3 =	simm.s32 $0x108;
	s8 =	sld [smem:$0x3FAC]  }
0x2e: {  	s3 =	simm.s32 @!p0 $0x1082;
	s9 =	sld [smem:$0x3FAD]  }
0x2f: {  	lr =	sadd.s32 s0, s3;
	s0 =	sld [smem:$0x3FA4]  }
0x30: {  	s3 =	sld [smem:$0x3FA7]  }
0x31: {  	[smem:$0x3FB0] =	sst s10  }
0x32: {  	s10 =	sld [smem:$0x3FAE];
	_ =	sdelay $0x3  }
0x33: {  	p0 =	seq.s32 s10, $0x1;
	s10 =	sld [smem:$0x3FB0];
	_ =	sdelay $0x3  }
0x34: {  	[smem:$0x3FB0] =	sst s10  }
0x35: {  	s10 =	sld [smem:$0x3FAF];
	_ =	sdelay $0x3  }
0x36: {  	p1 =	seq.s32 s10, $0x1;
	s10 =	sld [smem:$0x3FB0];
	_ =	sdelay $0x3  }
0x37: {  	[smem:$0x3FB0] =	sst s10  }
0x38: {  	s10 =	sld [smem:$0x3FB1]  }
0x39: {  	_ = 	snop;
	(pc) =	sbr.ind lr, $3  }
0x3a: {  	_ = 	snop  }
0x3b: {  	_ = 	snop  }
0x3c: {  	p2 =	seq.s32 s10, $0x1;
	s10 =	sld [smem:$0x3FB0]  }
0x3d: {  	_ =	shalt  }
0x3e: {  	_ =	shalt  }
0x3f: {  	_ =	shalt  }
0x40: {  	_ =	shalt  }
0x41: {  	_ =	shalt  }
0x42: {  	_ =	shalt  }
0x43: {  	_ =	shalt  }
0x44: {  	_ =	shalt  }
0x45: {  	_ =	shalt  }
0x46: {  	_ =	shalt  }
0x47: {  	_ =	shalt  }
0x48: {  	_ =	shalt  }
0x49: {  	_ =	shalt  }
0x4a: {  	_ =	shalt  }
0x4b: {  	_ =	shalt  }
0x4c: {  	_ =	shalt  }
0x4d: {  	_ =	shalt  }
0x4e: {  	_ =	shalt  }
0x4f: {  	_ =	shalt  }
0x50: {  	_ =	shalt  }
0x51: {  	_ =	shalt  }
0x52: {  	_ =	shalt  }
0x53: {  	_ =	shalt  }
0x54: {  	_ =	shalt  }
0x55: {  	_ =	shalt  }
0x56: {  	_ =	shalt  }
0x57: {  	_ =	shalt  }
0x58: {  	_ =	shalt  }
0x59: {  	_ =	shalt  }
0x5a: {  	_ =	shalt  }
0x5b: {  	_ =	shalt  }
0x5c: {  	_ =	shalt  }
0x5d: {  	_ =	shalt  }
0x5e: {  	_ =	shalt  }
0x5f: {  	_ =	shalt  }
0x60: {  	_ =	shalt  }
0x61: {  	_ =	shalt  }
0x62: {  	_ =	shalt  }
0x63: {  	_ =	shalt  }
0x64: {  	_ =	shalt  }
0x65: {  	_ =	shalt  }
0x66: {  	_ =	shalt  }
0x67: {  	_ =	shalt  }
0x68: {  	_ =	shalt  }
0x69: {  	_ =	shalt  }
0x6a: {  	_ =	shalt  }
0x6b: {  	_ =	shalt  }
0x6c: {  	_ =	shalt  }
0x6d: {  	_ =	shalt  }
0x6e: {  	_ =	shalt  }
0x6f: {  	_ =	shalt  }
0x70: {  	_ =	shalt  }
0x71: {  	_ =	shalt  }
0x72: {  	_ =	shalt  }
0x73: {  	_ =	shalt  }
0x74: {  	_ =	shalt  }
0x75: {  	_ =	shalt  }
0x76: {  	_ =	shalt  }
0x77: {  	_ =	shalt  }
0x78: {  	_ =	shalt  }
0x79: {  	_ =	shalt  }
0x7a: {  	_ =	shalt  }
0x7b: {  	_ =	shalt  }
0x7c: {  	_ =	shalt  }
0x7d: {  	_ =	shalt  }
0x7e: {  	_ =	shalt  }
0x7f: {  	_ =	shalt  }
0x80: {  	_ =	shalt  }
0x81: {  	_ =	shalt  }
0x82: {  	_ =	shalt  }
0x83: {  	_ =	shalt  }
0x84: {  	_ =	shalt  }
0x85: {  	_ =	shalt  }
0x86: {  	_ =	shalt  }
0x87: {  	_ =	shalt  }
.Lfunc_end0:
.L_simem_size_0:
called_computation.2_lowered:
.L_overlay_start_0:
0x88: {  	s2 =	sld [smem:$0x3FD9]  }
0x89: {  	s3 =	sld [smem:$0x3FFE];
	_ =	sdelay $0x1  }
0x8a: {  	s1 =	srdreg.scid  }
0x8b: {  	s0 =	sand.u32 $0x1, s1  }
0x8c: {  	s16 =	sshll.u32 s0, $0xA;
	s2 =	sadd.s32 s3, s2  }
0x8d: {  	s2 =	sadd.s32 s2, s16  }
0x8e: {  	[smem:$0x3FBC] =	sst s2  }
0x8f: {  	_ = 	snop  }
0x90: {  	(tm) =	ssettm $0x1  }
0x91: {  	s17 =	sld [smem:$0x3FFB];
	_ =	sdelay $0x3  }
0x92: {  	_ =	strace s17  }
0x93: {  	s2 =	sld [smem:$0x3FFC];
	_ =	sdelay $0x3  }
0x94: {  	_ =	strace s2  }
0x95: {  	s2 =	sld [smem:$0x3FFD];
	_ =	sdelay $0x3  }
0x96: {  	_ =	strace s2  }
0x97: {  	_ =	strace $0x8FFFFFFF  }
0x98: {  	s18 =	sld [smem:$0x3FDB];
	_ =	sdelay $0x1  }
0x99: {  	s19 =	simm.s32 $_scs_section_size  }
0x9a: {  	s4 =	simm.s32 $_size__tile_overlayer_lowered;
	s5 =	simm.s32 $_tile_overlayer_lowered  }
0x9b: {  	s22 =	simm.s32 $0x1BFF;
	s21 =	sshll.u32 s5, $0x1;
	s2 =	sadd.s32 s19, s18  }
0x9c: {  	s6 =	simm.s32 $0x0;
	s20 =	sshll.u32 s4, $0x1;
	s4 =	sadd.s32 s21, s2  }
0x9d: {  	[timem:s6], [sflag:s22] =	dma.local [hbm:s4], s20  }
0x9e: {  	_ =	swait.ge [sflag:s22], s20  }
0x9f: {  	s3 =	ssub.s32 $0x0, s20;
	[sflag:s22] =	ssyncset.done $0x0  }
0xa0: {  	[sflag:s22] =	ssyncadd.s32 s3;
	_ =	sdelay $0x1  }
0xa1: {  	s23 =	simm.s32 $0x1B8B  }
0xa2: {  	_ =	swait.ge [sflag:s23], $0x1  }
0xa3: {  	[sflag:s23] =	ssyncset.done $0x0  }
0xa4: {  	s25 =	simm.s32 $0x1B8E;
	s24 =	sld [smem:$0x3FFE];
	[sflag:s23] =	ssyncadd.s32 $0xFFFFFFFF  }
0xa5: {  	s26 =	simm.s32 $execute0_lowered;
	[smem:$0x3FD2] =	sst s25  }
0xa6: {  	s4 =	sshll.u32 s26, $0x1;
	_ =	strace $0x8000004C;
	[dreg:$0x1] =	wrdreg $0xFFFFFFFF  }
0xa7: {  	s28 =	simm.s32 $_size_execute0_lowered;
	s2 =	sadd.s32 s2, s4;
	[dreg:$0x0] =	wrdreg $0x0  }
0xa8: {  	s4 =	sshll.u32 s28, $0x1;
	[dreg:$0x2] =	wrdreg s2  }
0xa9: {  	[dreg:$0x3] =	wrdreg s4  }
0xaa: {  	[dreg:$0x4] =	wrdreg $0xC0  }
0xab: {  	_ =	task [dreg:s6], $0x5FFFF  }
0xac: {  	[dreg:$0x1] =	wrdreg $0xFFFFFFFF  }
0xad: {  	[dreg:$0x0] =	wrdreg $0x60  }
0xae: {  	[dreg:$0x2] =	wrdreg s24  }
0xaf: {  	[dreg:$0x3] =	wrdreg $0x9  }
0xb0: {  	_ =	task.clear_ibuf [dreg:s6], $0x4FFFF;
	_ =	strace $0x9000004C  }
0xb1: {  	s29 =	simm.s32 $0x9;
	_ =	strace $0x8000004E  }
0xb2: {  	_ =	swait.ge [sflag:s29], $0x1  }
0xb3: {  	[sflag:s29] =	ssyncadd.s32 $0xFFFFFFFF  }
0xb4: {  	_ =	strace $0x9000004E  }
0xb5: {  	_ =	sfence  }
0xb6: {  	s30 =	sld [smem:$0x0];
	_ =	sdelay $0x2  }
0xb7: {  	s31 =	sshll.u32 s1, $0xD;
	s1 =	sshrl.u32 s1, $0x2  }
0xb8: {  	s3 =	sand.u32 $0x4000, s31;
	s1 =	sadd.s32 s1, s30  }
0xb9: {  	s0 =	sor.u32 s3, s0;
	s1 =	sshll.u32 s1, $0x11  }
0xba: {  	s0 =	sor.u32 s1, s0  }
0xbb: {  	s0 =	sadd.s32 $0x8F2B, s0  }
0xbc: {  	[sflag:s0] =	ssyncadd.remote.s32 $0x1  }
0xbd: {  	_ =	sfence.sel $0xFFFF  }
0xbe: {  	[dreg:$0x0] =	wrdreg $0xFFFFFFFF;
	(pc) =	sbr.abs _section_cstart, $3  }
0xbf: {  	[dreg:$0x1] =	wrdreg $0xFFFFFFFF  }
0xc0: {  	_ =	task.clear_ibuf [dreg:s6], $0x2FFFF;
	_ =	strace $0x9FFFFFFF  }
0xc1: {  	(tm) =	ssettm $0x7FFFFFFF  }
tec
execute0_lowered:
.L_overlay_start_1:
0x0: {  	(tag) =	ssettag $0x1  }
0x1: {  	s5 =	rddreg [dreg:$0x0]  }
0x2: {  	s0 =	rddreg [dreg:$0x1]  }
0x3: {  	s3 =	srdreg.scid;
	s1 =	stileid.u32;
	s2 =	simm.s32 $0x0  }
0x4: {  	s16 =	simm.s32 $0x100;
	s17 =	simm.s32 $0x6200;
	s18 =	simm.s32 $0x1  }
0x5: {  	s19 =	simm.s32 $0x3;
	s20 =	simm.s32 $0x2;
	s21 =	simm.s32 $0x4  }
0x6: {  	s22 =	simm.s32 $0x0;
	s8 =	sand.u32 $0x1, s3;
	s11 =	smul.u32 $0xF00, s1  }
0x7: {  	s24 =	sshll.u32 s1, $0x1;
	[smem:$0x7FF] =	sst s2;
	s28 =	smul.u32 $0xF000, s1  }
0x8: {  	s3 =	sadd.s32 $0x15FB000, s5;
	s4 =	sadd.s32 $0x273000, s5;
	s12 =	smul.u32 $0x780, s8  }
0x9: {  	s9 =	sadd.s32 $0x2000, s5;
	s7 =	sor.u32 s8, s24;
	s14 =	smul.u32 $0x7800, s8  }
0xa: {  	_ =	strace $0x8000004D;
	s10 =	ssub.s32 $0x2, s8;
	s6 =	smul.u32 $0x780, s7  }
0xb: {  	s26 =	sshrl.u32 s10, $0x1;
	s13 =	smul.u32 $0x7800, s7;
	s15 =	sadd.s32 s28, s9  }
0xc: {  	s10 =	ssub.s32 s10, s26;
	s12 =	sadd.s32 s12, s11;
	s31 =	sadd.s32 s14, s15  }
0xd: {  	s14 =	simm.s32 $0xC0;
	s15 =	simm.s32 $0x200;
	s25 =	sshrl.u32 s6, $0x3  }
0xe: {  	s7 =	smax.u32 s10, $0x1;
	s29 =	sadd.s32 s9, s13;
	s30 =	sadd.s32 $0x240, s12  }
0xf: {  	s11 =	sadd.s32 $0xC00, s31;
	s12 =	sadd.s32 $0x180, s12;
	s5 =	sadd.s32 s4, s25  }
0x10: {  	s8 =	sadd.s32 $0x6000, s29;
	s13 =	sshrl.u32 s30, $0x3;
	s9 =	sadd.s32 $0x6C00, s29  }
0x11: {  	s6 =	sadd.s32 $0x18, s5;
	s10 =	sadd.s32 s13, s4;
	s13 =	simm.s32 $0x5  }
.LBB2_1:
0x12: {  	[tilespmem:s2], [sflag:$0x5] =	stream.linear.gather [hbm4b:s5+s2], $0xC0, $0x38;
	[tilespmem:$0xC200] =	vst v63  }
0x13: {  	_ =	swait.ge [sflag:s13], $0xC0  }
0x14: {  	[sflag:s13] =	ssyncset.done $0x0  }
0x15: {  	[sflag:s13] =	ssyncadd.s32 $0xFFFFFF40  }
0x16: {  	[tilespmem:s15], [sflag:$0x1] =	stream.indirect.gather [hbm4b:s3+s14], $0x80, s2, s14, $0xb8;
	[tilespmem:$0xC200] =	vst v63  }
0x17: {  	_ = 	snop  }
0x18: {  	[tilespmem:s16], [sflag:$0x5] =	stream.linear.gather [hbm4b:s6+s2], $0xC0, $0x38;
	[tilespmem:$0xC200] =	vst v63  }
0x19: {  	_ =	swait.ge [sflag:s13], $0xC0  }
0x1a: {  	[sflag:s13] =	ssyncset.done $0x0  }
0x1b: {  	[sflag:s13] =	ssyncadd.s32 $0xFFFFFF40  }
0x1c: {  	[tilespmem:s17], [sflag:$0x2] =	stream.indirect.gather [hbm4b:s3+s14], $0x80, s16, s14, $0xb8;
	[tilespmem:$0xC200] =	vst v63  }
0x1d: {  	_ =	swait.ge [sflag:s18], $0x6000  }
0x1e: {  	[sflag:s18] =	ssyncset.done $0x0  }
0x1f: {  	s23 =	sadd.s32 $0xFFFFF400, s11;
	s24 =	sshrl.u32 s12, $0x3;
	[sflag:s18] =	ssyncadd.s32 $0xFFFFA000  }
0x20: {  	[hbm4b:s23+s2] =	stream.linear.scatter [tilespmem:s15], [sflag:$0x3], $0x6000, $0x38;
	[tilespmem:$0xC200] =	vst v63  }
0x21: {  	s30 =	sadd.s32 s4, s24  }
0x22: {  	[tilespmem:s2], [sflag:$0x5] =	stream.linear.gather [hbm4b:s30+s2], $0xC0, $0x38;
	[tilespmem:$0xC200] =	vst v63  }
0x23: {  	_ =	swait.ge [sflag:s13], $0xC0  }
0x24: {  	[sflag:s13] =	ssyncset.done $0x0  }
0x25: {  	[sflag:s13] =	ssyncadd.s32 $0xFFFFFF40  }
0x26: {  	_ =	swait.ge [sflag:s19], $0x6000  }
0x27: {  	[sflag:s19] =	ssyncset.done $0x0  }
0x28: {  	[sflag:s19] =	ssyncadd.s32 $0xFFFFA000  }
0x29: {  	[tilespmem:s15], [sflag:$0x1] =	stream.indirect.gather [hbm4b:s3+s14], $0x80, s2, s14, $0xb8;
	[tilespmem:$0xC200] =	vst v63  }
0x2a: {  	_ =	swait.ge [sflag:s20], $0x6000  }
0x2b: {  	[sflag:s20] =	ssyncset.done $0x0  }
0x2c: {  	[sflag:s20] =	ssyncadd.s32 $0xFFFFA000  }
0x2d: {  	[hbm4b:s11+s2] =	stream.linear.scatter [tilespmem:s17], [sflag:$0x4], $0x6000, $0x38;
	[tilespmem:$0xC200] =	vst v63  }
0x2e: {  	s31 =	sadd.s32 $0x0, s10  }
0x2f: {  	[tilespmem:s16], [sflag:$0x5] =	stream.linear.gather [hbm4b:s31+s2], $0xC0, $0x38;
	[tilespmem:$0xC200] =	vst v63  }
0x30: {  	_ =	swait.ge [sflag:s13], $0xC0  }
0x31: {  	[sflag:s13] =	ssyncset.done $0x0  }
0x32: {  	[sflag:s13] =	ssyncadd.s32 $0xFFFFFF40  }
0x33: {  	_ =	swait.ge [sflag:s21], $0x6000  }
0x34: {  	s25 =	sadd.s32 $0x180, s12;
	[sflag:s21] =	ssyncset.done $0x0  }
0x35: {  	s24 =	sadd.s32 $0x1800, s11;
	s23 =	simm.s32 $0x30;
	[sflag:s21] =	ssyncadd.s32 $0xFFFFA000  }
.LBB2_2:
0x36: {  	[tilespmem:s17], [sflag:$0x2] =	stream.indirect.gather [hbm4b:s3+s14], $0x80, s16, s14, $0xb8;
	[tilespmem:$0xC200] =	vst v63  }
0x37: {  	s26 =	smov.u32 s23  }
0x38: {  	p0 =	sne.s32 s23, $0x90;
	s23 =	sadd.s32 $0x30, s23;
	_ =	swait.ge [sflag:s18], $0x6000  }
0x39: {  	[sflag:s18] =	ssyncset.done $0x0  }
0x3a: {  	s28 =	sadd.s32 $0xFFFFF400, s24;
	s29 =	sshrl.u32 s25, $0x3;
	[sflag:s18] =	ssyncadd.s32 $0xFFFFA000  }
0x3b: {  	[hbm4b:s28+s2] =	stream.linear.scatter [tilespmem:s15], [sflag:$0x3], $0x6000, $0x38;
	[tilespmem:$0xC200] =	vst v63  }
0x3c: {  	s28 =	sadd.s32 s4, s29  }
0x3d: {  	[tilespmem:s2], [sflag:$0x5] =	stream.linear.gather [hbm4b:s28+s2], $0xC0, $0x38;
	[tilespmem:$0xC200] =	vst v63  }
0x3e: {  	_ =	swait.ge [sflag:s13], $0xC0  }
0x3f: {  	[sflag:s13] =	ssyncset.done $0x0  }
0x40: {  	[sflag:s13] =	ssyncadd.s32 $0xFFFFFF40  }
0x41: {  	_ =	swait.ge [sflag:s19], $0x6000  }
0x42: {  	[sflag:s19] =	ssyncset.done $0x0  }
0x43: {  	[sflag:s19] =	ssyncadd.s32 $0xFFFFA000  }
0x44: {  	[tilespmem:s15], [sflag:$0x1] =	stream.indirect.gather [hbm4b:s3+s14], $0x80, s2, s14, $0xb8;
	[tilespmem:$0xC200] =	vst v63  }
0x45: {  	_ =	swait.ge [sflag:s20], $0x6000  }
0x46: {  	[sflag:s20] =	ssyncset.done $0x0  }
0x47: {  	[sflag:s20] =	ssyncadd.s32 $0xFFFFA000  }
0x48: {  	[hbm4b:s24+s2] =	stream.linear.scatter [tilespmem:s17], [sflag:$0x4], $0x6000, $0x38;
	[tilespmem:$0xC200] =	vst v63  }
0x49: {  	s26 =	sadd.s32 s26, s10  }
0x4a: {  	[tilespmem:s16], [sflag:$0x5] =	stream.linear.gather [hbm4b:s26+s2], $0xC0, $0x38;
	[tilespmem:$0xC200] =	vst v63  }
0x4b: {  	_ =	swait.ge [sflag:s13], $0xC0  }
.Ltmp0:
0x4c: {  	[sflag:s13] =	ssyncset.done $0x0;
	(pc) =	sbr.rel @p0 .LBB2_2-.Ltmp0, $4  }
0x4d: {  	[sflag:s13] =	ssyncadd.s32 $0xFFFFFF40  }
0x4e: {  	_ =	swait.ge [sflag:s21], $0x6000  }
0x4f: {  	[sflag:s21] =	ssyncset.done $0x0  }
0x50: {  	s25 =	sadd.s32 $0x180, s25;
	s24 =	sadd.s32 $0x1800, s24;
	[sflag:s21] =	ssyncadd.s32 $0xFFFFA000  }
0x51: {  	[tilespmem:s17], [sflag:$0x2] =	stream.indirect.gather [hbm4b:s3+s14], $0x80, s16, s14, $0xb8;
	[tilespmem:$0xC200] =	vst v63  }
0x52: {  	_ =	swait.ge [sflag:s18], $0x6000  }
0x53: {  	[sflag:s18] =	ssyncset.done $0x0  }
0x54: {  	[sflag:s18] =	ssyncadd.s32 $0xFFFFA000  }
0x55: {  	[hbm4b:s8+s2] =	stream.linear.scatter [tilespmem:s15], [sflag:$0x3], $0x6000, $0x38;
	[tilespmem:$0xC200] =	vst v63  }
0x56: {  	_ =	swait.ge [sflag:s19], $0x6000  }
0x57: {  	[sflag:s19] =	ssyncset.done $0x0  }
0x58: {  	[sflag:s19] =	ssyncadd.s32 $0xFFFFA000  }
0x59: {  	s22 =	sadd.s32 $0x1, s22;
	_ =	swait.ge [sflag:s20], $0x6000  }
0x5a: {  	p0 =	sne.s32 s22, s7;
	[sflag:s20] =	ssyncset.done $0x0  }
.Ltmp1:
0x5b: {  	[sflag:s20] =	ssyncadd.s32 $0xFFFFA000;
	(pc) =	sbr.rel @p0 .LBB2_1-.Ltmp1, $4  }
0x5c: {  	[hbm4b:s9+s2] =	stream.linear.scatter [tilespmem:s17], [sflag:$0x4], $0x6000, $0x38;
	[tilespmem:$0xC200] =	vst v63  }
0x5d: {  	_ =	swait.ge [sflag:s21], $0x6000  }
0x5e: {  	[sflag:s21] =	ssyncset.done $0x0  }
0x5f: {  	[sflag:s21] =	ssyncadd.s32 $0xFFFFA000  }
0x60: {  	_ =	sfence.sel $0x180000  }
0x61: {  	[bflag:$0x0] =	sbarrier.arrive $0xFFFF  }
0x62: {  	p0 =	sne.s32 s1, $0x0;
	_ =	strace $0x9000004D  }
0x63: {  	s0 =	sadd.s32 @!p0 $0x100000, s0;
	[bflag:$0x2] =	sbarrier.arrive $0xFFFF  }
0x64: {  	[sflag:s0] =	ssyncadd.tile.s32 @!p0 $0x1;
	_ =	shalt  }
.Lfunc_end2:
_tile_overlayer_lowered:
.L_overlay_start_2:
0x65: {  	(tag) =	ssettag $0x2  }
0x66: {  	s0 =	rddreg [dreg:$0x0];
	s2 =	stileid.u32  }
0x67: {  	s1 =	rddreg [dreg:$0x1];
	p0 =	sne.s32 s2, $0x0  }
0x68: {  	s3 =	rddreg [dreg:$0x2];
	[bflag:$0x3] =	sbarrier.arrive $0xFFFF;
	s2 =	simm.s32 @!p0 $0x1C05  }
0x69: {  	[timem:s3], [sflag:s2] =	dma.local @!p0 [hbm:s0], s1  }
0x6a: {  	s0 =	simm.s32 @!p0 $0x5  }
0x6b: {  	_ =	swait.ge @!p0 [sflag:s0], s1  }
0x6c: {  	s1 =	ssub.s32 @!p0 $0x0, s1;
	[sflag:s0] =	ssyncset.done @!p0 $0x0  }
0x6d: {  	[sflag:s0] =	ssyncadd.s32 @!p0 s1  }
0x6e: {  	[bflag:$0x3] =	sbarrier.arrive $0xFFFF  }
0x6f: {  	_ =	shalt  }

// kernel: kernel.9.cloned.1.call-start
scs
__scs_entry_jumppad:
0x0: {  	(pc) =	sbr.rel $0x88, $3  }
0x1: {  	(tag) =	ssettag $0x0;
	lr =	simm.s32 $0x1  }
0x2: {  	[smem:$0x3F95] =	sst lr;
	_ =	strace $0xD0000000  }
0x3: {  	_ = 	snop  }
0x4: {  	_ = 	snop  }
0x5: {  	_ = 	snop  }
0x6: {  	_ = 	snop  }
0x7: {  	_ = 	snop  }
__scs_overlays_trampoline_lowered:
0x8: {  	[smem:$0x3FA4] =	sst s0  }
0x9: {  	[smem:$0x3FA5] =	sst s1  }
0xa: {  	[smem:$0x3FA6] =	sst s2  }
0xb: {  	[smem:$0x3FA7] =	sst s3  }
0xc: {  	[smem:$0x3FA8] =	sst s4  }
0xd: {  	[smem:$0x3FA9] =	sst s5  }
0xe: {  	[smem:$0x3FAA] =	sst s6  }
0xf: {  	[smem:$0x3FAB] =	sst s7  }
0x10: {  	[smem:$0x3FAC] =	sst s8  }
0x11: {  	[smem:$0x3FAD] =	sst s9;
	s0 =	simm.s32 @!p0 $0x0  }
0x12: {  	s1 =	sld [smem:$0x3F93];
	s0 =	simm.s32 @p0 $0x1  }
0x13: {  	[smem:$0x3FAE] =	sst s0;
	s0 =	simm.s32 @!p1 $0x0  }
0x14: {  	s2 =	sld [smem:$0x3F92];
	s0 =	simm.s32 @p1 $0x1  }
0x15: {  	[smem:$0x3FAF] =	sst s0;
	s0 =	simm.s32 @!p2 $0x0  }
0x16: {  	s3 =	sld [smem:$0x3FDB];
	s0 =	simm.s32 @p2 $0x1  }
0x17: {  	s4 =	simm.s32 $0x1BF5;
	[smem:$0x3FB1] =	sst s0  }
0x18: {  	s0 =	sld [smem:$0x3F94];
	_ =	swait.ge [sflag:s4], $0x0  }
0x19: {  	s7 =	sld [smem:$0x3F95]  }
0x1a: {  	s8 =	sadd.s32 $0xFFFFE003, lr  }
0x1b: {  	s9 =	sadd.s32 $0xFFFFFEF7, lr;
	s5 =	simm.s32 $0xFFFFFFFF;
	p2 =	slt.u32 s8, $0xFFFFF086  }
0x1c: {  	p1 =	slt.u32 s9, $0xF7A;
	s5 =	simm.s32 @!p2 $0x0  }
0x1d: {  	s5 =	simm.s32 @p1 $0x1;
	p0 =	seq.s32 s7, s2  }
0x1e: {  	s7 =	smul.u32 @!p0 $0xF7A, s2;
	p2 =	seq.s32 @!p0 s5, $0x0  }
0x1f: {  	s9 =	smul.u32 $0xF7A, s1;
	s8 =	simm.s32 @!p0 $0x1BF5;
	p2 =	por !p2, p0  }
0x20: {  	[sflag:s8] =	ssyncset.s32 @!p0 $0xFFFFF086;
	s6 =	sadd.s32 @!p0 s3, s7;
	s7 =	simm.s32 @!p0 $0x108  }
0x21: {  	s3 =	sadd.s32 s3, s9;
	s6 =	sadd.s32 @!p0 $0x88, s6;
	s7 =	simm.s32 @p2 $0x1082  }
0x22: {  	[simem:s7], [sflag:s8] =	dma.local @!p0 [hbm:s6], $0xF7A  }
0x23: {  	s9 =	sor.u32 $0xD0000000, s2;
	s6 =	simm.s32 $0x108;
	_ =	swait.ge @!p0 [sflag:s8], $0x0  }
0x24: {  	s3 =	sadd.s32 $0x88, s3;
	s6 =	simm.s32 @!p1 $0x1082;
	[sflag:s4] =	ssyncset.s32 $0xFFFFF086  }
0x25: {  	[simem:s6], [sflag:s4] =	dma.local [hbm:s3], $0xF7A  }
0x26: {  	[smem:$0x3F95] =	sst s1;
	(tag) =	ssettag s2;
	_ =	strace s9  }
0x27: {  	s1 =	sld [smem:$0x3FA5]  }
0x28: {  	s2 =	sld [smem:$0x3FA6]  }
0x29: {  	s4 =	sld [smem:$0x3FA8]  }
0x2a: {  	p0 =	seq.s32 s5, $0x0;
	s5 =	sld [smem:$0x3FA9]  }
0x2b: {  	s6 =	sld [smem:$0x3FAA]  }
0x2c: {  	s7 =	sld [smem:$0x3FAB]  }
0x2d: {  	s3 =	simm.s32 $0x108;
	s8 =	sld [smem:$0x3FAC]  }
0x2e: {  	s3 =	simm.s32 @!p0 $0x1082;
	s9 =	sld [smem:$0x3FAD]  }
0x2f: {  	lr =	sadd.s32 s0, s3;
	s0 =	sld [smem:$0x3FA4]  }
0x30: {  	s3 =	sld [smem:$0x3FA7]  }
0x31: {  	[smem:$0x3FB0] =	sst s10  }
0x32: {  	s10 =	sld [smem:$0x3FAE];
	_ =	sdelay $0x3  }
0x33: {  	p0 =	seq.s32 s10, $0x1;
	s10 =	sld [smem:$0x3FB0];
	_ =	sdelay $0x3  }
0x34: {  	[smem:$0x3FB0] =	sst s10  }
0x35: {  	s10 =	sld [smem:$0x3FAF];
	_ =	sdelay $0x3  }
0x36: {  	p1 =	seq.s32 s10, $0x1;
	s10 =	sld [smem:$0x3FB0];
	_ =	sdelay $0x3  }
0x37: {  	[smem:$0x3FB0] =	sst s10  }
0x38: {  	s10 =	sld [smem:$0x3FB1]  }
0x39: {  	_ = 	snop;
	(pc) =	sbr.ind lr, $3  }
0x3a: {  	_ = 	snop  }
0x3b: {  	_ = 	snop  }
0x3c: {  	p2 =	seq.s32 s10, $0x1;
	s10 =	sld [smem:$0x3FB0]  }
0x3d: {  	_ =	shalt  }
0x3e: {  	_ =	shalt  }
0x3f: {  	_ =	shalt  }
0x40: {  	_ =	shalt  }
0x41: {  	_ =	shalt  }
0x42: {  	_ =	shalt  }
0x43: {  	_ =	shalt  }
0x44: {  	_ =	shalt  }
0x45: {  	_ =	shalt  }
0x46: {  	_ =	shalt  }
0x47: {  	_ =	shalt  }
0x48: {  	_ =	shalt  }
0x49: {  	_ =	shalt  }
0x4a: {  	_ =	shalt  }
0x4b: {  	_ =	shalt  }
0x4c: {  	_ =	shalt  }
0x4d: {  	_ =	shalt  }
0x4e: {  	_ =	shalt  }
0x4f: {  	_ =	shalt  }
0x50: {  	_ =	shalt  }
0x51: {  	_ =	shalt  }
0x52: {  	_ =	shalt  }
0x53: {  	_ =	shalt  }
0x54: {  	_ =	shalt  }
0x55: {  	_ =	shalt  }
0x56: {  	_ =	shalt  }
0x57: {  	_ =	shalt  }
0x58: {  	_ =	shalt  }
0x59: {  	_ =	shalt  }
0x5a: {  	_ =	shalt  }
0x5b: {  	_ =	shalt  }
0x5c: {  	_ =	shalt  }
0x5d: {  	_ =	shalt  }
0x5e: {  	_ =	shalt  }
0x5f: {  	_ =	shalt  }
0x60: {  	_ =	shalt  }
0x61: {  	_ =	shalt  }
0x62: {  	_ =	shalt  }
0x63: {  	_ =	shalt  }
0x64: {  	_ =	shalt  }
0x65: {  	_ =	shalt  }
0x66: {  	_ =	shalt  }
0x67: {  	_ =	shalt  }
0x68: {  	_ =	shalt  }
0x69: {  	_ =	shalt  }
0x6a: {  	_ =	shalt  }
0x6b: {  	_ =	shalt  }
0x6c: {  	_ =	shalt  }
0x6d: {  	_ =	shalt  }
0x6e: {  	_ =	shalt  }
0x6f: {  	_ =	shalt  }
0x70: {  	_ =	shalt  }
0x71: {  	_ =	shalt  }
0x72: {  	_ =	shalt  }
0x73: {  	_ =	shalt  }
0x74: {  	_ =	shalt  }
0x75: {  	_ =	shalt  }
0x76: {  	_ =	shalt  }
0x77: {  	_ =	shalt  }
0x78: {  	_ =	shalt  }
0x79: {  	_ =	shalt  }
0x7a: {  	_ =	shalt  }
0x7b: {  	_ =	shalt  }
0x7c: {  	_ =	shalt  }
0x7d: {  	_ =	shalt  }
0x7e: {  	_ =	shalt  }
0x7f: {  	_ =	shalt  }
0x80: {  	_ =	shalt  }
0x81: {  	_ =	shalt  }
0x82: {  	_ =	shalt  }
0x83: {  	_ =	shalt  }
0x84: {  	_ =	shalt  }
0x85: {  	_ =	shalt  }
0x86: {  	_ =	shalt  }
0x87: {  	_ =	shalt  }
.Lfunc_end0:
.L_simem_size_0:
called_computation_lowered:
.L_overlay_start_0:
0x88: {  	s2 =	sld [smem:$0x3FD9]  }
0x89: {  	s3 =	sld [smem:$0x3FFE];
	_ =	sdelay $0x1  }
0x8a: {  	s1 =	srdreg.scid  }
0x8b: {  	s0 =	sand.u32 $0x1, s1  }
0x8c: {  	s17 =	sshll.u32 s0, $0xA;
	s2 =	sadd.s32 s3, s2  }
0x8d: {  	s2 =	sadd.s32 s2, s17  }
0x8e: {  	[smem:$0x3FBC] =	sst s2  }
0x8f: {  	_ = 	snop  }
0x90: {  	s2 =	sld [smem:$0x3FD0];
	(tm) =	ssettm $0x1  }
0x91: {  	s18 =	sld [smem:$0x3FFB];
	_ =	sdelay $0x3  }
0x92: {  	_ =	strace s18  }
0x93: {  	s3 =	sld [smem:$0x3FFC];
	_ =	sdelay $0x3  }
0x94: {  	_ =	strace s3  }
0x95: {  	s3 =	sld [smem:$0x3FFD];
	_ =	sdelay $0x3  }
0x96: {  	_ =	strace s3  }
0x97: {  	_ =	strace $0x8FFFFFFF  }
0x98: {  	s19 =	sld [smem:$0x3FDB];
	_ =	sdelay $0x1  }
0x99: {  	s4 =	simm.s32 $_scs_section_size  }
0x9a: {  	s5 =	simm.s32 $_size__tile_overlayer_lowered;
	s6 =	simm.s32 $_tile_overlayer_lowered  }
0x9b: {  	s22 =	simm.s32 $0x1BFF;
	s21 =	sshll.u32 s6, $0x1;
	s3 =	sadd.s32 s4, s19  }
0x9c: {  	s7 =	simm.s32 $0x0;
	s20 =	sshll.u32 s5, $0x1;
	s5 =	sadd.s32 s21, s3  }
0x9d: {  	[timem:s7], [sflag:s22] =	dma.local [hbm:s5], s20  }
0x9e: {  	_ =	swait.ge [sflag:s22], s20  }
0x9f: {  	s4 =	ssub.s32 $0x0, s20;
	[sflag:s22] =	ssyncset.done $0x0  }
0xa0: {  	[sflag:s22] =	ssyncadd.s32 s4;
	_ =	sdelay $0x1  }
0xa1: {  	s23 =	simm.s32 $0x1B8B  }
0xa2: {  	_ =	swait.ge [sflag:s23], $0x1  }
0xa3: {  	[sflag:s23] =	ssyncset.done $0x0  }
0xa4: {  	s25 =	simm.s32 $0x1B8E;
	s24 =	sld [smem:$0x3FFE];
	[sflag:s23] =	ssyncadd.s32 $0xFFFFFFFF  }
0xa5: {  	s26 =	simm.s32 $execute0_lowered;
	[smem:$0x3FD2] =	sst s25  }
0xa6: {  	s5 =	sshll.u32 s26, $0x1;
	_ =	strace $0x80000046;
	[dreg:$0x1] =	wrdreg $0xFFFFFFFF  }
0xa7: {  	s28 =	simm.s32 $_size_execute0_lowered;
	s3 =	sadd.s32 s3, s5;
	[dreg:$0x0] =	wrdreg $0x0  }
0xa8: {  	s5 =	sshll.u32 s28, $0x1;
	[dreg:$0x2] =	wrdreg s3  }
0xa9: {  	[dreg:$0x3] =	wrdreg s5  }
0xaa: {  	[dreg:$0x4] =	wrdreg $0xC0  }
0xab: {  	_ =	task [dreg:s7], $0x5FFFF  }
0xac: {  	[dreg:$0x1] =	wrdreg $0xFFFFFFFF  }
0xad: {  	[dreg:$0x0] =	wrdreg $0x60  }
0xae: {  	[dreg:$0x2] =	wrdreg s24  }
0xaf: {  	[dreg:$0x3] =	wrdreg s2  }
0xb0: {  	[dreg:$0x4] =	wrdreg $0x9  }
0xb1: {  	_ =	task.clear_ibuf [dreg:s7], $0x5FFFF;
	_ =	strace $0x90000046  }
0xb2: {  	s29 =	simm.s32 $0x9;
	_ =	strace $0x80000048  }
0xb3: {  	_ =	swait.ge [sflag:s29], $0x1  }
0xb4: {  	[sflag:s29] =	ssyncadd.s32 $0xFFFFFFFF  }
0xb5: {  	_ =	strace $0x90000048  }
0xb6: {  	_ =	sfence  }
0xb7: {  	s30 =	sld [smem:$0x0];
	_ =	sdelay $0x2  }
0xb8: {  	s31 =	sshll.u32 s1, $0xD;
	s1 =	sshrl.u32 s1, $0x2  }
0xb9: {  	s3 =	sand.u32 $0x4000, s31;
	s1 =	sadd.s32 s1, s30  }
0xba: {  	s0 =	sor.u32 s3, s0;
	s1 =	sshll.u32 s1, $0x11  }
0xbb: {  	s0 =	sor.u32 s1, s0  }
0xbc: {  	s0 =	sadd.s32 $0x8F2B, s0  }
0xbd: {  	[sflag:s0] =	ssyncadd.remote.s32 $0x1  }
0xbe: {  	_ =	sfence.sel $0xFFFF  }
0xbf: {  	[dreg:$0x0] =	wrdreg $0xFFFFFFFF;
	(pc) =	sbr.abs _section_cstart, $3  }
0xc0: {  	[dreg:$0x1] =	wrdreg $0xFFFFFFFF  }
0xc1: {  	_ =	task.clear_ibuf [dreg:s7], $0x2FFFF;
	_ =	strace $0x9FFFFFFF  }
0xc2: {  	(tm) =	ssettm $0x7FFFFFFF  }
0xc3: {  	_ =	shalt  }
tec
execute0_lowered:
.L_overlay_start_1:
0x0: {  	(tag) =	ssettag $0x1  }
0x1: {  	s0 =	stileid.u32  }
0x2: {  	s1 =	srdreg.scid;
	s6 =	rddreg [dreg:$0x0]  }
0x3: {  	s2 =	rddreg [dreg:$0x1];
	s3 =	simm.s32 $0x0;
	s10 =	smul.u32 $0x75300, s0  }
0x4: {  	s5 =	sand.u32 $0x1, s1;
	s24 =	sshll.u32 s0, $0x1;
	s29 =	smul.u32 $0x7530, s0  }
0x5: {  	s14 =	simm.s32 $0x6600;
	s1 =	sor.u32 s5, s24;
	s25 =	smul.u32 $0x3A980, s5  }
0x6: {  	s15 =	simm.s32 $0x1;
	s16 =	simm.s32 $0x3;
	s7 =	smul.u32 $0x3A98, s1  }
0x7: {  	s17 =	simm.s32 $0x0;
	[smem:$0x7FF] =	sst s3;
	s30 =	smul.u32 $0x3A98, s5  }
0x8: {  	s11 =	ssub.s32 $0x2, s5;
	s4 =	smulhi.u32 $0xD1B71759, s7;
	s8 =	sadd.s32 $0xC8, s7  }
0x9: {  	s1 =	rddreg [dreg:$0x2];
	_ =	strace $0x80000047;
	s9 =	smulhi.u32 $0xD1B71759, s8  }
0xa: {  	s13 =	sshrl.u32 s11, $0x1;
	s10 =	sadd.s32 s10, s6;
	s4 =	sshrl.u32 s4, $0x10  }
0xb: {  	s11 =	ssub.s32 s11, s13;
	s12 =	smul.u32 $0x13880, s4;
	s9 =	sshrl.u32 s9, $0x10  }
0xc: {  	s31 =	sadd.s32 s25, s10;
	s10 =	simm.s32 $0x5;
	s9 =	smul.u32 $0x13880, s9  }
.Ltmp0:
0xd: {  	s13 =	simm.s32 $0x100;
	s4 =	sadd.s32 $0x4E4000, s6;
	(pc) =	sbr.rel .LBB2_1-.Ltmp0, $4  }
0xe: {  	s26 =	sadd.s32 s7, s12;
	s12 =	simm.s32 $0x200;
	s28 =	sadd.s32 s8, s9  }
0xf: {  	s6 =	sshrl.u32 s26, $0x3;
	s8 =	sadd.s32 $0x755000, s31;
	s9 =	sadd.s32 s30, s29  }
0x10: {  	s7 =	sshrl.u32 s28, $0x3;
	s5 =	sadd.s32 s2, s6;
	s9 =	sadd.s32 $0x258, s9  }
0x11: {  	s6 =	sadd.s32 s2, s7;
	s7 =	smax.u32 s11, $0x1;
	s11 =	simm.s32 $0xC8  }
.LBB2_3:
0x12: {  	_ =	swait.ge [sflag:s16], $0x6400  }
0x13: {  	[sflag:s16] =	ssyncset.done $0x0  }
0x14: {  	[sflag:s16] =	ssyncadd.s32 $0xFFFF9C00  }
.LBB2_5:
0x15: {  	s17 =	sadd.s32 $0x1, s17  }
0x16: {  	p0 =	sne.s32 s17, s7  }
.Ltmp1:
0x17: {  	_ = 	snop;
	(pc) =	sbr.rel @!p0 .LBB2_6-.Ltmp1, $1  }
0x18: {  	_ =	sdelay $0x3  }
.LBB2_1:
0x19: {  	[tilespmem:s3], [sflag:$0x5] =	stream.linear.gather [hbm4b:s5+s3], $0xC8, $0x38;
	[tilespmem:$0xCA00] =	vst v63  }
0x1a: {  	_ =	swait.ge [sflag:s10], $0xC8  }
0x1b: {  	[sflag:s10] =	ssyncset.done $0x0  }
0x1c: {  	[sflag:s10] =	ssyncadd.s32 $0xFFFFFF38  }
0x1d: {  	[tilespmem:s12], [sflag:$0x1] =	stream.indirect.gather [hbm4b:s4+s11], $0x80, s3, s11, $0xb8;
	[tilespmem:$0xCA00] =	vst v63  }
0x1e: {  	_ = 	snop  }
0x1f: {  	[tilespmem:s13], [sflag:$0x5] =	stream.linear.gather [hbm4b:s6+s3], $0xC8, $0x38;
	[tilespmem:$0xCA00] =	vst v63  }
0x20: {  	_ =	swait.ge [sflag:s10], $0xC8  }
0x21: {  	s18 =	smov.u32 s9;
	s19 =	simm.s32 $0x1;
	[sflag:s10] =	ssyncset.done $0x0  }
0x22: {  	s20 =	simm.s32 $0x0;
	s21 =	simm.s32 $0x0;
	[sflag:s10] =	ssyncadd.s32 $0xFFFFFF38  }
0x23: {  	[tilespmem:s14], [sflag:$0x2] =	stream.indirect.gather [hbm4b:s4+s11], $0x80, s13, s11, $0xb8;
	[tilespmem:$0xCA00] =	vst v63  }
.LBB2_2:
0x24: {  	p0 =	sne.s32 s20, $0x39D00  }
.Ltmp2:
0x25: {  	_ = 	snop;
	(pc) =	sbr.rel @!p0 .LBB2_3-.Ltmp2, $4  }
0x26: {  	_ =	swait.ge [sflag:s15], $0x6400  }
0x27: {  	[sflag:s15] =	ssyncset.done $0x0  }
0x28: {  	s22 =	sadd.s32 s20, s8;
	[sflag:s15] =	ssyncadd.s32 $0xFFFF9C00  }
0x29: {  	[hbm4b:s22+s3] =	stream.linear.scatter [tilespmem:s12], [sflag:$0x3], $0x6400, $0x38;
	[tilespmem:$0xCA00] =	vst v63  }
0x2a: {  	s22 =	sadd.s32 $0xFFFFFF38, s18  }
0x2b: {  	s23 =	smulhi.u32 $0xD1B71759, s22;
	_ =	sdelay $0x1  }
0x2c: {  	s23 =	sshrl.u32 s23, $0x10  }
0x2d: {  	s23 =	smul.u32 $0x13880, s23;
	_ =	sdelay $0x1  }
0x2e: {  	s22 =	sadd.s32 s22, s23  }
0x2f: {  	s22 =	sshrl.u32 s22, $0x3  }
0x30: {  	s22 =	sadd.s32 s2, s22  }
0x31: {  	[tilespmem:s3], [sflag:$0x5] =	stream.linear.gather [hbm4b:s22+s3], $0xC8, $0x38;
	[tilespmem:$0xCA00] =	vst v63  }
0x32: {  	_ =	swait.ge [sflag:s10], $0xC8  }
0x33: {  	[sflag:s10] =	ssyncset.done $0x0  }
0x34: {  	[sflag:s10] =	ssyncadd.s32 $0xFFFFFF38  }
0x35: {  	_ =	swait.ge [sflag:s16], $0x6400  }
0x36: {  	p1 =	sgt.u32 s19, $0x4A;
	[sflag:s16] =	ssyncset.done $0x0  }
0x37: {  	p2 =	sgt.u32 @!p1 s21, $0x23;
	s22 =	simm.s32 @!p1 $0x2;
	[sflag:s16] =	ssyncadd.s32 $0xFFFF9C00  }
0x38: {  	[tilespmem:s12], [sflag:$0x1] =	stream.indirect.gather [hbm4b:s4+s11], $0x80, s3, s11, $0xb8;
	[tilespmem:$0xCA00] =	vst v63  }
0x39: {  	s24 =	simm.s32 @!p1 $0x6600;
	p0 =	por p2, p1;
	_ =	swait.ge @!p1 [sflag:s22], $0x6400  }
0x3a: {  	s25 =	smulhi.u32 @!p0 $0xD1B71759, s18;
	s23 =	sadd.s32 @!p1 s20, s8;
	[sflag:s22] =	ssyncset.done @!p1 $0x0  }
0x3b: {  	[sflag:s22] =	ssyncadd.s32 @!p1 $0xFFFF9C00;
	s22 =	sadd.s32 @!p1 $0xC80, s23;
	s23 =	simm.s32 @!p1 $0x0  }
0x3c: {  	[hbm4b:s22+s23] =	stream.linear.scatter @!p1 [tilespmem:s24], [sflag:$0x4], $0x6400, $0x38;
	[tilespmem:$0xCA00] =	vst v63  }
0x3d: {  	s22 =	sshrl.u32 @!p0 s25, $0x10  }
0x3e: {  	p1 =	por !p2, p1;
	s22 =	smul.u32 @!p0 $0x13880, s22  }
0x3f: {  	s23 =	simm.s32 @!p1 $0x4  }
0x40: {  	_ =	swait.ge @!p1 [sflag:s23], $0x6400;
	s22 =	sadd.s32 @!p0 s18, s22  }
0x41: {  	s24 =	simm.s32 @!p0 $0x100;
	[sflag:s23] =	ssyncset.done @!p1 $0x0;
	s22 =	sshrl.u32 @!p0 s22, $0x3  }
0x42: {  	[sflag:s23] =	ssyncadd.s32 @!p1 $0xFFFF9C00;
	s23 =	simm.s32 @!p0 $0x0;
	s22 =	sadd.s32 @!p0 s2, s22  }
0x43: {  	[tilespmem:s24], [sflag:$0x5] =	stream.linear.gather @!p0 [hbm4b:s22+s23], $0xC8, $0x38;
	[tilespmem:$0xCA00] =	vst v63  }
0x44: {  	s22 =	simm.s32 @!p0 $0x5  }
0x45: {  	_ =	swait.ge @!p0 [sflag:s22], $0xC8  }
0x46: {  	[sflag:s22] =	ssyncset.done @!p0 $0x0  }
0x47: {  	[sflag:s22] =	ssyncadd.s32 @!p0 $0xFFFFFF38;
	s22 =	simm.s32 @!p0 $0x4  }
0x48: {  	_ =	swait.ge @!p0 [sflag:s22], $0x6400  }
0x49: {  	s20 =	sadd.s32 $0x1900, s20;
	[sflag:s22] =	ssyncset.done @!p0 $0x0  }
0x4a: {  	s23 =	simm.s32 @!p0 $0x6600;
	[sflag:s22] =	ssyncadd.s32 @!p0 $0xFFFF9C00;
	s22 =	simm.s32 @!p0 $0xC8  }
0x4b: {  	[tilespmem:s23], [sflag:$0x2] =	stream.indirect.gather @!p0 [hbm4b:s4+s22], $0x80, s24, s22, $0xb8;
	[tilespmem:$0xCA00] =	vst v63  }
0x4c: {  	p0 =	sne.s32 s20, $0x3B600  }
.Ltmp3:
0x4d: {  	_ = 	snop;
	(pc) =	sbr.rel @p0 .LBB2_2-.Ltmp3, $4  }
.Ltmp4:
0x4e: {  	_ = 	snop;
	(pc) =	sbr.rel @!p0 .LBB2_5-.Ltmp4, $4  }
0x4f: {  	_ = 	snop  }
0x50: {  	_ = 	snop  }
0x51: {  	s19 =	sadd.s32 $0x2, s19;
	s21 =	sadd.s32 $0x1, s21;
	s18 =	sadd.s32 $0x190, s18  }
0x52: {  	_ = 	snop  }
.LBB2_6:
0x53: {  	_ =	sfence.sel $0x180000  }
0x54: {  	[bflag:$0x0] =	sbarrier.arrive $0xFFFF  }
0x55: {  	p0 =	sne.s32 s0, $0x0;
	_ =	strace $0x90000047  }
0x56: {  	s0 =	sadd.s32 @!p0 $0x100000, s1;
	[bflag:$0x2] =	sbarrier.arrive $0xFFFF  }
0x57: {  	[sflag:s0] =	ssyncadd.tile.s32 @!p0 $0x1;
	_ =	shalt  }
.Lfunc_end2:
_tile_overlayer_lowered:
.L_overlay_start_2:
0x58: {  	(tag) =	ssettag $0x2  }
0x59: {  	s0 =	rddreg [dreg:$0x0];
	s2 =	stileid.u32  }
0x5a: {  	s1 =	rddreg [dreg:$0x1];
	p0 =	sne.s32 s2, $0x0  }
0x5b: {  	s3 =	rddreg [dreg:$0x2];
	[bflag:$0x3] =	sbarrier.arrive $0xFFFF;
	s2 =	simm.s32 @!p0 $0x1C05  }
0x5c: {  	[timem:s3], [sflag:s2] =	dma.local @!p0 [hbm:s0], s1  }
0x5d: {  	s0 =	simm.s32 @!p0 $0x5  }
0x5e: {  	_ =	swait.ge @!p0 [sflag:s0], s1  }
0x5f: {  	s1 =	ssub.s32 @!p0 $0x0, s1;
	[sflag:s0] =	ssyncset.done @!p0 $0x0  }
0x60: {  	[sflag:s0] =	ssyncadd.s32 @!p0 s1  }
0x61: {  	[bflag:$0x3] =	sbarrier.arrive $0xFFFF  }
0x62: {  	_ =	shalt  }

</sc_bundles>
